<compile_context>
chip_gen: v7x
topology: tpu7x:2x2x1
jax: 0.10.2.dev20260603
libtpu: 0.0.44.dev20260713+nightly
codegen_flags: <defaults>
</compile_context>

<pallas_src>
import functools

import jax
import jax.numpy as jnp
from jax import lax
from jax.experimental import pallas as pl
from jax.experimental.pallas import tpu as pltpu
from jax.experimental.pallas import tpu_sc as plsc

VOCAB = 1000000
EMBED_DIM = 64
BATCH = 16384
HIST = 200
_PAD = 128

_NC = 2
_NS = 16
_NW = _NC * _NS
_PER_W = BATCH // _NW
_NB = 8
_LAG = 4
_NG = _PER_W // _NB


def _make_gather():
  mesh = plsc.VectorSubcoreMesh(core_axis_name="c", subcore_axis_name="s")

  @functools.partial(
      pl.kernel,
      mesh=mesh,
      out_type=jax.ShapeDtypeStruct((BATCH, HIST, _PAD), jnp.float32),
      compiler_params=pltpu.CompilerParams(use_tc_tiling_on_sc=False),
      scratch_types=[
          pltpu.VMEM((_NB, HIST), jnp.int32),
          pltpu.VMEM((_NB, HIST, EMBED_DIM), jnp.float32),
          pltpu.SemaphoreType.DMA((_NB,)),
          pltpu.SemaphoreType.DMA((_NB,)),
          pltpu.SemaphoreType.DMA((_NB,)),
      ],
  )
  def gather_kernel(table_hbm, x_hbm, out_hbm, idx_v, rows_v, sem_i,
                    sem_g, sem_s):
    wid = lax.axis_index("s") * _NC + lax.axis_index("c")
    base = wid * _PER_W

    def idx_copy(b, c):
      return pltpu.make_async_copy(x_hbm.at[base + c], idx_v.at[b], sem_i.at[b])

    def gather(b):
      return pltpu.make_async_copy(
          table_hbm.at[idx_v.at[b]], rows_v.at[b], sem_g.at[b])

    def store(b, c):
      return pltpu.make_async_copy(
          rows_v.at[b], out_hbm.at[base + c, :, pl.ds(0, EMBED_DIM)],
          sem_s.at[b])

    for b in range(_NB):
      idx_copy(b, b).start()
      idx_copy(b, b).wait()
      gather(b).start()
      if b >= _LAG:
        gather(b - _LAG).wait()
        store(b - _LAG, b - _LAG).start()
        idx_copy(b - _LAG, b - _LAG + _NB).start()

    def group(i, carry):
      for b in range(_NB):
        c = i * _NB + b
        store(b, c - _NB).wait()
        idx_copy(b, c).wait()
        gather(b).start()
        b2 = (b + _LAG) % _NB
        gather(b2).wait()
        store(b2, c - _LAG).start()

        @pl.when(c + _LAG < _PER_W)
        def _():
          idx_copy(b2, c + _LAG).start()

      return carry

    lax.fori_loop(1, _NG, group, 0)

    last = _PER_W - _NB
    for b in range(_NB - _LAG, _NB):
      gather(b).wait()
      store(b, last + b).start()
    for b in range(_NB):
      store(b, last + b).wait()

  return gather_kernel


_gather = _make_gather()


@jax.jit
def kernel(x, table):
  padded = _gather(table, x.astype(jnp.int32))
  return padded[:, :, :EMBED_DIM]

# --- scband reference (transcript-rebuilt; emitter-appended) ---
"""Pipeline reference for scband-vectorizer-55027120997042 (READ-ONLY COPY).

The authoritative reference and input builder live on the scoring server;
editing this copy changes nothing except your own understanding.
"""

import jax, jax.numpy as jnp
import numpy as np

VOCAB = 1000000
EMBED_DIM = 64
BATCH = 16384
HIST = 200


def setup_inputs(seed: int = 0) -> dict:
    key = jax.random.key(seed)
    k1, k2 = jax.random.split(key)
    x = jax.random.randint(k1, (BATCH, HIST), 0, VOCAB, dtype=jnp.int64 if jax.config.jax_enable_x64 else jnp.int32)
    table = jax.random.normal(k2, (VOCAB, EMBED_DIM), dtype=jnp.float32)
    return {"x": x, "table": table}


def reference(x, table):
    # nn.Embedding.from_pretrained(weights_matrix)(x) == table[x]
    embed = jnp.take(table, x, axis=0)
    return embed

if __name__ == "__main__":
    import jax
    _d = setup_inputs()
    print(jax.jit(kernel)(*tuple(_d.values())))

</pallas_src>

<mosaic_0001>
#map = affine_map<(d0, d1) -> (0, 0)>
#map1 = affine_map<(d0, d1) -> (0, 0, 0)>
module attributes {stable_mosaic.version = 14 : i64} {
  func.func @gather_kernel(%arg0: i32, %arg1: i32, %arg2: memref<1000000x64xf32, #tpu.memory_space<hbm>>, %arg3: memref<16384x200xi32, #tpu.memory_space<hbm>>, %arg4: memref<16384x200x128xf32, #tpu.memory_space<hbm>>, %arg5: memref<8x200xi32, #tpu.memory_space<vmem>>, %arg6: memref<8x200x64xf32, #tpu.memory_space<vmem>>, %arg7: memref<8x!tpu.dma_semaphore, #tpu.memory_space<semaphore_mem>>, %arg8: memref<8x!tpu.dma_semaphore, #tpu.memory_space<semaphore_mem>>, %arg9: memref<8x!tpu.dma_semaphore, #tpu.memory_space<semaphore_mem>>) attributes {dimension_semantics = [#tpu.dimension_semantics<core_parallel>, #tpu.dimension_semantics<subcore_parallel>], iteration_bounds = array<i64: 2, 16>, scalar_prefetch = 0 : i64, scratch_operands = 5 : i64, tpu.core_type = #tpu.core_type<sc_vector_subcore>, window_params = [{transform_indices = #map}, {transform_indices = #map}, {transform_indices = #map1}]} {
    %mul3A = arith.constant 2 : i32
    %mul3A_0 = arith.muli %arg1, %mul3A : i32
    %add3A = arith.addi %mul3A_0, %arg0 : i32
    %mul3A_1 = arith.constant 512 : i32
    %mul3A_2 = arith.muli %add3A, %mul3A_1 : i32
    %add3A_3 = arith.constant 0 : i32
    %add3A_4 = arith.addi %mul3A_2, %add3A_3 : i32
    %dma_start3A = arith.constant 0 : i32
    %dma_start3A_5 = arith.constant 0 : i32
    %dma_start3A_6 = arith.constant 0 : i32
    %dma_start3A_7 = tpu.memref_slice %arg5[%dma_start3A, %dma_start3A_6] : memref<8x200xi32, #tpu.memory_space<vmem>> -> memref<1x200xi32, #tpu.memory_space<vmem>>
    %dma_start3A_8 = tpu.memref_squeeze %dma_start3A_7 : memref<1x200xi32, #tpu.memory_space<vmem>> -> memref<200xi32, #tpu.memory_space<vmem>>
    %dma_start3A_9 = arith.constant 0 : i32
    %dma_start3A_10 = tpu.memref_slice %arg3[%add3A_4, %dma_start3A_9] : memref<16384x200xi32, #tpu.memory_space<hbm>> -> memref<1x200xi32, #tpu.memory_space<hbm>>
    %dma_start3A_11 = tpu.memref_squeeze %dma_start3A_10 : memref<1x200xi32, #tpu.memory_space<hbm>> -> memref<200xi32, #tpu.memory_space<hbm>>
    %dma_start3A_12 = tpu.memref_slice %arg7[%dma_start3A_5] : memref<8x!tpu.dma_semaphore, #tpu.memory_space<semaphore_mem>> -> memref<1x!tpu.dma_semaphore, #tpu.memory_space<semaphore_mem>>
    %dma_start3A_13 = tpu.memref_squeeze %dma_start3A_12 : memref<1x!tpu.dma_semaphore, #tpu.memory_space<semaphore_mem>> -> memref<!tpu.dma_semaphore, #tpu.memory_space<semaphore_mem>>
    %dma_start3A_14 = arith.constant 0 : i32
    %dma_start3A_15 = tpu.memref_slice %arg5[%dma_start3A, %dma_start3A_14] : memref<8x200xi32, #tpu.memory_space<vmem>> -> memref<1x200xi32, #tpu.memory_space<vmem>>
    %dma_start3A_16 = tpu.memref_squeeze %dma_start3A_15 : memref<1x200xi32, #tpu.memory_space<vmem>> -> memref<200xi32, #tpu.memory_space<vmem>>
    %dma_start3A_17 = arith.constant 0 : i32
    %dma_start3A_18 = tpu.memref_slice %arg3[%add3A_4, %dma_start3A_17] : memref<16384x200xi32, #tpu.memory_space<hbm>> -> memref<1x200xi32, #tpu.memory_space<hbm>>
    %dma_start3A_19 = tpu.memref_squeeze %dma_start3A_18 : memref<1x200xi32, #tpu.memory_space<hbm>> -> memref<200xi32, #tpu.memory_space<hbm>>
    tpu.enqueue_dma source(%dma_start3A_19 : memref<200xi32, #tpu.memory_space<hbm>>) target(%dma_start3A_16 : memref<200xi32, #tpu.memory_space<vmem>>) target_semaphore(%dma_start3A_13 : memref<!tpu.dma_semaphore, #tpu.memory_space<semaphore_mem>>)
    %add3A_20 = arith.constant 0 : i32
    %add3A_21 = arith.addi %mul3A_2, %add3A_20 : i32
    %dma_wait3A = arith.constant 0 : i32
    %dma_wait3A_22 = arith.constant 0 : i32
    %dma_wait3A_23 = arith.constant 0 : i32
    %dma_wait3A_24 = tpu.memref_slice %arg5[%dma_wait3A, %dma_wait3A_23] : memref<8x200xi32, #tpu.memory_space<vmem>> -> memref<1x200xi32, #tpu.memory_space<vmem>>
    %dma_wait3A_25 = tpu.memref_squeeze %dma_wait3A_24 : memref<1x200xi32, #tpu.memory_space<vmem>> -> memref<200xi32, #tpu.memory_space<vmem>>
    %dma_wait3A_26 = arith.constant 0 : i32
    %dma_wait3A_27 = tpu.memref_slice %arg3[%add3A_21, %dma_wait3A_26] : memref<16384x200xi32, #tpu.memory_space<hbm>> -> memref<1x200xi32, #tpu.memory_space<hbm>>
    %dma_wait3A_28 = tpu.memref_squeeze %dma_wait3A_27 : memref<1x200xi32, #tpu.memory_space<hbm>> -> memref<200xi32, #tpu.memory_space<hbm>>
    %dma_wait3A_29 = tpu.memref_slice %arg7[%dma_wait3A_22] : memref<8x!tpu.dma_semaphore, #tpu.memory_space<semaphore_mem>> -> memref<1x!tpu.dma_semaphore, #tpu.memory_space<semaphore_mem>>
    %dma_wait3A_30 = tpu.memref_squeeze %dma_wait3A_29 : memref<1x!tpu.dma_semaphore, #tpu.memory_space<semaphore_mem>> -> memref<!tpu.dma_semaphore, #tpu.memory_space<semaphore_mem>>
    %dma_wait3A_31 = arith.constant 0 : i32
    %dma_wait3A_32 = tpu.memref_slice %arg5[%dma_wait3A, %dma_wait3A_31] : memref<8x200xi32, #tpu.memory_space<vmem>> -> memref<1x200xi32, #tpu.memory_space<vmem>>
    %dma_wait3A_33 = tpu.memref_squeeze %dma_wait3A_32 : memref<1x200xi32, #tpu.memory_space<vmem>> -> memref<200xi32, #tpu.memory_space<vmem>>
    %dma_wait3A_34 = arith.constant 0 : i32
    %dma_wait3A_35 = tpu.memref_slice %arg3[%add3A_21, %dma_wait3A_34] : memref<16384x200xi32, #tpu.memory_space<hbm>> -> memref<1x200xi32, #tpu.memory_space<hbm>>
    %dma_wait3A_36 = tpu.memref_squeeze %dma_wait3A_35 : memref<1x200xi32, #tpu.memory_space<hbm>> -> memref<200xi32, #tpu.memory_space<hbm>>
    tpu.wait_dma2 semaphore(%dma_wait3A_30 : memref<!tpu.dma_semaphore, #tpu.memory_space<semaphore_mem>>) src(%dma_wait3A_36 : memref<200xi32, #tpu.memory_space<hbm>>) dst(%dma_wait3A_33 : memref<200xi32, #tpu.memory_space<vmem>>)
    %dma_start3A_37 = arith.constant 0 : i32
    %dma_start3A_38 = arith.constant 0 : i32
    %dma_start3A_39 = arith.constant 0 : i32
    %dma_start3A_40 = arith.constant 0 : i32
    %dma_start3A_41 = arith.constant 0 : i32
    %dma_start3A_42 = tpu.memref_slice %arg6[%dma_start3A_38, %dma_start3A_40, %dma_start3A_41] : memref<8x200x64xf32, #tpu.memory_space<vmem>> -> memref<1x200x64xf32, #tpu.memory_space<vmem>>
    %dma_start3A_43 = tpu.memref_squeeze %dma_start3A_42 : memref<1x200x64xf32, #tpu.memory_space<vmem>> -> memref<200x64xf32, #tpu.memory_space<vmem>>
    %dma_start3A_44 = arith.constant 0 : i32
    %dma_start3A_45 = tpu.memref_slice %arg5[%dma_start3A_37, %dma_start3A_44] : memref<8x200xi32, #tpu.memory_space<vmem>> -> memref<1x200xi32, #tpu.memory_space<vmem>>
    %dma_start3A_46 = tpu.memref_squeeze %dma_start3A_45 : memref<1x200xi32, #tpu.memory_space<vmem>> -> memref<200xi32, #tpu.memory_space<vmem>>
    %dma_start3A_47 = arith.constant 0 : i32
    %dma_start3A_48 = arith.constant 0 : i32
    %dma_start3A_49 = tpu.memref_slice %arg2[%dma_start3A_47, %dma_start3A_48] : memref<1000000x64xf32, #tpu.memory_space<hbm>> -> memref<1000000x64xf32, #tpu.memory_space<hbm>>
    %dma_start3A_50 = tpu.memref_slice %arg8[%dma_start3A_39] : memref<8x!tpu.dma_semaphore, #tpu.memory_space<semaphore_mem>> -> memref<1x!tpu.dma_semaphore, #tpu.memory_space<semaphore_mem>>
    %dma_start3A_51 = tpu.memref_squeeze %dma_start3A_50 : memref<1x!tpu.dma_semaphore, #tpu.memory_space<semaphore_mem>> -> memref<!tpu.dma_semaphore, #tpu.memory_space<semaphore_mem>>
    tpu.enqueue_indirect_dma source(%dma_start3A_49 : memref<1000000x64xf32, #tpu.memory_space<hbm>>) target(%dma_start3A_43 : memref<200x64xf32, #tpu.memory_space<vmem>>) offsets(%dma_start3A_46 : memref<200xi32, #tpu.memory_space<vmem>>) semaphore(%dma_start3A_51 : memref<!tpu.dma_semaphore, #tpu.memory_space<semaphore_mem>>)
    %add3A_52 = arith.constant 1 : i32
    %add3A_53 = arith.addi %mul3A_2, %add3A_52 : i32
    %dma_start3A_54 = arith.constant 1 : i32
    %dma_start3A_55 = arith.constant 1 : i32
    %dma_start3A_56 = arith.constant 0 : i32
    %dma_start3A_57 = tpu.memref_slice %arg5[%dma_start3A_54, %dma_start3A_56] : memref<8x200xi32, #tpu.memory_space<vmem>> -> memref<1x200xi32, #tpu.memory_space<vmem>>
    %dma_start3A_58 = tpu.memref_squeeze %dma_start3A_57 : memref<1x200xi32, #tpu.memory_space<vmem>> -> memref<200xi32, #tpu.memory_space<vmem>>
    %dma_start3A_59 = arith.constant 0 : i32
    %dma_start3A_60 = tpu.memref_slice %arg3[%add3A_53, %dma_start3A_59] : memref<16384x200xi32, #tpu.memory_space<hbm>> -> memref<1x200xi32, #tpu.memory_space<hbm>>
    %dma_start3A_61 = tpu.memref_squeeze %dma_start3A_60 : memref<1x200xi32, #tpu.memory_space<hbm>> -> memref<200xi32, #tpu.memory_space<hbm>>
    %dma_start3A_62 = tpu.memref_slice %arg7[%dma_start3A_55] : memref<8x!tpu.dma_semaphore, #tpu.memory_space<semaphore_mem>> -> memref<1x!tpu.dma_semaphore, #tpu.memory_space<semaphore_mem>>
    %dma_start3A_63 = tpu.memref_squeeze %dma_start3A_62 : memref<1x!tpu.dma_semaphore, #tpu.memory_space<semaphore_mem>> -> memref<!tpu.dma_semaphore, #tpu.memory_space<semaphore_mem>>
    %dma_start3A_64 = arith.constant 0 : i32
    %dma_start3A_65 = tpu.memref_slice %arg5[%dma_start3A_54, %dma_start3A_64] : memref<8x200xi32, #tpu.memory_space<vmem>> -> memref<1x200xi32, #tpu.memory_space<vmem>>
    %dma_start3A_66 = tpu.memref_squeeze %dma_start3A_65 : memref<1x200xi32, #tpu.memory_space<vmem>> -> memref<200xi32, #tpu.memory_space<vmem>>
    %dma_start3A_67 = arith.constant 0 : i32
    %dma_start3A_68 = tpu.memref_slice %arg3[%add3A_53, %dma_start3A_67] : memref<16384x200xi32, #tpu.memory_space<hbm>> -> memref<1x200xi32, #tpu.memory_space<hbm>>
    %dma_start3A_69 = tpu.memref_squeeze %dma_start3A_68 : memref<1x200xi32, #tpu.memory_space<hbm>> -> memref<200xi32, #tpu.memory_space<hbm>>
    tpu.enqueue_dma source(%dma_start3A_69 : memref<200xi32, #tpu.memory_space<hbm>>) target(%dma_start3A_66 : memref<200xi32, #tpu.memory_space<vmem>>) target_semaphore(%dma_start3A_63 : memref<!tpu.dma_semaphore, #tpu.memory_space<semaphore_mem>>)
    %add3A_70 = arith.constant 1 : i32
    %add3A_71 = arith.addi %mul3A_2, %add3A_70 : i32
    %dma_wait3A_72 = arith.constant 1 : i32
    %dma_wait3A_73 = arith.constant 1 : i32
    %dma_wait3A_74 = arith.constant 0 : i32
    %dma_wait3A_75 = tpu.memref_slice %arg5[%dma_wait3A_72, %dma_wait3A_74] : memref<8x200xi32, #tpu.memory_space<vmem>> -> memref<1x200xi32, #tpu.memory_space<vmem>>
    %dma_wait3A_76 = tpu.memref_squeeze %dma_wait3A_75 : memref<1x200xi32, #tpu.memory_space<vmem>> -> memref<200xi32, #tpu.memory_space<vmem>>
    %dma_wait3A_77 = arith.constant 0 : i32
    %dma_wait3A_78 = tpu.memref_slice %arg3[%add3A_71, %dma_wait3A_77] : memref<16384x200xi32, #tpu.memory_space<hbm>> -> memref<1x200xi32, #tpu.memory_space<hbm>>
    %dma_wait3A_79 = tpu.memref_squeeze %dma_wait3A_78 : memref<1x200xi32, #tpu.memory_space<hbm>> -> memref<200xi32, #tpu.memory_space<hbm>>
    %dma_wait3A_80 = tpu.memref_slice %arg7[%dma_wait3A_73] : memref<8x!tpu.dma_semaphore, #tpu.memory_space<semaphore_mem>> -> memref<1x!tpu.dma_semaphore, #tpu.memory_space<semaphore_mem>>
    %dma_wait3A_81 = tpu.memref_squeeze %dma_wait3A_80 : memref<1x!tpu.dma_semaphore, #tpu.memory_space<semaphore_mem>> -> memref<!tpu.dma_semaphore, #tpu.memory_space<semaphore_mem>>
    %dma_wait3A_82 = arith.constant 0 : i32
    %dma_wait3A_83 = tpu.memref_slice %arg5[%dma_wait3A_72, %dma_wait3A_82] : memref<8x200xi32, #tpu.memory_space<vmem>> -> memref<1x200xi32, #tpu.memory_space<vmem>>
    %dma_wait3A_84 = tpu.memref_squeeze %dma_wait3A_83 : memref<1x200xi32, #tpu.memory_space<vmem>> -> memref<200xi32, #tpu.memory_space<vmem>>
    %dma_wait3A_85 = arith.constant 0 : i32
    %dma_wait3A_86 = tpu.memref_slice %arg3[%add3A_71, %dma_wait3A_85] : memref<16384x200xi32, #tpu.memory_space<hbm>> -> memref<1x200xi32, #tpu.memory_space<hbm>>
    %dma_wait3A_87 = tpu.memref_squeeze %dma_wait3A_86 : memref<1x200xi32, #tpu.memory_space<hbm>> -> memref<200xi32, #tpu.memory_space<hbm>>
    tpu.wait_dma2 semaphore(%dma_wait3A_81 : memref<!tpu.dma_semaphore, #tpu.memory_space<semaphore_mem>>) src(%dma_wait3A_87 : memref<200xi32, #tpu.memory_space<hbm>>) dst(%dma_wait3A_84 : memref<200xi32, #tpu.memory_space<vmem>>)
    %dma_start3A_88 = arith.constant 1 : i32
    %dma_start3A_89 = arith.constant 1 : i32
    %dma_start3A_90 = arith.constant 1 : i32
    %dma_start3A_91 = arith.constant 0 : i32
    %dma_start3A_92 = arith.constant 0 : i32
    %dma_start3A_93 = tpu.memref_slice %arg6[%dma_start3A_89, %dma_start3A_91, %dma_start3A_92] : memref<8x200x64xf32, #tpu.memory_space<vmem>> -> memref<1x200x64xf32, #tpu.memory_space<vmem>>
    %dma_start3A_94 = tpu.memref_squeeze %dma_start3A_93 : memref<1x200x64xf32, #tpu.memory_space<vmem>> -> memref<200x64xf32, #tpu.memory_space<vmem>>
    %dma_start3A_95 = arith.constant 0 : i32
    %dma_start3A_96 = tpu.memref_slice %arg5[%dma_start3A_88, %dma_start3A_95] : memref<8x200xi32, #tpu.memory_space<vmem>> -> memref<1x200xi32, #tpu.memory_space<vmem>>
    %dma_start3A_97 = tpu.memref_squeeze %dma_start3A_96 : memref<1x200xi32, #tpu.memory_space<vmem>> -> memref<200xi32, #tpu.memory_space<vmem>>
    %dma_start3A_98 = arith.constant 0 : i32
    %dma_start3A_99 = arith.constant 0 : i32
    %dma_start3A_100 = tpu.memref_slice %arg2[%dma_start3A_98, %dma_start3A_99] : memref<1000000x64xf32, #tpu.memory_space<hbm>> -> memref<1000000x64xf32, #tpu.memory_space<hbm>>
    %dma_start3A_101 = tpu.memref_slice %arg8[%dma_start3A_90] : memref<8x!tpu.dma_semaphore, #tpu.memory_space<semaphore_mem>> -> memref<1x!tpu.dma_semaphore, #tpu.memory_space<semaphore_mem>>
    %dma_start3A_102 = tpu.memref_squeeze %dma_start3A_101 : memref<1x!tpu.dma_semaphore, #tpu.memory_space<semaphore_mem>> -> memref<!tpu.dma_semaphore, #tpu.memory_space<semaphore_mem>>
    tpu.enqueue_indirect_dma source(%dma_start3A_100 : memref<1000000x64xf32, #tpu.memory_space<hbm>>) target(%dma_start3A_94 : memref<200x64xf32, #tpu.memory_space<vmem>>) offsets(%dma_start3A_97 : memref<200xi32, #tpu.memory_space<vmem>>) semaphore(%dma_start3A_102 : memref<!tpu.dma_semaphore, #tpu.memory_space<semaphore_mem>>)
    %add3A_103 = arith.constant 2 : i32
    %add3A_104 = arith.addi %mul3A_2, %add3A_103 : i32
    %dma_start3A_105 = arith.constant 2 : i32
    %dma_start3A_106 = arith.constant 2 : i32
    %dma_start3A_107 = arith.constant 0 : i32
    %dma_start3A_108 = tpu.memref_slice %arg5[%dma_start3A_105, %dma_start3A_107] : memref<8x200xi32, #tpu.memory_space<vmem>> -> memref<1x200xi32, #tpu.memory_space<vmem>>
    %dma_start3A_109 = tpu.memref_squeeze %dma_start3A_108 : memref<1x200xi32, #tpu.memory_space<vmem>> -> memref<200xi32, #tpu.memory_space<vmem>>
    %dma_start3A_110 = arith.constant 0 : i32
    %dma_start3A_111 = tpu.memref_slice %arg3[%add3A_104, %dma_start3A_110] : memref<16384x200xi32, #tpu.memory_space<hbm>> -> memref<1x200xi32, #tpu.memory_space<hbm>>
    %dma_start3A_112 = tpu.memref_squeeze %dma_start3A_111 : memref<1x200xi32, #tpu.memory_space<hbm>> -> memref<200xi32, #tpu.memory_space<hbm>>
    %dma_start3A_113 = tpu.memref_slice %arg7[%dma_start3A_106] : memref<8x!tpu.dma_semaphore, #tpu.memory_space<semaphore_mem>> -> memref<1x!tpu.dma_semaphore, #tpu.memory_space<semaphore_mem>>
    %dma_start3A_114 = tpu.memref_squeeze %dma_start3A_113 : memref<1x!tpu.dma_semaphore, #tpu.memory_space<semaphore_mem>> -> memref<!tpu.dma_semaphore, #tpu.memory_space<semaphore_mem>>
    %dma_start3A_115 = arith.constant 0 : i32
    %dma_start3A_116 = tpu.memref_slice %arg5[%dma_start3A_105, %dma_start3A_115] : memref<8x200xi32, #tpu.memory_space<vmem>> -> memref<1x200xi32, #tpu.memory_space<vmem>>
    %dma_start3A_117 = tpu.memref_squeeze %dma_start3A_116 : memref<1x200xi32, #tpu.memory_space<vmem>> -> memref<200xi32, #tpu.memory_space<vmem>>
    %dma_start3A_118 = arith.constant 0 : i32
    %dma_start3A_119 = tpu.memref_slice %arg3[%add3A_104, %dma_start3A_118] : memref<16384x200xi32, #tpu.memory_space<hbm>> -> memref<1x200xi32, #tpu.memory_space<hbm>>
    %dma_start3A_120 = tpu.memref_squeeze %dma_start3A_119 : memref<1x200xi32, #tpu.memory_space<hbm>> -> memref<200xi32, #tpu.memory_space<hbm>>
    tpu.enqueue_dma source(%dma_start3A_120 : memref<200xi32, #tpu.memory_space<hbm>>) target(%dma_start3A_117 : memref<200xi32, #tpu.memory_space<vmem>>) target_semaphore(%dma_start3A_114 : memref<!tpu.dma_semaphore, #tpu.memory_space<semaphore_mem>>)
    %add3A_121 = arith.constant 2 : i32
    %add3A_122 = arith.addi %mul3A_2, %add3A_121 : i32
    %dma_wait3A_123 = arith.constant 2 : i32
    %dma_wait3A_124 = arith.constant 2 : i32
    %dma_wait3A_125 = arith.constant 0 : i32
    %dma_wait3A_126 = tpu.memref_slice %arg5[%dma_wait3A_123, %dma_wait3A_125] : memref<8x200xi32, #tpu.memory_space<vmem>> -> memref<1x200xi32, #tpu.memory_space<vmem>>
    %dma_wait3A_127 = tpu.memref_squeeze %dma_wait3A_126 : memref<1x200xi32, #tpu.memory_space<vmem>> -> memref<200xi32, #tpu.memory_space<vmem>>
    %dma_wait3A_128 = arith.constant 0 : i32
    %dma_wait3A_129 = tpu.memref_slice %arg3[%add3A_122, %dma_wait3A_128] : memref<16384x200xi32, #tpu.memory_space<hbm>> -> memref<1x200xi32, #tpu.memory_space<hbm>>
    %dma_wait3A_130 = tpu.memref_squeeze %dma_wait3A_129 : memref<1x200xi32, #tpu.memory_space<hbm>> -> memref<200xi32, #tpu.memory_space<hbm>>
    %dma_wait3A_131 = tpu.memref_slice %arg7[%dma_wait3A_124] : memref<8x!tpu.dma_semaphore, #tpu.memory_space<semaphore_mem>> -> memref<1x!tpu.dma_semaphore, #tpu.memory_space<semaphore_mem>>
    %dma_wait3A_132 = tpu.memref_squeeze %dma_wait3A_131 : memref<1x!tpu.dma_semaphore, #tpu.memory_space<semaphore_mem>> -> memref<!tpu.dma_semaphore, #tpu.memory_space<semaphore_mem>>
    %dma_wait3A_133 = arith.constant 0 : i32
    %dma_wait3A_134 = tpu.memref_slice %arg5[%dma_wait3A_123, %dma_wait3A_133] : memref<8x200xi32, #tpu.memory_space<vmem>> -> memref<1x200xi32, #tpu.memory_space<vmem>>
    %dma_wait3A_135 = tpu.memref_squeeze %dma_wait3A_134 : memref<1x200xi32, #tpu.memory_space<vmem>> -> memref<200xi32, #tpu.memory_space<vmem>>
    %dma_wait3A_136 = arith.constant 0 : i32
    %dma_wait3A_137 = tpu.memref_slice %arg3[%add3A_122, %dma_wait3A_136] : memref<16384x200xi32, #tpu.memory_space<hbm>> -> memref<1x200xi32, #tpu.memory_space<hbm>>
    %dma_wait3A_138 = tpu.memref_squeeze %dma_wait3A_137 : memref<1x200xi32, #tpu.memory_space<hbm>> -> memref<200xi32, #tpu.memory_space<hbm>>
    tpu.wait_dma2 semaphore(%dma_wait3A_132 : memref<!tpu.dma_semaphore, #tpu.memory_space<semaphore_mem>>) src(%dma_wait3A_138 : memref<200xi32, #tpu.memory_space<hbm>>) dst(%dma_wait3A_135 : memref<200xi32, #tpu.memory_space<vmem>>)
    %dma_start3A_139 = arith.constant 2 : i32
    %dma_start3A_140 = arith.constant 2 : i32
    %dma_start3A_141 = arith.constant 2 : i32
    %dma_start3A_142 = arith.constant 0 : i32
    %dma_start3A_143 = arith.constant 0 : i32
    %dma_start3A_144 = tpu.memref_slice %arg6[%dma_start3A_140, %dma_start3A_142, %dma_start3A_143] : memref<8x200x64xf32, #tpu.memory_space<vmem>> -> memref<1x200x64xf32, #tpu.memory_space<vmem>>
    %dma_start3A_145 = tpu.memref_squeeze %dma_start3A_144 : memref<1x200x64xf32, #tpu.memory_space<vmem>> -> memref<200x64xf32, #tpu.memory_space<vmem>>
    %dma_start3A_146 = arith.constant 0 : i32
    %dma_start3A_147 = tpu.memref_slice %arg5[%dma_start3A_139, %dma_start3A_146] : memref<8x200xi32, #tpu.memory_space<vmem>> -> memref<1x200xi32, #tpu.memory_space<vmem>>
    %dma_start3A_148 = tpu.memref_squeeze %dma_start3A_147 : memref<1x200xi32, #tpu.memory_space<vmem>> -> memref<200xi32, #tpu.memory_space<vmem>>
    %dma_start3A_149 = arith.constant 0 : i32
    %dma_start3A_150 = arith.constant 0 : i32
    %dma_start3A_151 = tpu.memref_slice %arg2[%dma_start3A_149, %dma_start3A_150] : memref<1000000x64xf32, #tpu.memory_space<hbm>> -> memref<1000000x64xf32, #tpu.memory_space<hbm>>
    %dma_start3A_152 = tpu.memref_slice %arg8[%dma_start3A_141] : memref<8x!tpu.dma_semaphore, #tpu.memory_space<semaphore_mem>> -> memref<1x!tpu.dma_semaphore, #tpu.memory_space<semaphore_mem>>
    %dma_start3A_153 = tpu.memref_squeeze %dma_start3A_152 : memref<1x!tpu.dma_semaphore, #tpu.memory_space<semaphore_mem>> -> memref<!tpu.dma_semaphore, #tpu.memory_space<semaphore_mem>>
    tpu.enqueue_indirect_dma source(%dma_start3A_151 : memref<1000000x64xf32, #tpu.memory_space<hbm>>) target(%dma_start3A_145 : memref<200x64xf32, #tpu.memory_space<vmem>>) offsets(%dma_start3A_148 : memref<200xi32, #tpu.memory_space<vmem>>) semaphore(%dma_start3A_153 : memref<!tpu.dma_semaphore, #tpu.memory_space<semaphore_mem>>)
    %add3A_154 = arith.constant 3 : i32
    %add3A_155 = arith.addi %mul3A_2, %add3A_154 : i32
    %dma_start3A_156 = arith.constant 3 : i32
    %dma_start3A_157 = arith.constant 3 : i32
    %dma_start3A_158 = arith.constant 0 : i32
    %dma_start3A_159 = tpu.memref_slice %arg5[%dma_start3A_156, %dma_start3A_158] : memref<8x200xi32, #tpu.memory_space<vmem>> -> memref<1x200xi32, #tpu.memory_space<vmem>>
    %dma_start3A_160 = tpu.memref_squeeze %dma_start3A_159 : memref<1x200xi32, #tpu.memory_space<vmem>> -> memref<200xi32, #tpu.memory_space<vmem>>
    %dma_start3A_161 = arith.constant 0 : i32
    %dma_start3A_162 = tpu.memref_slice %arg3[%add3A_155, %dma_start3A_161] : memref<16384x200xi32, #tpu.memory_space<hbm>> -> memref<1x200xi32, #tpu.memory_space<hbm>>
    %dma_start3A_163 = tpu.memref_squeeze %dma_start3A_162 : memref<1x200xi32, #tpu.memory_space<hbm>> -> memref<200xi32, #tpu.memory_space<hbm>>
    %dma_start3A_164 = tpu.memref_slice %arg7[%dma_start3A_157] : memref<8x!tpu.dma_semaphore, #tpu.memory_space<semaphore_mem>> -> memref<1x!tpu.dma_semaphore, #tpu.memory_space<semaphore_mem>>
    %dma_start3A_165 = tpu.memref_squeeze %dma_start3A_164 : memref<1x!tpu.dma_semaphore, #tpu.memory_space<semaphore_mem>> -> memref<!tpu.dma_semaphore, #tpu.memory_space<semaphore_mem>>
    %dma_start3A_166 = arith.constant 0 : i32
    %dma_start3A_167 = tpu.memref_slice %arg5[%dma_start3A_156, %dma_start3A_166] : memref<8x200xi32, #tpu.memory_space<vmem>> -> memref<1x200xi32, #tpu.memory_space<vmem>>
    %dma_start3A_168 = tpu.memref_squeeze %dma_start3A_167 : memref<1x200xi32, #tpu.memory_space<vmem>> -> memref<200xi32, #tpu.memory_space<vmem>>
    %dma_start3A_169 = arith.constant 0 : i32
    %dma_start3A_170 = tpu.memref_slice %arg3[%add3A_155, %dma_start3A_169] : memref<16384x200xi32, #tpu.memory_space<hbm>> -> memref<1x200xi32, #tpu.memory_space<hbm>>
    %dma_start3A_171 = tpu.memref_squeeze %dma_start3A_170 : memref<1x200xi32, #tpu.memory_space<hbm>> -> memref<200xi32, #tpu.memory_space<hbm>>
    tpu.enqueue_dma source(%dma_start3A_171 : memref<200xi32, #tpu.memory_space<hbm>>) target(%dma_start3A_168 : memref<200xi32, #tpu.memory_space<vmem>>) target_semaphore(%dma_start3A_165 : memref<!tpu.dma_semaphore, #tpu.memory_space<semaphore_mem>>)
    %add3A_172 = arith.constant 3 : i32
    %add3A_173 = arith.addi %mul3A_2, %add3A_172 : i32
    %dma_wait3A_174 = arith.constant 3 : i32
    %dma_wait3A_175 = arith.constant 3 : i32
    %dma_wait3A_176 = arith.constant 0 : i32
    %dma_wait3A_177 = tpu.memref_slice %arg5[%dma_wait3A_174, %dma_wait3A_176] : memref<8x200xi32, #tpu.memory_space<vmem>> -> memref<1x200xi32, #tpu.memory_space<vmem>>
    %dma_wait3A_178 = tpu.memref_squeeze %dma_wait3A_177 : memref<1x200xi32, #tpu.memory_space<vmem>> -> memref<200xi32, #tpu.memory_space<vmem>>
    %dma_wait3A_179 = arith.constant 0 : i32
    %dma_wait3A_180 = tpu.memref_slice %arg3[%add3A_173, %dma_wait3A_179] : memref<16384x200xi32, #tpu.memory_space<hbm>> -> memref<1x200xi32, #tpu.memory_space<hbm>>
    %dma_wait3A_181 = tpu.memref_squeeze %dma_wait3A_180 : memref<1x200xi32, #tpu.memory_space<hbm>> -> memref<200xi32, #tpu.memory_space<hbm>>
    %dma_wait3A_182 = tpu.memref_slice %arg7[%dma_wait3A_175] : memref<8x!tpu.dma_semaphore, #tpu.memory_space<semaphore_mem>> -> memref<1x!tpu.dma_semaphore, #tpu.memory_space<semaphore_mem>>
    %dma_wait3A_183 = tpu.memref_squeeze %dma_wait3A_182 : memref<1x!tpu.dma_semaphore, #tpu.memory_space<semaphore_mem>> -> memref<!tpu.dma_semaphore, #tpu.memory_space<semaphore_mem>>
    %dma_wait3A_184 = arith.constant 0 : i32
    %dma_wait3A_185 = tpu.memref_slice %arg5[%dma_wait3A_174, %dma_wait3A_184] : memref<8x200xi32, #tpu.memory_space<vmem>> -> memref<1x200xi32, #tpu.memory_space<vmem>>
    %dma_wait3A_186 = tpu.memref_squeeze %dma_wait3A_185 : memref<1x200xi32, #tpu.memory_space<vmem>> -> memref<200xi32, #tpu.memory_space<vmem>>
    %dma_wait3A_187 = arith.constant 0 : i32
    %dma_wait3A_188 = tpu.memref_slice %arg3[%add3A_173, %dma_wait3A_187] : memref<16384x200xi32, #tpu.memory_space<hbm>> -> memref<1x200xi32, #tpu.memory_space<hbm>>
    %dma_wait3A_189 = tpu.memref_squeeze %dma_wait3A_188 : memref<1x200xi32, #tpu.memory_space<hbm>> -> memref<200xi32, #tpu.memory_space<hbm>>
    tpu.wait_dma2 semaphore(%dma_wait3A_183 : memref<!tpu.dma_semaphore, #tpu.memory_space<semaphore_mem>>) src(%dma_wait3A_189 : memref<200xi32, #tpu.memory_space<hbm>>) dst(%dma_wait3A_186 : memref<200xi32, #tpu.memory_space<vmem>>)
    %dma_start3A_190 = arith.constant 3 : i32
    %dma_start3A_191 = arith.constant 3 : i32
    %dma_start3A_192 = arith.constant 3 : i32
    %dma_start3A_193 = arith.constant 0 : i32
    %dma_start3A_194 = arith.constant 0 : i32
    %dma_start3A_195 = tpu.memref_slice %arg6[%dma_start3A_191, %dma_start3A_193, %dma_start3A_194] : memref<8x200x64xf32, #tpu.memory_space<vmem>> -> memref<1x200x64xf32, #tpu.memory_space<vmem>>
    %dma_start3A_196 = tpu.memref_squeeze %dma_start3A_195 : memref<1x200x64xf32, #tpu.memory_space<vmem>> -> memref<200x64xf32, #tpu.memory_space<vmem>>
    %dma_start3A_197 = arith.constant 0 : i32
    %dma_start3A_198 = tpu.memref_slice %arg5[%dma_start3A_190, %dma_start3A_197] : memref<8x200xi32, #tpu.memory_space<vmem>> -> memref<1x200xi32, #tpu.memory_space<vmem>>
    %dma_start3A_199 = tpu.memref_squeeze %dma_start3A_198 : memref<1x200xi32, #tpu.memory_space<vmem>> -> memref<200xi32, #tpu.memory_space<vmem>>
    %dma_start3A_200 = arith.constant 0 : i32
    %dma_start3A_201 = arith.constant 0 : i32
    %dma_start3A_202 = tpu.memref_slice %arg2[%dma_start3A_200, %dma_start3A_201] : memref<1000000x64xf32, #tpu.memory_space<hbm>> -> memref<1000000x64xf32, #tpu.memory_space<hbm>>
    %dma_start3A_203 = tpu.memref_slice %arg8[%dma_start3A_192] : memref<8x!tpu.dma_semaphore, #tpu.memory_space<semaphore_mem>> -> memref<1x!tpu.dma_semaphore, #tpu.memory_space<semaphore_mem>>
    %dma_start3A_204 = tpu.memref_squeeze %dma_start3A_203 : memref<1x!tpu.dma_semaphore, #tpu.memory_space<semaphore_mem>> -> memref<!tpu.dma_semaphore, #tpu.memory_space<semaphore_mem>>
    tpu.enqueue_indirect_dma source(%dma_start3A_202 : memref<1000000x64xf32, #tpu.memory_space<hbm>>) target(%dma_start3A_196 : memref<200x64xf32, #tpu.memory_space<vmem>>) offsets(%dma_start3A_199 : memref<200xi32, #tpu.memory_space<vmem>>) semaphore(%dma_start3A_204 : memref<!tpu.dma_semaphore, #tpu.memory_space<semaphore_mem>>)
    %add3A_205 = arith.constant 4 : i32
    %add3A_206 = arith.addi %mul3A_2, %add3A_205 : i32
    %dma_start3A_207 = arith.constant 4 : i32
    %dma_start3A_208 = arith.constant 4 : i32
    %dma_start3A_209 = arith.constant 0 : i32
    %dma_start3A_210 = tpu.memref_slice %arg5[%dma_start3A_207, %dma_start3A_209] : memref<8x200xi32, #tpu.memory_space<vmem>> -> memref<1x200xi32, #tpu.memory_space<vmem>>
    %dma_start3A_211 = tpu.memref_squeeze %dma_start3A_210 : memref<1x200xi32, #tpu.memory_space<vmem>> -> memref<200xi32, #tpu.memory_space<vmem>>
    %dma_start3A_212 = arith.constant 0 : i32
    %dma_start3A_213 = tpu.memref_slice %arg3[%add3A_206, %dma_start3A_212] : memref<16384x200xi32, #tpu.memory_space<hbm>> -> memref<1x200xi32, #tpu.memory_space<hbm>>
    %dma_start3A_214 = tpu.memref_squeeze %dma_start3A_213 : memref<1x200xi32, #tpu.memory_space<hbm>> -> memref<200xi32, #tpu.memory_space<hbm>>
    %dma_start3A_215 = tpu.memref_slice %arg7[%dma_start3A_208] : memref<8x!tpu.dma_semaphore, #tpu.memory_space<semaphore_mem>> -> memref<1x!tpu.dma_semaphore, #tpu.memory_space<semaphore_mem>>
    %dma_start3A_216 = tpu.memref_squeeze %dma_start3A_215 : memref<1x!tpu.dma_semaphore, #tpu.memory_space<semaphore_mem>> -> memref<!tpu.dma_semaphore, #tpu.memory_space<semaphore_mem>>
    %dma_start3A_217 = arith.constant 0 : i32
    %dma_start3A_218 = tpu.memref_slice %arg5[%dma_start3A_207, %dma_start3A_217] : memref<8x200xi32, #tpu.memory_space<vmem>> -> memref<1x200xi32, #tpu.memory_space<vmem>>
    %dma_start3A_219 = tpu.memref_squeeze %dma_start3A_218 : memref<1x200xi32, #tpu.memory_space<vmem>> -> memref<200xi32, #tpu.memory_space<vmem>>
    %dma_start3A_220 = arith.constant 0 : i32
    %dma_start3A_221 = tpu.memref_slice %arg3[%add3A_206, %dma_start3A_220] : memref<16384x200xi32, #tpu.memory_space<hbm>> -> memref<1x200xi32, #tpu.memory_space<hbm>>
    %dma_start3A_222 = tpu.memref_squeeze %dma_start3A_221 : memref<1x200xi32, #tpu.memory_space<hbm>> -> memref<200xi32, #tpu.memory_space<hbm>>
    tpu.enqueue_dma source(%dma_start3A_222 : memref<200xi32, #tpu.memory_space<hbm>>) target(%dma_start3A_219 : memref<200xi32, #tpu.memory_space<vmem>>) target_semaphore(%dma_start3A_216 : memref<!tpu.dma_semaphore, #tpu.memory_space<semaphore_mem>>)
    %add3A_223 = arith.constant 4 : i32
    %add3A_224 = arith.addi %mul3A_2, %add3A_223 : i32
    %dma_wait3A_225 = arith.constant 4 : i32
    %dma_wait3A_226 = arith.constant 4 : i32
    %dma_wait3A_227 = arith.constant 0 : i32
    %dma_wait3A_228 = tpu.memref_slice %arg5[%dma_wait3A_225, %dma_wait3A_227] : memref<8x200xi32, #tpu.memory_space<vmem>> -> memref<1x200xi32, #tpu.memory_space<vmem>>
    %dma_wait3A_229 = tpu.memref_squeeze %dma_wait3A_228 : memref<1x200xi32, #tpu.memory_space<vmem>> -> memref<200xi32, #tpu.memory_space<vmem>>
    %dma_wait3A_230 = arith.constant 0 : i32
    %dma_wait3A_231 = tpu.memref_slice %arg3[%add3A_224, %dma_wait3A_230] : memref<16384x200xi32, #tpu.memory_space<hbm>> -> memref<1x200xi32, #tpu.memory_space<hbm>>
    %dma_wait3A_232 = tpu.memref_squeeze %dma_wait3A_231 : memref<1x200xi32, #tpu.memory_space<hbm>> -> memref<200xi32, #tpu.memory_space<hbm>>
    %dma_wait3A_233 = tpu.memref_slice %arg7[%dma_wait3A_226] : memref<8x!tpu.dma_semaphore, #tpu.memory_space<semaphore_mem>> -> memref<1x!tpu.dma_semaphore, #tpu.memory_space<semaphore_mem>>
    %dma_wait3A_234 = tpu.memref_squeeze %dma_wait3A_233 : memref<1x!tpu.dma_semaphore, #tpu.memory_space<semaphore_mem>> -> memref<!tpu.dma_semaphore, #tpu.memory_space<semaphore_mem>>
    %dma_wait3A_235 = arith.constant 0 : i32
    %dma_wait3A_236 = tpu.memref_slice %arg5[%dma_wait3A_225, %dma_wait3A_235] : memref<8x200xi32, #tpu.memory_space<vmem>> -> memref<1x200xi32, #tpu.memory_space<vmem>>
    %dma_wait3A_237 = tpu.memref_squeeze %dma_wait3A_236 : memref<1x200xi32, #tpu.memory_space<vmem>> -> memref<200xi32, #tpu.memory_space<vmem>>
    %dma_wait3A_238 = arith.constant 0 : i32
    %dma_wait3A_239 = tpu.memref_slice %arg3[%add3A_224, %dma_wait3A_238] : memref<16384x200xi32, #tpu.memory_space<hbm>> -> memref<1x200xi32, #tpu.memory_space<hbm>>
    %dma_wait3A_240 = tpu.memref_squeeze %dma_wait3A_239 : memref<1x200xi32, #tpu.memory_space<hbm>> -> memref<200xi32, #tpu.memory_space<hbm>>
    tpu.wait_dma2 semaphore(%dma_wait3A_234 : memref<!tpu.dma_semaphore, #tpu.memory_space<semaphore_mem>>) src(%dma_wait3A_240 : memref<200xi32, #tpu.memory_space<hbm>>) dst(%dma_wait3A_237 : memref<200xi32, #tpu.memory_space<vmem>>)
    %dma_start3A_241 = arith.constant 4 : i32
    %dma_start3A_242 = arith.constant 4 : i32
    %dma_start3A_243 = arith.constant 4 : i32
    %dma_start3A_244 = arith.constant 0 : i32
    %dma_start3A_245 = arith.constant 0 : i32
    %dma_start3A_246 = tpu.memref_slice %arg6[%dma_start3A_242, %dma_start3A_244, %dma_start3A_245] : memref<8x200x64xf32, #tpu.memory_space<vmem>> -> memref<1x200x64xf32, #tpu.memory_space<vmem>>
    %dma_start3A_247 = tpu.memref_squeeze %dma_start3A_246 : memref<1x200x64xf32, #tpu.memory_space<vmem>> -> memref<200x64xf32, #tpu.memory_space<vmem>>
    %dma_start3A_248 = arith.constant 0 : i32
    %dma_start3A_249 = tpu.memref_slice %arg5[%dma_start3A_241, %dma_start3A_248] : memref<8x200xi32, #tpu.memory_space<vmem>> -> memref<1x200xi32, #tpu.memory_space<vmem>>
    %dma_start3A_250 = tpu.memref_squeeze %dma_start3A_249 : memref<1x200xi32, #tpu.memory_space<vmem>> -> memref<200xi32, #tpu.memory_space<vmem>>
    %dma_start3A_251 = arith.constant 0 : i32
    %dma_start3A_252 = arith.constant 0 : i32
    %dma_start3A_253 = tpu.memref_slice %arg2[%dma_start3A_251, %dma_start3A_252] : memref<1000000x64xf32, #tpu.memory_space<hbm>> -> memref<1000000x64xf32, #tpu.memory_space<hbm>>
    %dma_start3A_254 = tpu.memref_slice %arg8[%dma_start3A_243] : memref<8x!tpu.dma_semaphore, #tpu.memory_space<semaphore_mem>> -> memref<1x!tpu.dma_semaphore, #tpu.memory_space<semaphore_mem>>
    %dma_start3A_255 = tpu.memref_squeeze %dma_start3A_254 : memref<1x!tpu.dma_semaphore, #tpu.memory_space<semaphore_mem>> -> memref<!tpu.dma_semaphore, #tpu.memory_space<semaphore_mem>>
    tpu.enqueue_indirect_dma source(%dma_start3A_253 : memref<1000000x64xf32, #tpu.memory_space<hbm>>) target(%dma_start3A_247 : memref<200x64xf32, #tpu.memory_space<vmem>>) offsets(%dma_start3A_250 : memref<200xi32, #tpu.memory_space<vmem>>) semaphore(%dma_start3A_255 : memref<!tpu.dma_semaphore, #tpu.memory_space<semaphore_mem>>)
    %dma_wait3A_256 = arith.constant 0 : i32
    %dma_wait3A_257 = arith.constant 0 : i32
    %dma_wait3A_258 = arith.constant 0 : i32
    %dma_wait3A_259 = arith.constant 0 : i32
    %dma_wait3A_260 = arith.constant 0 : i32
    %dma_wait3A_261 = tpu.memref_slice %arg6[%dma_wait3A_257, %dma_wait3A_259, %dma_wait3A_260] : memref<8x200x64xf32, #tpu.memory_space<vmem>> -> memref<1x200x64xf32, #tpu.memory_space<vmem>>
    %dma_wait3A_262 = tpu.memref_squeeze %dma_wait3A_261 : memref<1x200x64xf32, #tpu.memory_space<vmem>> -> memref<200x64xf32, #tpu.memory_space<vmem>>
    %dma_wait3A_263 = arith.constant 0 : i32
    %dma_wait3A_264 = tpu.memref_slice %arg5[%dma_wait3A_256, %dma_wait3A_263] : memref<8x200xi32, #tpu.memory_space<vmem>> -> memref<1x200xi32, #tpu.memory_space<vmem>>
    %dma_wait3A_265 = tpu.memref_squeeze %dma_wait3A_264 : memref<1x200xi32, #tpu.memory_space<vmem>> -> memref<200xi32, #tpu.memory_space<vmem>>
    %dma_wait3A_266 = arith.constant 0 : i32
    %dma_wait3A_267 = arith.constant 0 : i32
    %dma_wait3A_268 = tpu.memref_slice %arg2[%dma_wait3A_266, %dma_wait3A_267] : memref<1000000x64xf32, #tpu.memory_space<hbm>> -> memref<1000000x64xf32, #tpu.memory_space<hbm>>
    %dma_wait3A_269 = tpu.memref_slice %arg8[%dma_wait3A_258] : memref<8x!tpu.dma_semaphore, #tpu.memory_space<semaphore_mem>> -> memref<1x!tpu.dma_semaphore, #tpu.memory_space<semaphore_mem>>
    %dma_wait3A_270 = tpu.memref_squeeze %dma_wait3A_269 : memref<1x!tpu.dma_semaphore, #tpu.memory_space<semaphore_mem>> -> memref<!tpu.dma_semaphore, #tpu.memory_space<semaphore_mem>>
    tpu.wait_indirect_dma semaphore(%dma_wait3A_270 : memref<!tpu.dma_semaphore, #tpu.memory_space<semaphore_mem>>) src(%dma_wait3A_268 : memref<1000000x64xf32, #tpu.memory_space<hbm>>) dst(%dma_wait3A_262 : memref<200x64xf32, #tpu.memory_space<vmem>>)
    %add3A_271 = arith.constant 0 : i32
    %add3A_272 = arith.addi %mul3A_2, %add3A_271 : i32
    %dma_start3A_273 = arith.constant 0 : i32
    %dma_start3A_274 = arith.constant 0 : i32
    %dma_start3A_275 = arith.constant 0 : i32
    %dma_start3A_276 = arith.constant 0 : i32
    %dma_start3A_277 = tpu.memref_slice %arg6[%dma_start3A_273, %dma_start3A_275, %dma_start3A_276] : memref<8x200x64xf32, #tpu.memory_space<vmem>> -> memref<1x200x64xf32, #tpu.memory_space<vmem>>
    %dma_start3A_278 = tpu.memref_squeeze %dma_start3A_277 : memref<1x200x64xf32, #tpu.memory_space<vmem>> -> memref<200x64xf32, #tpu.memory_space<vmem>>
    %dma_start3A_279 = arith.constant 0 : i32
    %dma_start3A_280 = arith.constant 0 : i32
    %dma_start3A_281 = tpu.memref_slice %arg4[%add3A_272, %dma_start3A_279, %dma_start3A_280] : memref<16384x200x128xf32, #tpu.memory_space<hbm>> -> memref<1x200x64xf32, #tpu.memory_space<hbm>>
    %dma_start3A_282 = tpu.memref_squeeze %dma_start3A_281 : memref<1x200x64xf32, #tpu.memory_space<hbm>> -> memref<200x64xf32, #tpu.memory_space<hbm>>
    %dma_start3A_283 = tpu.memref_slice %arg9[%dma_start3A_274] : memref<8x!tpu.dma_semaphore, #tpu.memory_space<semaphore_mem>> -> memref<1x!tpu.dma_semaphore, #tpu.memory_space<semaphore_mem>>
    %dma_start3A_284 = tpu.memref_squeeze %dma_start3A_283 : memref<1x!tpu.dma_semaphore, #tpu.memory_space<semaphore_mem>> -> memref<!tpu.dma_semaphore, #tpu.memory_space<semaphore_mem>>
    %dma_start3A_285 = arith.constant 0 : i32
    %dma_start3A_286 = arith.constant 0 : i32
    %dma_start3A_287 = tpu.memref_slice %arg4[%add3A_272, %dma_start3A_285, %dma_start3A_286] : memref<16384x200x128xf32, #tpu.memory_space<hbm>> -> memref<1x200x64xf32, #tpu.memory_space<hbm>>
    %dma_start3A_288 = tpu.memref_squeeze %dma_start3A_287 : memref<1x200x64xf32, #tpu.memory_space<hbm>> -> memref<200x64xf32, #tpu.memory_space<hbm>>
    %dma_start3A_289 = arith.constant 0 : i32
    %dma_start3A_290 = arith.constant 0 : i32
    %dma_start3A_291 = tpu.memref_slice %arg6[%dma_start3A_273, %dma_start3A_289, %dma_start3A_290] : memref<8x200x64xf32, #tpu.memory_space<vmem>> -> memref<1x200x64xf32, #tpu.memory_space<vmem>>
    %dma_start3A_292 = tpu.memref_squeeze %dma_start3A_291 : memref<1x200x64xf32, #tpu.memory_space<vmem>> -> memref<200x64xf32, #tpu.memory_space<vmem>>
    tpu.enqueue_dma source(%dma_start3A_292 : memref<200x64xf32, #tpu.memory_space<vmem>>) target(%dma_start3A_288 : memref<200x64xf32, #tpu.memory_space<hbm>>) target_semaphore(%dma_start3A_284 : memref<!tpu.dma_semaphore, #tpu.memory_space<semaphore_mem>>)
    %add3A_293 = arith.constant 8 : i32
    %add3A_294 = arith.addi %mul3A_2, %add3A_293 : i32
    %dma_start3A_295 = arith.constant 0 : i32
    %dma_start3A_296 = arith.constant 0 : i32
    %dma_start3A_297 = arith.constant 0 : i32
    %dma_start3A_298 = tpu.memref_slice %arg5[%dma_start3A_295, %dma_start3A_297] : memref<8x200xi32, #tpu.memory_space<vmem>> -> memref<1x200xi32, #tpu.memory_space<vmem>>
    %dma_start3A_299 = tpu.memref_squeeze %dma_start3A_298 : memref<1x200xi32, #tpu.memory_space<vmem>> -> memref<200xi32, #tpu.memory_space<vmem>>
    %dma_start3A_300 = arith.constant 0 : i32
    %dma_start3A_301 = tpu.memref_slice %arg3[%add3A_294, %dma_start3A_300] : memref<16384x200xi32, #tpu.memory_space<hbm>> -> memref<1x200xi32, #tpu.memory_space<hbm>>
    %dma_start3A_302 = tpu.memref_squeeze %dma_start3A_301 : memref<1x200xi32, #tpu.memory_space<hbm>> -> memref<200xi32, #tpu.memory_space<hbm>>
    %dma_start3A_303 = tpu.memref_slice %arg7[%dma_start3A_296] : memref<8x!tpu.dma_semaphore, #tpu.memory_space<semaphore_mem>> -> memref<1x!tpu.dma_semaphore, #tpu.memory_space<semaphore_mem>>
    %dma_start3A_304 = tpu.memref_squeeze %dma_start3A_303 : memref<1x!tpu.dma_semaphore, #tpu.memory_space<semaphore_mem>> -> memref<!tpu.dma_semaphore, #tpu.memory_space<semaphore_mem>>
    %dma_start3A_305 = arith.constant 0 : i32
    %dma_start3A_306 = tpu.memref_slice %arg5[%dma_start3A_295, %dma_start3A_305] : memref<8x200xi32, #tpu.memory_space<vmem>> -> memref<1x200xi32, #tpu.memory_space<vmem>>
    %dma_start3A_307 = tpu.memref_squeeze %dma_start3A_306 : memref<1x200xi32, #tpu.memory_space<vmem>> -> memref<200xi32, #tpu.memory_space<vmem>>
    %dma_start3A_308 = arith.constant 0 : i32
    %dma_start3A_309 = tpu.memref_slice %arg3[%add3A_294, %dma_start3A_308] : memref<16384x200xi32, #tpu.memory_space<hbm>> -> memref<1x200xi32, #tpu.memory_space<hbm>>
    %dma_start3A_310 = tpu.memref_squeeze %dma_start3A_309 : memref<1x200xi32, #tpu.memory_space<hbm>> -> memref<200xi32, #tpu.memory_space<hbm>>
    tpu.enqueue_dma source(%dma_start3A_310 : memref<200xi32, #tpu.memory_space<hbm>>) target(%dma_start3A_307 : memref<200xi32, #tpu.memory_space<vmem>>) target_semaphore(%dma_start3A_304 : memref<!tpu.dma_semaphore, #tpu.memory_space<semaphore_mem>>)
    %add3A_311 = arith.constant 5 : i32
    %add3A_312 = arith.addi %mul3A_2, %add3A_311 : i32
    %dma_start3A_313 = arith.constant 5 : i32
    %dma_start3A_314 = arith.constant 5 : i32
    %dma_start3A_315 = arith.constant 0 : i32
    %dma_start3A_316 = tpu.memref_slice %arg5[%dma_start3A_313, %dma_start3A_315] : memref<8x200xi32, #tpu.memory_space<vmem>> -> memref<1x200xi32, #tpu.memory_space<vmem>>
    %dma_start3A_317 = tpu.memref_squeeze %dma_start3A_316 : memref<1x200xi32, #tpu.memory_space<vmem>> -> memref<200xi32, #tpu.memory_space<vmem>>
    %dma_start3A_318 = arith.constant 0 : i32
    %dma_start3A_319 = tpu.memref_slice %arg3[%add3A_312, %dma_start3A_318] : memref<16384x200xi32, #tpu.memory_space<hbm>> -> memref<1x200xi32, #tpu.memory_space<hbm>>
    %dma_start3A_320 = tpu.memref_squeeze %dma_start3A_319 : memref<1x200xi32, #tpu.memory_space<hbm>> -> memref<200xi32, #tpu.memory_space<hbm>>
    %dma_start3A_321 = tpu.memref_slice %arg7[%dma_start3A_314] : memref<8x!tpu.dma_semaphore, #tpu.memory_space<semaphore_mem>> -> memref<1x!tpu.dma_semaphore, #tpu.memory_space<semaphore_mem>>
    %dma_start3A_322 = tpu.memref_squeeze %dma_start3A_321 : memref<1x!tpu.dma_semaphore, #tpu.memory_space<semaphore_mem>> -> memref<!tpu.dma_semaphore, #tpu.memory_space<semaphore_mem>>
    %dma_start3A_323 = arith.constant 0 : i32
    %dma_start3A_324 = tpu.memref_slice %arg5[%dma_start3A_313, %dma_start3A_323] : memref<8x200xi32, #tpu.memory_space<vmem>> -> memref<1x200xi32, #tpu.memory_space<vmem>>
    %dma_start3A_325 = tpu.memref_squeeze %dma_start3A_324 : memref<1x200xi32, #tpu.memory_space<vmem>> -> memref<200xi32, #tpu.memory_space<vmem>>
    %dma_start3A_326 = arith.constant 0 : i32
    %dma_start3A_327 = tpu.memref_slice %arg3[%add3A_312, %dma_start3A_326] : memref<16384x200xi32, #tpu.memory_space<hbm>> -> memref<1x200xi32, #tpu.memory_space<hbm>>
    %dma_start3A_328 = tpu.memref_squeeze %dma_start3A_327 : memref<1x200xi32, #tpu.memory_space<hbm>> -> memref<200xi32, #tpu.memory_space<hbm>>
    tpu.enqueue_dma source(%dma_start3A_328 : memref<200xi32, #tpu.memory_space<hbm>>) target(%dma_start3A_325 : memref<200xi32, #tpu.memory_space<vmem>>) target_semaphore(%dma_start3A_322 : memref<!tpu.dma_semaphore, #tpu.memory_space<semaphore_mem>>)
    %add3A_329 = arith.constant 5 : i32
    %add3A_330 = arith.addi %mul3A_2, %add3A_329 : i32
    %dma_wait3A_331 = arith.constant 5 : i32
    %dma_wait3A_332 = arith.constant 5 : i32
    %dma_wait3A_333 = arith.constant 0 : i32
    %dma_wait3A_334 = tpu.memref_slice %arg5[%dma_wait3A_331, %dma_wait3A_333] : memref<8x200xi32, #tpu.memory_space<vmem>> -> memref<1x200xi32, #tpu.memory_space<vmem>>
    %dma_wait3A_335 = tpu.memref_squeeze %dma_wait3A_334 : memref<1x200xi32, #tpu.memory_space<vmem>> -> memref<200xi32, #tpu.memory_space<vmem>>
    %dma_wait3A_336 = arith.constant 0 : i32
    %dma_wait3A_337 = tpu.memref_slice %arg3[%add3A_330, %dma_wait3A_336] : memref<16384x200xi32, #tpu.memory_space<hbm>> -> memref<1x200xi32, #tpu.memory_space<hbm>>
    %dma_wait3A_338 = tpu.memref_squeeze %dma_wait3A_337 : memref<1x200xi32, #tpu.memory_space<hbm>> -> memref<200xi32, #tpu.memory_space<hbm>>
    %dma_wait3A_339 = tpu.memref_slice %arg7[%dma_wait3A_332] : memref<8x!tpu.dma_semaphore, #tpu.memory_space<semaphore_mem>> -> memref<1x!tpu.dma_semaphore, #tpu.memory_space<semaphore_mem>>
    %dma_wait3A_340 = tpu.memref_squeeze %dma_wait3A_339 : memref<1x!tpu.dma_semaphore, #tpu.memory_space<semaphore_mem>> -> memref<!tpu.dma_semaphore, #tpu.memory_space<semaphore_mem>>
    %dma_wait3A_341 = arith.constant 0 : i32
    %dma_wait3A_342 = tpu.memref_slice %arg5[%dma_wait3A_331, %dma_wait3A_341] : memref<8x200xi32, #tpu.memory_space<vmem>> -> memref<1x200xi32, #tpu.memory_space<vmem>>
    %dma_wait3A_343 = tpu.memref_squeeze %dma_wait3A_342 : memref<1x200xi32, #tpu.memory_space<vmem>> -> memref<200xi32, #tpu.memory_space<vmem>>
    %dma_wait3A_344 = arith.constant 0 : i32
    %dma_wait3A_345 = tpu.memref_slice %arg3[%add3A_330, %dma_wait3A_344] : memref<16384x200xi32, #tpu.memory_space<hbm>> -> memref<1x200xi32, #tpu.memory_space<hbm>>
    %dma_wait3A_346 = tpu.memref_squeeze %dma_wait3A_345 : memref<1x200xi32, #tpu.memory_space<hbm>> -> memref<200xi32, #tpu.memory_space<hbm>>
    tpu.wait_dma2 semaphore(%dma_wait3A_340 : memref<!tpu.dma_semaphore, #tpu.memory_space<semaphore_mem>>) src(%dma_wait3A_346 : memref<200xi32, #tpu.memory_space<hbm>>) dst(%dma_wait3A_343 : memref<200xi32, #tpu.memory_space<vmem>>)
    %dma_start3A_347 = arith.constant 5 : i32
    %dma_start3A_348 = arith.constant 5 : i32
    %dma_start3A_349 = arith.constant 5 : i32
    %dma_start3A_350 = arith.constant 0 : i32
    %dma_start3A_351 = arith.constant 0 : i32
    %dma_start3A_352 = tpu.memref_slice %arg6[%dma_start3A_348, %dma_start3A_350, %dma_start3A_351] : memref<8x200x64xf32, #tpu.memory_space<vmem>> -> memref<1x200x64xf32, #tpu.memory_space<vmem>>
    %dma_start3A_353 = tpu.memref_squeeze %dma_start3A_352 : memref<1x200x64xf32, #tpu.memory_space<vmem>> -> memref<200x64xf32, #tpu.memory_space<vmem>>
    %dma_start3A_354 = arith.constant 0 : i32
    %dma_start3A_355 = tpu.memref_slice %arg5[%dma_start3A_347, %dma_start3A_354] : memref<8x200xi32, #tpu.memory_space<vmem>> -> memref<1x200xi32, #tpu.memory_space<vmem>>
    %dma_start3A_356 = tpu.memref_squeeze %dma_start3A_355 : memref<1x200xi32, #tpu.memory_space<vmem>> -> memref<200xi32, #tpu.memory_space<vmem>>
    %dma_start3A_357 = arith.constant 0 : i32
    %dma_start3A_358 = arith.constant 0 : i32
    %dma_start3A_359 = tpu.memref_slice %arg2[%dma_start3A_357, %dma_start3A_358] : memref<1000000x64xf32, #tpu.memory_space<hbm>> -> memref<1000000x64xf32, #tpu.memory_space<hbm>>
    %dma_start3A_360 = tpu.memref_slice %arg8[%dma_start3A_349] : memref<8x!tpu.dma_semaphore, #tpu.memory_space<semaphore_mem>> -> memref<1x!tpu.dma_semaphore, #tpu.memory_space<semaphore_mem>>
    %dma_start3A_361 = tpu.memref_squeeze %dma_start3A_360 : memref<1x!tpu.dma_semaphore, #tpu.memory_space<semaphore_mem>> -> memref<!tpu.dma_semaphore, #tpu.memory_space<semaphore_mem>>
    tpu.enqueue_indirect_dma source(%dma_start3A_359 : memref<1000000x64xf32, #tpu.memory_space<hbm>>) target(%dma_start3A_353 : memref<200x64xf32, #tpu.memory_space<vmem>>) offsets(%dma_start3A_356 : memref<200xi32, #tpu.memory_space<vmem>>) semaphore(%dma_start3A_361 : memref<!tpu.dma_semaphore, #tpu.memory_space<semaphore_mem>>)
    %dma_wait3A_362 = arith.constant 1 : i32
    %dma_wait3A_363 = arith.constant 1 : i32
    %dma_wait3A_364 = arith.constant 1 : i32
    %dma_wait3A_365 = arith.constant 0 : i32
    %dma_wait3A_366 = arith.constant 0 : i32
    %dma_wait3A_367 = tpu.memref_slice %arg6[%dma_wait3A_363, %dma_wait3A_365, %dma_wait3A_366] : memref<8x200x64xf32, #tpu.memory_space<vmem>> -> memref<1x200x64xf32, #tpu.memory_space<vmem>>
    %dma_wait3A_368 = tpu.memref_squeeze %dma_wait3A_367 : memref<1x200x64xf32, #tpu.memory_space<vmem>> -> memref<200x64xf32, #tpu.memory_space<vmem>>
    %dma_wait3A_369 = arith.constant 0 : i32
    %dma_wait3A_370 = tpu.memref_slice %arg5[%dma_wait3A_362, %dma_wait3A_369] : memref<8x200xi32, #tpu.memory_space<vmem>> -> memref<1x200xi32, #tpu.memory_space<vmem>>
    %dma_wait3A_371 = tpu.memref_squeeze %dma_wait3A_370 : memref<1x200xi32, #tpu.memory_space<vmem>> -> memref<200xi32, #tpu.memory_space<vmem>>
    %dma_wait3A_372 = arith.constant 0 : i32
    %dma_wait3A_373 = arith.constant 0 : i32
    %dma_wait3A_374 = tpu.memref_slice %arg2[%dma_wait3A_372, %dma_wait3A_373] : memref<1000000x64xf32, #tpu.memory_space<hbm>> -> memref<1000000x64xf32, #tpu.memory_space<hbm>>
    %dma_wait3A_375 = tpu.memref_slice %arg8[%dma_wait3A_364] : memref<8x!tpu.dma_semaphore, #tpu.memory_space<semaphore_mem>> -> memref<1x!tpu.dma_semaphore, #tpu.memory_space<semaphore_mem>>
    %dma_wait3A_376 = tpu.memref_squeeze %dma_wait3A_375 : memref<1x!tpu.dma_semaphore, #tpu.memory_space<semaphore_mem>> -> memref<!tpu.dma_semaphore, #tpu.memory_space<semaphore_mem>>
    tpu.wait_indirect_dma semaphore(%dma_wait3A_376 : memref<!tpu.dma_semaphore, #tpu.memory_space<semaphore_mem>>) src(%dma_wait3A_374 : memref<1000000x64xf32, #tpu.memory_space<hbm>>) dst(%dma_wait3A_368 : memref<200x64xf32, #tpu.memory_space<vmem>>)
    %add3A_377 = arith.constant 1 : i32
    %add3A_378 = arith.addi %mul3A_2, %add3A_377 : i32
    %dma_start3A_379 = arith.constant 1 : i32
    %dma_start3A_380 = arith.constant 1 : i32
    %dma_start3A_381 = arith.constant 0 : i32
    %dma_start3A_382 = arith.constant 0 : i32
    %dma_start3A_383 = tpu.memref_slice %arg6[%dma_start3A_379, %dma_start3A_381, %dma_start3A_382] : memref<8x200x64xf32, #tpu.memory_space<vmem>> -> memref<1x200x64xf32, #tpu.memory_space<vmem>>
    %dma_start3A_384 = tpu.memref_squeeze %dma_start3A_383 : memref<1x200x64xf32, #tpu.memory_space<vmem>> -> memref<200x64xf32, #tpu.memory_space<vmem>>
    %dma_start3A_385 = arith.constant 0 : i32
    %dma_start3A_386 = arith.constant 0 : i32
    %dma_start3A_387 = tpu.memref_slice %arg4[%add3A_378, %dma_start3A_385, %dma_start3A_386] : memref<16384x200x128xf32, #tpu.memory_space<hbm>> -> memref<1x200x64xf32, #tpu.memory_space<hbm>>
    %dma_start3A_388 = tpu.memref_squeeze %dma_start3A_387 : memref<1x200x64xf32, #tpu.memory_space<hbm>> -> memref<200x64xf32, #tpu.memory_space<hbm>>
    %dma_start3A_389 = tpu.memref_slice %arg9[%dma_start3A_380] : memref<8x!tpu.dma_semaphore, #tpu.memory_space<semaphore_mem>> -> memref<1x!tpu.dma_semaphore, #tpu.memory_space<semaphore_mem>>
    %dma_start3A_390 = tpu.memref_squeeze %dma_start3A_389 : memref<1x!tpu.dma_semaphore, #tpu.memory_space<semaphore_mem>> -> memref<!tpu.dma_semaphore, #tpu.memory_space<semaphore_mem>>
    %dma_start3A_391 = arith.constant 0 : i32
    %dma_start3A_392 = arith.constant 0 : i32
    %dma_start3A_393 = tpu.memref_slice %arg4[%add3A_378, %dma_start3A_391, %dma_start3A_392] : memref<16384x200x128xf32, #tpu.memory_space<hbm>> -> memref<1x200x64xf32, #tpu.memory_space<hbm>>
    %dma_start3A_394 = tpu.memref_squeeze %dma_start3A_393 : memref<1x200x64xf32, #tpu.memory_space<hbm>> -> memref<200x64xf32, #tpu.memory_space<hbm>>
    %dma_start3A_395 = arith.constant 0 : i32
    %dma_start3A_396 = arith.constant 0 : i32
    %dma_start3A_397 = tpu.memref_slice %arg6[%dma_start3A_379, %dma_start3A_395, %dma_start3A_396] : memref<8x200x64xf32, #tpu.memory_space<vmem>> -> memref<1x200x64xf32, #tpu.memory_space<vmem>>
    %dma_start3A_398 = tpu.memref_squeeze %dma_start3A_397 : memref<1x200x64xf32, #tpu.memory_space<vmem>> -> memref<200x64xf32, #tpu.memory_space<vmem>>
    tpu.enqueue_dma source(%dma_start3A_398 : memref<200x64xf32, #tpu.memory_space<vmem>>) target(%dma_start3A_394 : memref<200x64xf32, #tpu.memory_space<hbm>>) target_semaphore(%dma_start3A_390 : memref<!tpu.dma_semaphore, #tpu.memory_space<semaphore_mem>>)
    %add3A_399 = arith.constant 9 : i32
    %add3A_400 = arith.addi %mul3A_2, %add3A_399 : i32
    %dma_start3A_401 = arith.constant 1 : i32
    %dma_start3A_402 = arith.constant 1 : i32
    %dma_start3A_403 = arith.constant 0 : i32
    %dma_start3A_404 = tpu.memref_slice %arg5[%dma_start3A_401, %dma_start3A_403] : memref<8x200xi32, #tpu.memory_space<vmem>> -> memref<1x200xi32, #tpu.memory_space<vmem>>
    %dma_start3A_405 = tpu.memref_squeeze %dma_start3A_404 : memref<1x200xi32, #tpu.memory_space<vmem>> -> memref<200xi32, #tpu.memory_space<vmem>>
    %dma_start3A_406 = arith.constant 0 : i32
    %dma_start3A_407 = tpu.memref_slice %arg3[%add3A_400, %dma_start3A_406] : memref<16384x200xi32, #tpu.memory_space<hbm>> -> memref<1x200xi32, #tpu.memory_space<hbm>>
    %dma_start3A_408 = tpu.memref_squeeze %dma_start3A_407 : memref<1x200xi32, #tpu.memory_space<hbm>> -> memref<200xi32, #tpu.memory_space<hbm>>
    %dma_start3A_409 = tpu.memref_slice %arg7[%dma_start3A_402] : memref<8x!tpu.dma_semaphore, #tpu.memory_space<semaphore_mem>> -> memref<1x!tpu.dma_semaphore, #tpu.memory_space<semaphore_mem>>
    %dma_start3A_410 = tpu.memref_squeeze %dma_start3A_409 : memref<1x!tpu.dma_semaphore, #tpu.memory_space<semaphore_mem>> -> memref<!tpu.dma_semaphore, #tpu.memory_space<semaphore_mem>>
    %dma_start3A_411 = arith.constant 0 : i32
    %dma_start3A_412 = tpu.memref_slice %arg5[%dma_start3A_401, %dma_start3A_411] : memref<8x200xi32, #tpu.memory_space<vmem>> -> memref<1x200xi32, #tpu.memory_space<vmem>>
    %dma_start3A_413 = tpu.memref_squeeze %dma_start3A_412 : memref<1x200xi32, #tpu.memory_space<vmem>> -> memref<200xi32, #tpu.memory_space<vmem>>
    %dma_start3A_414 = arith.constant 0 : i32
    %dma_start3A_415 = tpu.memref_slice %arg3[%add3A_400, %dma_start3A_414] : memref<16384x200xi32, #tpu.memory_space<hbm>> -> memref<1x200xi32, #tpu.memory_space<hbm>>
    %dma_start3A_416 = tpu.memref_squeeze %dma_start3A_415 : memref<1x200xi32, #tpu.memory_space<hbm>> -> memref<200xi32, #tpu.memory_space<hbm>>
    tpu.enqueue_dma source(%dma_start3A_416 : memref<200xi32, #tpu.memory_space<hbm>>) target(%dma_start3A_413 : memref<200xi32, #tpu.memory_space<vmem>>) target_semaphore(%dma_start3A_410 : memref<!tpu.dma_semaphore, #tpu.memory_space<semaphore_mem>>)
    %add3A_417 = arith.constant 6 : i32
    %add3A_418 = arith.addi %mul3A_2, %add3A_417 : i32
    %dma_start3A_419 = arith.constant 6 : i32
    %dma_start3A_420 = arith.constant 6 : i32
    %dma_start3A_421 = arith.constant 0 : i32
    %dma_start3A_422 = tpu.memref_slice %arg5[%dma_start3A_419, %dma_start3A_421] : memref<8x200xi32, #tpu.memory_space<vmem>> -> memref<1x200xi32, #tpu.memory_space<vmem>>
    %dma_start3A_423 = tpu.memref_squeeze %dma_start3A_422 : memref<1x200xi32, #tpu.memory_space<vmem>> -> memref<200xi32, #tpu.memory_space<vmem>>
    %dma_start3A_424 = arith.constant 0 : i32
    %dma_start3A_425 = tpu.memref_slice %arg3[%add3A_418, %dma_start3A_424] : memref<16384x200xi32, #tpu.memory_space<hbm>> -> memref<1x200xi32, #tpu.memory_space<hbm>>
    %dma_start3A_426 = tpu.memref_squeeze %dma_start3A_425 : memref<1x200xi32, #tpu.memory_space<hbm>> -> memref<200xi32, #tpu.memory_space<hbm>>
    %dma_start3A_427 = tpu.memref_slice %arg7[%dma_start3A_420] : memref<8x!tpu.dma_semaphore, #tpu.memory_space<semaphore_mem>> -> memref<1x!tpu.dma_semaphore, #tpu.memory_space<semaphore_mem>>
    %dma_start3A_428 = tpu.memref_squeeze %dma_start3A_427 : memref<1x!tpu.dma_semaphore, #tpu.memory_space<semaphore_mem>> -> memref<!tpu.dma_semaphore, #tpu.memory_space<semaphore_mem>>
    %dma_start3A_429 = arith.constant 0 : i32
    %dma_start3A_430 = tpu.memref_slice %arg5[%dma_start3A_419, %dma_start3A_429] : memref<8x200xi32, #tpu.memory_space<vmem>> -> memref<1x200xi32, #tpu.memory_space<vmem>>
    %dma_start3A_431 = tpu.memref_squeeze %dma_start3A_430 : memref<1x200xi32, #tpu.memory_space<vmem>> -> memref<200xi32, #tpu.memory_space<vmem>>
    %dma_start3A_432 = arith.constant 0 : i32
    %dma_start3A_433 = tpu.memref_slice %arg3[%add3A_418, %dma_start3A_432] : memref<16384x200xi32, #tpu.memory_space<hbm>> -> memref<1x200xi32, #tpu.memory_space<hbm>>
    %dma_start3A_434 = tpu.memref_squeeze %dma_start3A_433 : memref<1x200xi32, #tpu.memory_space<hbm>> -> memref<200xi32, #tpu.memory_space<hbm>>
    tpu.enqueue_dma source(%dma_start3A_434 : memref<200xi32, #tpu.memory_space<hbm>>) target(%dma_start3A_431 : memref<200xi32, #tpu.memory_space<vmem>>) target_semaphore(%dma_start3A_428 : memref<!tpu.dma_semaphore, #tpu.memory_space<semaphore_mem>>)
    %add3A_435 = arith.constant 6 : i32
    %add3A_436 = arith.addi %mul3A_2, %add3A_435 : i32
    %dma_wait3A_437 = arith.constant 6 : i32
    %dma_wait3A_438 = arith.constant 6 : i32
    %dma_wait3A_439 = arith.constant 0 : i32
    %dma_wait3A_440 = tpu.memref_slice %arg5[%dma_wait3A_437, %dma_wait3A_439] : memref<8x200xi32, #tpu.memory_space<vmem>> -> memref<1x200xi32, #tpu.memory_space<vmem>>
    %dma_wait3A_441 = tpu.memref_squeeze %dma_wait3A_440 : memref<1x200xi32, #tpu.memory_space<vmem>> -> memref<200xi32, #tpu.memory_space<vmem>>
    %dma_wait3A_442 = arith.constant 0 : i32
    %dma_wait3A_443 = tpu.memref_slice %arg3[%add3A_436, %dma_wait3A_442] : memref<16384x200xi32, #tpu.memory_space<hbm>> -> memref<1x200xi32, #tpu.memory_space<hbm>>
    %dma_wait3A_444 = tpu.memref_squeeze %dma_wait3A_443 : memref<1x200xi32, #tpu.memory_space<hbm>> -> memref<200xi32, #tpu.memory_space<hbm>>
    %dma_wait3A_445 = tpu.memref_slice %arg7[%dma_wait3A_438] : memref<8x!tpu.dma_semaphore, #tpu.memory_space<semaphore_mem>> -> memref<1x!tpu.dma_semaphore, #tpu.memory_space<semaphore_mem>>
    %dma_wait3A_446 = tpu.memref_squeeze %dma_wait3A_445 : memref<1x!tpu.dma_semaphore, #tpu.memory_space<semaphore_mem>> -> memref<!tpu.dma_semaphore, #tpu.memory_space<semaphore_mem>>
    %dma_wait3A_447 = arith.constant 0 : i32
    %dma_wait3A_448 = tpu.memref_slice %arg5[%dma_wait3A_437, %dma_wait3A_447] : memref<8x200xi32, #tpu.memory_space<vmem>> -> memref<1x200xi32, #tpu.memory_space<vmem>>
    %dma_wait3A_449 = tpu.memref_squeeze %dma_wait3A_448 : memref<1x200xi32, #tpu.memory_space<vmem>> -> memref<200xi32, #tpu.memory_space<vmem>>
    %dma_wait3A_450 = arith.constant 0 : i32
    %dma_wait3A_451 = tpu.memref_slice %arg3[%add3A_436, %dma_wait3A_450] : memref<16384x200xi32, #tpu.memory_space<hbm>> -> memref<1x200xi32, #tpu.memory_space<hbm>>
    %dma_wait3A_452 = tpu.memref_squeeze %dma_wait3A_451 : memref<1x200xi32, #tpu.memory_space<hbm>> -> memref<200xi32, #tpu.memory_space<hbm>>
    tpu.wait_dma2 semaphore(%dma_wait3A_446 : memref<!tpu.dma_semaphore, #tpu.memory_space<semaphore_mem>>) src(%dma_wait3A_452 : memref<200xi32, #tpu.memory_space<hbm>>) dst(%dma_wait3A_449 : memref<200xi32, #tpu.memory_space<vmem>>)
    %dma_start3A_453 = arith.constant 6 : i32
    %dma_start3A_454 = arith.constant 6 : i32
    %dma_start3A_455 = arith.constant 6 : i32
    %dma_start3A_456 = arith.constant 0 : i32
    %dma_start3A_457 = arith.constant 0 : i32
    %dma_start3A_458 = tpu.memref_slice %arg6[%dma_start3A_454, %dma_start3A_456, %dma_start3A_457] : memref<8x200x64xf32, #tpu.memory_space<vmem>> -> memref<1x200x64xf32, #tpu.memory_space<vmem>>
    %dma_start3A_459 = tpu.memref_squeeze %dma_start3A_458 : memref<1x200x64xf32, #tpu.memory_space<vmem>> -> memref<200x64xf32, #tpu.memory_space<vmem>>
    %dma_start3A_460 = arith.constant 0 : i32
    %dma_start3A_461 = tpu.memref_slice %arg5[%dma_start3A_453, %dma_start3A_460] : memref<8x200xi32, #tpu.memory_space<vmem>> -> memref<1x200xi32, #tpu.memory_space<vmem>>
    %dma_start3A_462 = tpu.memref_squeeze %dma_start3A_461 : memref<1x200xi32, #tpu.memory_space<vmem>> -> memref<200xi32, #tpu.memory_space<vmem>>
    %dma_start3A_463 = arith.constant 0 : i32
    %dma_start3A_464 = arith.constant 0 : i32
    %dma_start3A_465 = tpu.memref_slice %arg2[%dma_start3A_463, %dma_start3A_464] : memref<1000000x64xf32, #tpu.memory_space<hbm>> -> memref<1000000x64xf32, #tpu.memory_space<hbm>>
    %dma_start3A_466 = tpu.memref_slice %arg8[%dma_start3A_455] : memref<8x!tpu.dma_semaphore, #tpu.memory_space<semaphore_mem>> -> memref<1x!tpu.dma_semaphore, #tpu.memory_space<semaphore_mem>>
    %dma_start3A_467 = tpu.memref_squeeze %dma_start3A_466 : memref<1x!tpu.dma_semaphore, #tpu.memory_space<semaphore_mem>> -> memref<!tpu.dma_semaphore, #tpu.memory_space<semaphore_mem>>
    tpu.enqueue_indirect_dma source(%dma_start3A_465 : memref<1000000x64xf32, #tpu.memory_space<hbm>>) target(%dma_start3A_459 : memref<200x64xf32, #tpu.memory_space<vmem>>) offsets(%dma_start3A_462 : memref<200xi32, #tpu.memory_space<vmem>>) semaphore(%dma_start3A_467 : memref<!tpu.dma_semaphore, #tpu.memory_space<semaphore_mem>>)
    %dma_wait3A_468 = arith.constant 2 : i32
    %dma_wait3A_469 = arith.constant 2 : i32
    %dma_wait3A_470 = arith.constant 2 : i32
    %dma_wait3A_471 = arith.constant 0 : i32
    %dma_wait3A_472 = arith.constant 0 : i32
    %dma_wait3A_473 = tpu.memref_slice %arg6[%dma_wait3A_469, %dma_wait3A_471, %dma_wait3A_472] : memref<8x200x64xf32, #tpu.memory_space<vmem>> -> memref<1x200x64xf32, #tpu.memory_space<vmem>>
    %dma_wait3A_474 = tpu.memref_squeeze %dma_wait3A_473 : memref<1x200x64xf32, #tpu.memory_space<vmem>> -> memref<200x64xf32, #tpu.memory_space<vmem>>
    %dma_wait3A_475 = arith.constant 0 : i32
    %dma_wait3A_476 = tpu.memref_slice %arg5[%dma_wait3A_468, %dma_wait3A_475] : memref<8x200xi32, #tpu.memory_space<vmem>> -> memref<1x200xi32, #tpu.memory_space<vmem>>
    %dma_wait3A_477 = tpu.memref_squeeze %dma_wait3A_476 : memref<1x200xi32, #tpu.memory_space<vmem>> -> memref<200xi32, #tpu.memory_space<vmem>>
    %dma_wait3A_478 = arith.constant 0 : i32
    %dma_wait3A_479 = arith.constant 0 : i32
    %dma_wait3A_480 = tpu.memref_slice %arg2[%dma_wait3A_478, %dma_wait3A_479] : memref<1000000x64xf32, #tpu.memory_space<hbm>> -> memref<1000000x64xf32, #tpu.memory_space<hbm>>
    %dma_wait3A_481 = tpu.memref_slice %arg8[%dma_wait3A_470] : memref<8x!tpu.dma_semaphore, #tpu.memory_space<semaphore_mem>> -> memref<1x!tpu.dma_semaphore, #tpu.memory_space<semaphore_mem>>
    %dma_wait3A_482 = tpu.memref_squeeze %dma_wait3A_481 : memref<1x!tpu.dma_semaphore, #tpu.memory_space<semaphore_mem>> -> memref<!tpu.dma_semaphore, #tpu.memory_space<semaphore_mem>>
    tpu.wait_indirect_dma semaphore(%dma_wait3A_482 : memref<!tpu.dma_semaphore, #tpu.memory_space<semaphore_mem>>) src(%dma_wait3A_480 : memref<1000000x64xf32, #tpu.memory_space<hbm>>) dst(%dma_wait3A_474 : memref<200x64xf32, #tpu.memory_space<vmem>>)
    %add3A_483 = arith.constant 2 : i32
    %add3A_484 = arith.addi %mul3A_2, %add3A_483 : i32
    %dma_start3A_485 = arith.constant 2 : i32
    %dma_start3A_486 = arith.constant 2 : i32
    %dma_start3A_487 = arith.constant 0 : i32
    %dma_start3A_488 = arith.constant 0 : i32
    %dma_start3A_489 = tpu.memref_slice %arg6[%dma_start3A_485, %dma_start3A_487, %dma_start3A_488] : memref<8x200x64xf32, #tpu.memory_space<vmem>> -> memref<1x200x64xf32, #tpu.memory_space<vmem>>
    %dma_start3A_490 = tpu.memref_squeeze %dma_start3A_489 : memref<1x200x64xf32, #tpu.memory_space<vmem>> -> memref<200x64xf32, #tpu.memory_space<vmem>>
    %dma_start3A_491 = arith.constant 0 : i32
    %dma_start3A_492 = arith.constant 0 : i32
    %dma_start3A_493 = tpu.memref_slice %arg4[%add3A_484, %dma_start3A_491, %dma_start3A_492] : memref<16384x200x128xf32, #tpu.memory_space<hbm>> -> memref<1x200x64xf32, #tpu.memory_space<hbm>>
    %dma_start3A_494 = tpu.memref_squeeze %dma_start3A_493 : memref<1x200x64xf32, #tpu.memory_space<hbm>> -> memref<200x64xf32, #tpu.memory_space<hbm>>
    %dma_start3A_495 = tpu.memref_slice %arg9[%dma_start3A_486] : memref<8x!tpu.dma_semaphore, #tpu.memory_space<semaphore_mem>> -> memref<1x!tpu.dma_semaphore, #tpu.memory_space<semaphore_mem>>
    %dma_start3A_496 = tpu.memref_squeeze %dma_start3A_495 : memref<1x!tpu.dma_semaphore, #tpu.memory_space<semaphore_mem>> -> memref<!tpu.dma_semaphore, #tpu.memory_space<semaphore_mem>>
    %dma_start3A_497 = arith.constant 0 : i32
    %dma_start3A_498 = arith.constant 0 : i32
    %dma_start3A_499 = tpu.memref_slice %arg4[%add3A_484, %dma_start3A_497, %dma_start3A_498] : memref<16384x200x128xf32, #tpu.memory_space<hbm>> -> memref<1x200x64xf32, #tpu.memory_space<hbm>>
    %dma_start3A_500 = tpu.memref_squeeze %dma_start3A_499 : memref<1x200x64xf32, #tpu.memory_space<hbm>> -> memref<200x64xf32, #tpu.memory_space<hbm>>
    %dma_start3A_501 = arith.constant 0 : i32
    %dma_start3A_502 = arith.constant 0 : i32
    %dma_start3A_503 = tpu.memref_slice %arg6[%dma_start3A_485, %dma_start3A_501, %dma_start3A_502] : memref<8x200x64xf32, #tpu.memory_space<vmem>> -> memref<1x200x64xf32, #tpu.memory_space<vmem>>
    %dma_start3A_504 = tpu.memref_squeeze %dma_start3A_503 : memref<1x200x64xf32, #tpu.memory_space<vmem>> -> memref<200x64xf32, #tpu.memory_space<vmem>>
    tpu.enqueue_dma source(%dma_start3A_504 : memref<200x64xf32, #tpu.memory_space<vmem>>) target(%dma_start3A_500 : memref<200x64xf32, #tpu.memory_space<hbm>>) target_semaphore(%dma_start3A_496 : memref<!tpu.dma_semaphore, #tpu.memory_space<semaphore_mem>>)
    %add3A_505 = arith.constant 10 : i32
    %add3A_506 = arith.addi %mul3A_2, %add3A_505 : i32
    %dma_start3A_507 = arith.constant 2 : i32
    %dma_start3A_508 = arith.constant 2 : i32
    %dma_start3A_509 = arith.constant 0 : i32
    %dma_start3A_510 = tpu.memref_slice %arg5[%dma_start3A_507, %dma_start3A_509] : memref<8x200xi32, #tpu.memory_space<vmem>> -> memref<1x200xi32, #tpu.memory_space<vmem>>
    %dma_start3A_511 = tpu.memref_squeeze %dma_start3A_510 : memref<1x200xi32, #tpu.memory_space<vmem>> -> memref<200xi32, #tpu.memory_space<vmem>>
    %dma_start3A_512 = arith.constant 0 : i32
    %dma_start3A_513 = tpu.memref_slice %arg3[%add3A_506, %dma_start3A_512] : memref<16384x200xi32, #tpu.memory_space<hbm>> -> memref<1x200xi32, #tpu.memory_space<hbm>>
    %dma_start3A_514 = tpu.memref_squeeze %dma_start3A_513 : memref<1x200xi32, #tpu.memory_space<hbm>> -> memref<200xi32, #tpu.memory_space<hbm>>
    %dma_start3A_515 = tpu.memref_slice %arg7[%dma_start3A_508] : memref<8x!tpu.dma_semaphore, #tpu.memory_space<semaphore_mem>> -> memref<1x!tpu.dma_semaphore, #tpu.memory_space<semaphore_mem>>
    %dma_start3A_516 = tpu.memref_squeeze %dma_start3A_515 : memref<1x!tpu.dma_semaphore, #tpu.memory_space<semaphore_mem>> -> memref<!tpu.dma_semaphore, #tpu.memory_space<semaphore_mem>>
    %dma_start3A_517 = arith.constant 0 : i32
    %dma_start3A_518 = tpu.memref_slice %arg5[%dma_start3A_507, %dma_start3A_517] : memref<8x200xi32, #tpu.memory_space<vmem>> -> memref<1x200xi32, #tpu.memory_space<vmem>>
    %dma_start3A_519 = tpu.memref_squeeze %dma_start3A_518 : memref<1x200xi32, #tpu.memory_space<vmem>> -> memref<200xi32, #tpu.memory_space<vmem>>
    %dma_start3A_520 = arith.constant 0 : i32
    %dma_start3A_521 = tpu.memref_slice %arg3[%add3A_506, %dma_start3A_520] : memref<16384x200xi32, #tpu.memory_space<hbm>> -> memref<1x200xi32, #tpu.memory_space<hbm>>
    %dma_start3A_522 = tpu.memref_squeeze %dma_start3A_521 : memref<1x200xi32, #tpu.memory_space<hbm>> -> memref<200xi32, #tpu.memory_space<hbm>>
    tpu.enqueue_dma source(%dma_start3A_522 : memref<200xi32, #tpu.memory_space<hbm>>) target(%dma_start3A_519 : memref<200xi32, #tpu.memory_space<vmem>>) target_semaphore(%dma_start3A_516 : memref<!tpu.dma_semaphore, #tpu.memory_space<semaphore_mem>>)
    %add3A_523 = arith.constant 7 : i32
    %add3A_524 = arith.addi %mul3A_2, %add3A_523 : i32
    %dma_start3A_525 = arith.constant 7 : i32
    %dma_start3A_526 = arith.constant 7 : i32
    %dma_start3A_527 = arith.constant 0 : i32
    %dma_start3A_528 = tpu.memref_slice %arg5[%dma_start3A_525, %dma_start3A_527] : memref<8x200xi32, #tpu.memory_space<vmem>> -> memref<1x200xi32, #tpu.memory_space<vmem>>
    %dma_start3A_529 = tpu.memref_squeeze %dma_start3A_528 : memref<1x200xi32, #tpu.memory_space<vmem>> -> memref<200xi32, #tpu.memory_space<vmem>>
    %dma_start3A_530 = arith.constant 0 : i32
    %dma_start3A_531 = tpu.memref_slice %arg3[%add3A_524, %dma_start3A_530] : memref<16384x200xi32, #tpu.memory_space<hbm>> -> memref<1x200xi32, #tpu.memory_space<hbm>>
    %dma_start3A_532 = tpu.memref_squeeze %dma_start3A_531 : memref<1x200xi32, #tpu.memory_space<hbm>> -> memref<200xi32, #tpu.memory_space<hbm>>
    %dma_start3A_533 = tpu.memref_slice %arg7[%dma_start3A_526] : memref<8x!tpu.dma_semaphore, #tpu.memory_space<semaphore_mem>> -> memref<1x!tpu.dma_semaphore, #tpu.memory_space<semaphore_mem>>
    %dma_start3A_534 = tpu.memref_squeeze %dma_start3A_533 : memref<1x!tpu.dma_semaphore, #tpu.memory_space<semaphore_mem>> -> memref<!tpu.dma_semaphore, #tpu.memory_space<semaphore_mem>>
    %dma_start3A_535 = arith.constant 0 : i32
    %dma_start3A_536 = tpu.memref_slice %arg5[%dma_start3A_525, %dma_start3A_535] : memref<8x200xi32, #tpu.memory_space<vmem>> -> memref<1x200xi32, #tpu.memory_space<vmem>>
    %dma_start3A_537 = tpu.memref_squeeze %dma_start3A_536 : memref<1x200xi32, #tpu.memory_space<vmem>> -> memref<200xi32, #tpu.memory_space<vmem>>
    %dma_start3A_538 = arith.constant 0 : i32
    %dma_start3A_539 = tpu.memref_slice %arg3[%add3A_524, %dma_start3A_538] : memref<16384x200xi32, #tpu.memory_space<hbm>> -> memref<1x200xi32, #tpu.memory_space<hbm>>
    %dma_start3A_540 = tpu.memref_squeeze %dma_start3A_539 : memref<1x200xi32, #tpu.memory_space<hbm>> -> memref<200xi32, #tpu.memory_space<hbm>>
    tpu.enqueue_dma source(%dma_start3A_540 : memref<200xi32, #tpu.memory_space<hbm>>) target(%dma_start3A_537 : memref<200xi32, #tpu.memory_space<vmem>>) target_semaphore(%dma_start3A_534 : memref<!tpu.dma_semaphore, #tpu.memory_space<semaphore_mem>>)
    %add3A_541 = arith.constant 7 : i32
    %add3A_542 = arith.addi %mul3A_2, %add3A_541 : i32
    %dma_wait3A_543 = arith.constant 7 : i32
    %dma_wait3A_544 = arith.constant 7 : i32
    %dma_wait3A_545 = arith.constant 0 : i32
    %dma_wait3A_546 = tpu.memref_slice %arg5[%dma_wait3A_543, %dma_wait3A_545] : memref<8x200xi32, #tpu.memory_space<vmem>> -> memref<1x200xi32, #tpu.memory_space<vmem>>
    %dma_wait3A_547 = tpu.memref_squeeze %dma_wait3A_546 : memref<1x200xi32, #tpu.memory_space<vmem>> -> memref<200xi32, #tpu.memory_space<vmem>>
    %dma_wait3A_548 = arith.constant 0 : i32
    %dma_wait3A_549 = tpu.memref_slice %arg3[%add3A_542, %dma_wait3A_548] : memref<16384x200xi32, #tpu.memory_space<hbm>> -> memref<1x200xi32, #tpu.memory_space<hbm>>
    %dma_wait3A_550 = tpu.memref_squeeze %dma_wait3A_549 : memref<1x200xi32, #tpu.memory_space<hbm>> -> memref<200xi32, #tpu.memory_space<hbm>>
    %dma_wait3A_551 = tpu.memref_slice %arg7[%dma_wait3A_544] : memref<8x!tpu.dma_semaphore, #tpu.memory_space<semaphore_mem>> -> memref<1x!tpu.dma_semaphore, #tpu.memory_space<semaphore_mem>>
    %dma_wait3A_552 = tpu.memref_squeeze %dma_wait3A_551 : memref<1x!tpu.dma_semaphore, #tpu.memory_space<semaphore_mem>> -> memref<!tpu.dma_semaphore, #tpu.memory_space<semaphore_mem>>
    %dma_wait3A_553 = arith.constant 0 : i32
    %dma_wait3A_554 = tpu.memref_slice %arg5[%dma_wait3A_543, %dma_wait3A_553] : memref<8x200xi32, #tpu.memory_space<vmem>> -> memref<1x200xi32, #tpu.memory_space<vmem>>
    %dma_wait3A_555 = tpu.memref_squeeze %dma_wait3A_554 : memref<1x200xi32, #tpu.memory_space<vmem>> -> memref<200xi32, #tpu.memory_space<vmem>>
    %dma_wait3A_556 = arith.constant 0 : i32
    %dma_wait3A_557 = tpu.memref_slice %arg3[%add3A_542, %dma_wait3A_556] : memref<16384x200xi32, #tpu.memory_space<hbm>> -> memref<1x200xi32, #tpu.memory_space<hbm>>
    %dma_wait3A_558 = tpu.memref_squeeze %dma_wait3A_557 : memref<1x200xi32, #tpu.memory_space<hbm>> -> memref<200xi32, #tpu.memory_space<hbm>>
    tpu.wait_dma2 semaphore(%dma_wait3A_552 : memref<!tpu.dma_semaphore, #tpu.memory_space<semaphore_mem>>) src(%dma_wait3A_558 : memref<200xi32, #tpu.memory_space<hbm>>) dst(%dma_wait3A_555 : memref<200xi32, #tpu.memory_space<vmem>>)
    %dma_start3A_559 = arith.constant 7 : i32
    %dma_start3A_560 = arith.constant 7 : i32
    %dma_start3A_561 = arith.constant 7 : i32
    %dma_start3A_562 = arith.constant 0 : i32
    %dma_start3A_563 = arith.constant 0 : i32
    %dma_start3A_564 = tpu.memref_slice %arg6[%dma_start3A_560, %dma_start3A_562, %dma_start3A_563] : memref<8x200x64xf32, #tpu.memory_space<vmem>> -> memref<1x200x64xf32, #tpu.memory_space<vmem>>
    %dma_start3A_565 = tpu.memref_squeeze %dma_start3A_564 : memref<1x200x64xf32, #tpu.memory_space<vmem>> -> memref<200x64xf32, #tpu.memory_space<vmem>>
    %dma_start3A_566 = arith.constant 0 : i32
    %dma_start3A_567 = tpu.memref_slice %arg5[%dma_start3A_559, %dma_start3A_566] : memref<8x200xi32, #tpu.memory_space<vmem>> -> memref<1x200xi32, #tpu.memory_space<vmem>>
    %dma_start3A_568 = tpu.memref_squeeze %dma_start3A_567 : memref<1x200xi32, #tpu.memory_space<vmem>> -> memref<200xi32, #tpu.memory_space<vmem>>
    %dma_start3A_569 = arith.constant 0 : i32
    %dma_start3A_570 = arith.constant 0 : i32
    %dma_start3A_571 = tpu.memref_slice %arg2[%dma_start3A_569, %dma_start3A_570] : memref<1000000x64xf32, #tpu.memory_space<hbm>> -> memref<1000000x64xf32, #tpu.memory_space<hbm>>
    %dma_start3A_572 = tpu.memref_slice %arg8[%dma_start3A_561] : memref<8x!tpu.dma_semaphore, #tpu.memory_space<semaphore_mem>> -> memref<1x!tpu.dma_semaphore, #tpu.memory_space<semaphore_mem>>
    %dma_start3A_573 = tpu.memref_squeeze %dma_start3A_572 : memref<1x!tpu.dma_semaphore, #tpu.memory_space<semaphore_mem>> -> memref<!tpu.dma_semaphore, #tpu.memory_space<semaphore_mem>>
    tpu.enqueue_indirect_dma source(%dma_start3A_571 : memref<1000000x64xf32, #tpu.memory_space<hbm>>) target(%dma_start3A_565 : memref<200x64xf32, #tpu.memory_space<vmem>>) offsets(%dma_start3A_568 : memref<200xi32, #tpu.memory_space<vmem>>) semaphore(%dma_start3A_573 : memref<!tpu.dma_semaphore, #tpu.memory_space<semaphore_mem>>)
    %dma_wait3A_574 = arith.constant 3 : i32
    %dma_wait3A_575 = arith.constant 3 : i32
    %dma_wait3A_576 = arith.constant 3 : i32
    %dma_wait3A_577 = arith.constant 0 : i32
    %dma_wait3A_578 = arith.constant 0 : i32
    %dma_wait3A_579 = tpu.memref_slice %arg6[%dma_wait3A_575, %dma_wait3A_577, %dma_wait3A_578] : memref<8x200x64xf32, #tpu.memory_space<vmem>> -> memref<1x200x64xf32, #tpu.memory_space<vmem>>
    %dma_wait3A_580 = tpu.memref_squeeze %dma_wait3A_579 : memref<1x200x64xf32, #tpu.memory_space<vmem>> -> memref<200x64xf32, #tpu.memory_space<vmem>>
    %dma_wait3A_581 = arith.constant 0 : i32
    %dma_wait3A_582 = tpu.memref_slice %arg5[%dma_wait3A_574, %dma_wait3A_581] : memref<8x200xi32, #tpu.memory_space<vmem>> -> memref<1x200xi32, #tpu.memory_space<vmem>>
    %dma_wait3A_583 = tpu.memref_squeeze %dma_wait3A_582 : memref<1x200xi32, #tpu.memory_space<vmem>> -> memref<200xi32, #tpu.memory_space<vmem>>
    %dma_wait3A_584 = arith.constant 0 : i32
    %dma_wait3A_585 = arith.constant 0 : i32
    %dma_wait3A_586 = tpu.memref_slice %arg2[%dma_wait3A_584, %dma_wait3A_585] : memref<1000000x64xf32, #tpu.memory_space<hbm>> -> memref<1000000x64xf32, #tpu.memory_space<hbm>>
    %dma_wait3A_587 = tpu.memref_slice %arg8[%dma_wait3A_576] : memref<8x!tpu.dma_semaphore, #tpu.memory_space<semaphore_mem>> -> memref<1x!tpu.dma_semaphore, #tpu.memory_space<semaphore_mem>>
    %dma_wait3A_588 = tpu.memref_squeeze %dma_wait3A_587 : memref<1x!tpu.dma_semaphore, #tpu.memory_space<semaphore_mem>> -> memref<!tpu.dma_semaphore, #tpu.memory_space<semaphore_mem>>
    tpu.wait_indirect_dma semaphore(%dma_wait3A_588 : memref<!tpu.dma_semaphore, #tpu.memory_space<semaphore_mem>>) src(%dma_wait3A_586 : memref<1000000x64xf32, #tpu.memory_space<hbm>>) dst(%dma_wait3A_580 : memref<200x64xf32, #tpu.memory_space<vmem>>)
    %add3A_589 = arith.constant 3 : i32
    %add3A_590 = arith.addi %mul3A_2, %add3A_589 : i32
    %dma_start3A_591 = arith.constant 3 : i32
    %dma_start3A_592 = arith.constant 3 : i32
    %dma_start3A_593 = arith.constant 0 : i32
    %dma_start3A_594 = arith.constant 0 : i32
    %dma_start3A_595 = tpu.memref_slice %arg6[%dma_start3A_591, %dma_start3A_593, %dma_start3A_594] : memref<8x200x64xf32, #tpu.memory_space<vmem>> -> memref<1x200x64xf32, #tpu.memory_space<vmem>>
    %dma_start3A_596 = tpu.memref_squeeze %dma_start3A_595 : memref<1x200x64xf32, #tpu.memory_space<vmem>> -> memref<200x64xf32, #tpu.memory_space<vmem>>
    %dma_start3A_597 = arith.constant 0 : i32
    %dma_start3A_598 = arith.constant 0 : i32
    %dma_start3A_599 = tpu.memref_slice %arg4[%add3A_590, %dma_start3A_597, %dma_start3A_598] : memref<16384x200x128xf32, #tpu.memory_space<hbm>> -> memref<1x200x64xf32, #tpu.memory_space<hbm>>
    %dma_start3A_600 = tpu.memref_squeeze %dma_start3A_599 : memref<1x200x64xf32, #tpu.memory_space<hbm>> -> memref<200x64xf32, #tpu.memory_space<hbm>>
    %dma_start3A_601 = tpu.memref_slice %arg9[%dma_start3A_592] : memref<8x!tpu.dma_semaphore, #tpu.memory_space<semaphore_mem>> -> memref<1x!tpu.dma_semaphore, #tpu.memory_space<semaphore_mem>>
    %dma_start3A_602 = tpu.memref_squeeze %dma_start3A_601 : memref<1x!tpu.dma_semaphore, #tpu.memory_space<semaphore_mem>> -> memref<!tpu.dma_semaphore, #tpu.memory_space<semaphore_mem>>
    %dma_start3A_603 = arith.constant 0 : i32
    %dma_start3A_604 = arith.constant 0 : i32
    %dma_start3A_605 = tpu.memref_slice %arg4[%add3A_590, %dma_start3A_603, %dma_start3A_604] : memref<16384x200x128xf32, #tpu.memory_space<hbm>> -> memref<1x200x64xf32, #tpu.memory_space<hbm>>
    %dma_start3A_606 = tpu.memref_squeeze %dma_start3A_605 : memref<1x200x64xf32, #tpu.memory_space<hbm>> -> memref<200x64xf32, #tpu.memory_space<hbm>>
    %dma_start3A_607 = arith.constant 0 : i32
    %dma_start3A_608 = arith.constant 0 : i32
    %dma_start3A_609 = tpu.memref_slice %arg6[%dma_start3A_591, %dma_start3A_607, %dma_start3A_608] : memref<8x200x64xf32, #tpu.memory_space<vmem>> -> memref<1x200x64xf32, #tpu.memory_space<vmem>>
    %dma_start3A_610 = tpu.memref_squeeze %dma_start3A_609 : memref<1x200x64xf32, #tpu.memory_space<vmem>> -> memref<200x64xf32, #tpu.memory_space<vmem>>
    tpu.enqueue_dma source(%dma_start3A_610 : memref<200x64xf32, #tpu.memory_space<vmem>>) target(%dma_start3A_606 : memref<200x64xf32, #tpu.memory_space<hbm>>) target_semaphore(%dma_start3A_602 : memref<!tpu.dma_semaphore, #tpu.memory_space<semaphore_mem>>)
    %add3A_611 = arith.constant 11 : i32
    %add3A_612 = arith.addi %mul3A_2, %add3A_611 : i32
    %dma_start3A_613 = arith.constant 3 : i32
    %dma_start3A_614 = arith.constant 3 : i32
    %dma_start3A_615 = arith.constant 0 : i32
    %dma_start3A_616 = tpu.memref_slice %arg5[%dma_start3A_613, %dma_start3A_615] : memref<8x200xi32, #tpu.memory_space<vmem>> -> memref<1x200xi32, #tpu.memory_space<vmem>>
    %dma_start3A_617 = tpu.memref_squeeze %dma_start3A_616 : memref<1x200xi32, #tpu.memory_space<vmem>> -> memref<200xi32, #tpu.memory_space<vmem>>
    %dma_start3A_618 = arith.constant 0 : i32
    %dma_start3A_619 = tpu.memref_slice %arg3[%add3A_612, %dma_start3A_618] : memref<16384x200xi32, #tpu.memory_space<hbm>> -> memref<1x200xi32, #tpu.memory_space<hbm>>
    %dma_start3A_620 = tpu.memref_squeeze %dma_start3A_619 : memref<1x200xi32, #tpu.memory_space<hbm>> -> memref<200xi32, #tpu.memory_space<hbm>>
    %dma_start3A_621 = tpu.memref_slice %arg7[%dma_start3A_614] : memref<8x!tpu.dma_semaphore, #tpu.memory_space<semaphore_mem>> -> memref<1x!tpu.dma_semaphore, #tpu.memory_space<semaphore_mem>>
    %dma_start3A_622 = tpu.memref_squeeze %dma_start3A_621 : memref<1x!tpu.dma_semaphore, #tpu.memory_space<semaphore_mem>> -> memref<!tpu.dma_semaphore, #tpu.memory_space<semaphore_mem>>
    %dma_start3A_623 = arith.constant 0 : i32
    %dma_start3A_624 = tpu.memref_slice %arg5[%dma_start3A_613, %dma_start3A_623] : memref<8x200xi32, #tpu.memory_space<vmem>> -> memref<1x200xi32, #tpu.memory_space<vmem>>
    %dma_start3A_625 = tpu.memref_squeeze %dma_start3A_624 : memref<1x200xi32, #tpu.memory_space<vmem>> -> memref<200xi32, #tpu.memory_space<vmem>>
    %dma_start3A_626 = arith.constant 0 : i32
    %dma_start3A_627 = tpu.memref_slice %arg3[%add3A_612, %dma_start3A_626] : memref<16384x200xi32, #tpu.memory_space<hbm>> -> memref<1x200xi32, #tpu.memory_space<hbm>>
    %dma_start3A_628 = tpu.memref_squeeze %dma_start3A_627 : memref<1x200xi32, #tpu.memory_space<hbm>> -> memref<200xi32, #tpu.memory_space<hbm>>
    tpu.enqueue_dma source(%dma_start3A_628 : memref<200xi32, #tpu.memory_space<hbm>>) target(%dma_start3A_625 : memref<200xi32, #tpu.memory_space<vmem>>) target_semaphore(%dma_start3A_622 : memref<!tpu.dma_semaphore, #tpu.memory_space<semaphore_mem>>)
    %scan3A = arith.constant 0 : i32
    %scan3A_629 = arith.constant 1 : i32
    %scan3A_630 = arith.constant 63 : i32
    %scan3A_631 = arith.addi %scan3A_629, %scan3A_630 : i32
    %scan3A_632 = arith.constant 1 : i32
    scf.for %scan3A_958 = %scan3A_629 to %scan3A_631 step %scan3A_632  : i32 {
      %mul3A_959 = arith.constant 8 : i32
      %mul3A_960 = arith.muli %scan3A_958, %mul3A_959 : i32
      %add3A_961 = arith.constant 0 : i32
      %add3A_962 = arith.addi %mul3A_960, %add3A_961 : i32
      %sub3A = arith.constant 8 : i32
      %sub3A_963 = arith.subi %add3A_962, %sub3A : i32
      %add3A_964 = arith.addi %mul3A_2, %sub3A_963 : i32
      %dma_wait3A_965 = arith.constant 0 : i32
      %dma_wait3A_966 = arith.constant 0 : i32
      %dma_wait3A_967 = arith.constant 0 : i32
      %dma_wait3A_968 = arith.constant 0 : i32
      %dma_wait3A_969 = tpu.memref_slice %arg6[%dma_wait3A_965, %dma_wait3A_967, %dma_wait3A_968] : memref<8x200x64xf32, #tpu.memory_space<vmem>> -> memref<1x200x64xf32, #tpu.memory_space<vmem>>
      %dma_wait3A_970 = tpu.memref_squeeze %dma_wait3A_969 : memref<1x200x64xf32, #tpu.memory_space<vmem>> -> memref<200x64xf32, #tpu.memory_space<vmem>>
      %dma_wait3A_971 = arith.constant 0 : i32
      %dma_wait3A_972 = arith.constant 0 : i32
      %dma_wait3A_973 = tpu.memref_slice %arg4[%add3A_964, %dma_wait3A_971, %dma_wait3A_972] : memref<16384x200x128xf32, #tpu.memory_space<hbm>> -> memref<1x200x64xf32, #tpu.memory_space<hbm>>
      %dma_wait3A_974 = tpu.memref_squeeze %dma_wait3A_973 : memref<1x200x64xf32, #tpu.memory_space<hbm>> -> memref<200x64xf32, #tpu.memory_space<hbm>>
      %dma_wait3A_975 = tpu.memref_slice %arg9[%dma_wait3A_966] : memref<8x!tpu.dma_semaphore, #tpu.memory_space<semaphore_mem>> -> memref<1x!tpu.dma_semaphore, #tpu.memory_space<semaphore_mem>>
      %dma_wait3A_976 = tpu.memref_squeeze %dma_wait3A_975 : memref<1x!tpu.dma_semaphore, #tpu.memory_space<semaphore_mem>> -> memref<!tpu.dma_semaphore, #tpu.memory_space<semaphore_mem>>
      %dma_wait3A_977 = arith.constant 0 : i32
      %dma_wait3A_978 = arith.constant 0 : i32
      %dma_wait3A_979 = tpu.memref_slice %arg4[%add3A_964, %dma_wait3A_977, %dma_wait3A_978] : memref<16384x200x128xf32, #tpu.memory_space<hbm>> -> memref<1x200x64xf32, #tpu.memory_space<hbm>>
      %dma_wait3A_980 = tpu.memref_squeeze %dma_wait3A_979 : memref<1x200x64xf32, #tpu.memory_space<hbm>> -> memref<200x64xf32, #tpu.memory_space<hbm>>
      %dma_wait3A_981 = arith.constant 0 : i32
      %dma_wait3A_982 = arith.constant 0 : i32
      %dma_wait3A_983 = tpu.memref_slice %arg6[%dma_wait3A_965, %dma_wait3A_981, %dma_wait3A_982] : memref<8x200x64xf32, #tpu.memory_space<vmem>> -> memref<1x200x64xf32, #tpu.memory_space<vmem>>
      %dma_wait3A_984 = tpu.memref_squeeze %dma_wait3A_983 : memref<1x200x64xf32, #tpu.memory_space<vmem>> -> memref<200x64xf32, #tpu.memory_space<vmem>>
      tpu.wait_dma2 semaphore(%dma_wait3A_976 : memref<!tpu.dma_semaphore, #tpu.memory_space<semaphore_mem>>) src(%dma_wait3A_984 : memref<200x64xf32, #tpu.memory_space<vmem>>) dst(%dma_wait3A_980 : memref<200x64xf32, #tpu.memory_space<hbm>>)
      %add3A_985 = arith.addi %mul3A_2, %add3A_962 : i32
      %dma_wait3A_986 = arith.constant 0 : i32
      %dma_wait3A_987 = arith.constant 0 : i32
      %dma_wait3A_988 = arith.constant 0 : i32
      %dma_wait3A_989 = tpu.memref_slice %arg5[%dma_wait3A_986, %dma_wait3A_988] : memref<8x200xi32, #tpu.memory_space<vmem>> -> memref<1x200xi32, #tpu.memory_space<vmem>>
      %dma_wait3A_990 = tpu.memref_squeeze %dma_wait3A_989 : memref<1x200xi32, #tpu.memory_space<vmem>> -> memref<200xi32, #tpu.memory_space<vmem>>
      %dma_wait3A_991 = arith.constant 0 : i32
      %dma_wait3A_992 = tpu.memref_slice %arg3[%add3A_985, %dma_wait3A_991] : memref<16384x200xi32, #tpu.memory_space<hbm>> -> memref<1x200xi32, #tpu.memory_space<hbm>>
      %dma_wait3A_993 = tpu.memref_squeeze %dma_wait3A_992 : memref<1x200xi32, #tpu.memory_space<hbm>> -> memref<200xi32, #tpu.memory_space<hbm>>
      %dma_wait3A_994 = tpu.memref_slice %arg7[%dma_wait3A_987] : memref<8x!tpu.dma_semaphore, #tpu.memory_space<semaphore_mem>> -> memref<1x!tpu.dma_semaphore, #tpu.memory_space<semaphore_mem>>
      %dma_wait3A_995 = tpu.memref_squeeze %dma_wait3A_994 : memref<1x!tpu.dma_semaphore, #tpu.memory_space<semaphore_mem>> -> memref<!tpu.dma_semaphore, #tpu.memory_space<semaphore_mem>>
      %dma_wait3A_996 = arith.constant 0 : i32
      %dma_wait3A_997 = tpu.memref_slice %arg5[%dma_wait3A_986, %dma_wait3A_996] : memref<8x200xi32, #tpu.memory_space<vmem>> -> memref<1x200xi32, #tpu.memory_space<vmem>>
      %dma_wait3A_998 = tpu.memref_squeeze %dma_wait3A_997 : memref<1x200xi32, #tpu.memory_space<vmem>> -> memref<200xi32, #tpu.memory_space<vmem>>
      %dma_wait3A_999 = arith.constant 0 : i32
      %dma_wait3A_1000 = tpu.memref_slice %arg3[%add3A_985, %dma_wait3A_999] : memref<16384x200xi32, #tpu.memory_space<hbm>> -> memref<1x200xi32, #tpu.memory_space<hbm>>
      %dma_wait3A_1001 = tpu.memref_squeeze %dma_wait3A_1000 : memref<1x200xi32, #tpu.memory_space<hbm>> -> memref<200xi32, #tpu.memory_space<hbm>>
      tpu.wait_dma2 semaphore(%dma_wait3A_995 : memref<!tpu.dma_semaphore, #tpu.memory_space<semaphore_mem>>) src(%dma_wait3A_1001 : memref<200xi32, #tpu.memory_space<hbm>>) dst(%dma_wait3A_998 : memref<200xi32, #tpu.memory_space<vmem>>)
      %dma_start3A_1002 = arith.constant 0 : i32
      %dma_start3A_1003 = arith.constant 0 : i32
      %dma_start3A_1004 = arith.constant 0 : i32
      %dma_start3A_1005 = arith.constant 0 : i32
      %dma_start3A_1006 = arith.constant 0 : i32
      %dma_start3A_1007 = tpu.memref_slice %arg6[%dma_start3A_1003, %dma_start3A_1005, %dma_start3A_1006] : memref<8x200x64xf32, #tpu.memory_space<vmem>> -> memref<1x200x64xf32, #tpu.memory_space<vmem>>
      %dma_start3A_1008 = tpu.memref_squeeze %dma_start3A_1007 : memref<1x200x64xf32, #tpu.memory_space<vmem>> -> memref<200x64xf32, #tpu.memory_space<vmem>>
      %dma_start3A_1009 = arith.constant 0 : i32
      %dma_start3A_1010 = tpu.memref_slice %arg5[%dma_start3A_1002, %dma_start3A_1009] : memref<8x200xi32, #tpu.memory_space<vmem>> -> memref<1x200xi32, #tpu.memory_space<vmem>>
      %dma_start3A_1011 = tpu.memref_squeeze %dma_start3A_1010 : memref<1x200xi32, #tpu.memory_space<vmem>> -> memref<200xi32, #tpu.memory_space<vmem>>
      %dma_start3A_1012 = arith.constant 0 : i32
      %dma_start3A_1013 = arith.constant 0 : i32
      %dma_start3A_1014 = tpu.memref_slice %arg2[%dma_start3A_1012, %dma_start3A_1013] : memref<1000000x64xf32, #tpu.memory_space<hbm>> -> memref<1000000x64xf32, #tpu.memory_space<hbm>>
      %dma_start3A_1015 = tpu.memref_slice %arg8[%dma_start3A_1004] : memref<8x!tpu.dma_semaphore, #tpu.memory_space<semaphore_mem>> -> memref<1x!tpu.dma_semaphore, #tpu.memory_space<semaphore_mem>>
      %dma_start3A_1016 = tpu.memref_squeeze %dma_start3A_1015 : memref<1x!tpu.dma_semaphore, #tpu.memory_space<semaphore_mem>> -> memref<!tpu.dma_semaphore, #tpu.memory_space<semaphore_mem>>
      tpu.enqueue_indirect_dma source(%dma_start3A_1014 : memref<1000000x64xf32, #tpu.memory_space<hbm>>) target(%dma_start3A_1008 : memref<200x64xf32, #tpu.memory_space<vmem>>) offsets(%dma_start3A_1011 : memref<200xi32, #tpu.memory_space<vmem>>) semaphore(%dma_start3A_1016 : memref<!tpu.dma_semaphore, #tpu.memory_space<semaphore_mem>>)
      %dma_wait3A_1017 = arith.constant 4 : i32
      %dma_wait3A_1018 = arith.constant 4 : i32
      %dma_wait3A_1019 = arith.constant 4 : i32
      %dma_wait3A_1020 = arith.constant 0 : i32
      %dma_wait3A_1021 = arith.constant 0 : i32
      %dma_wait3A_1022 = tpu.memref_slice %arg6[%dma_wait3A_1018, %dma_wait3A_1020, %dma_wait3A_1021] : memref<8x200x64xf32, #tpu.memory_space<vmem>> -> memref<1x200x64xf32, #tpu.memory_space<vmem>>
      %dma_wait3A_1023 = tpu.memref_squeeze %dma_wait3A_1022 : memref<1x200x64xf32, #tpu.memory_space<vmem>> -> memref<200x64xf32, #tpu.memory_space<vmem>>
      %dma_wait3A_1024 = arith.constant 0 : i32
      %dma_wait3A_1025 = tpu.memref_slice %arg5[%dma_wait3A_1017, %dma_wait3A_1024] : memref<8x200xi32, #tpu.memory_space<vmem>> -> memref<1x200xi32, #tpu.memory_space<vmem>>
      %dma_wait3A_1026 = tpu.memref_squeeze %dma_wait3A_1025 : memref<1x200xi32, #tpu.memory_space<vmem>> -> memref<200xi32, #tpu.memory_space<vmem>>
      %dma_wait3A_1027 = arith.constant 0 : i32
      %dma_wait3A_1028 = arith.constant 0 : i32
      %dma_wait3A_1029 = tpu.memref_slice %arg2[%dma_wait3A_1027, %dma_wait3A_1028] : memref<1000000x64xf32, #tpu.memory_space<hbm>> -> memref<1000000x64xf32, #tpu.memory_space<hbm>>
      %dma_wait3A_1030 = tpu.memref_slice %arg8[%dma_wait3A_1019] : memref<8x!tpu.dma_semaphore, #tpu.memory_space<semaphore_mem>> -> memref<1x!tpu.dma_semaphore, #tpu.memory_space<semaphore_mem>>
      %dma_wait3A_1031 = tpu.memref_squeeze %dma_wait3A_1030 : memref<1x!tpu.dma_semaphore, #tpu.memory_space<semaphore_mem>> -> memref<!tpu.dma_semaphore, #tpu.memory_space<semaphore_mem>>
      tpu.wait_indirect_dma semaphore(%dma_wait3A_1031 : memref<!tpu.dma_semaphore, #tpu.memory_space<semaphore_mem>>) src(%dma_wait3A_1029 : memref<1000000x64xf32, #tpu.memory_space<hbm>>) dst(%dma_wait3A_1023 : memref<200x64xf32, #tpu.memory_space<vmem>>)
      %sub3A_1032 = arith.constant 4 : i32
      %sub3A_1033 = arith.subi %add3A_962, %sub3A_1032 : i32
      %add3A_1034 = arith.addi %mul3A_2, %sub3A_1033 : i32
      %dma_start3A_1035 = arith.constant 4 : i32
      %dma_start3A_1036 = arith.constant 4 : i32
      %dma_start3A_1037 = arith.constant 0 : i32
      %dma_start3A_1038 = arith.constant 0 : i32
      %dma_start3A_1039 = tpu.memref_slice %arg6[%dma_start3A_1035, %dma_start3A_1037, %dma_start3A_1038] : memref<8x200x64xf32, #tpu.memory_space<vmem>> -> memref<1x200x64xf32, #tpu.memory_space<vmem>>
      %dma_start3A_1040 = tpu.memref_squeeze %dma_start3A_1039 : memref<1x200x64xf32, #tpu.memory_space<vmem>> -> memref<200x64xf32, #tpu.memory_space<vmem>>
      %dma_start3A_1041 = arith.constant 0 : i32
      %dma_start3A_1042 = arith.constant 0 : i32
      %dma_start3A_1043 = tpu.memref_slice %arg4[%add3A_1034, %dma_start3A_1041, %dma_start3A_1042] : memref<16384x200x128xf32, #tpu.memory_space<hbm>> -> memref<1x200x64xf32, #tpu.memory_space<hbm>>
      %dma_start3A_1044 = tpu.memref_squeeze %dma_start3A_1043 : memref<1x200x64xf32, #tpu.memory_space<hbm>> -> memref<200x64xf32, #tpu.memory_space<hbm>>
      %dma_start3A_1045 = tpu.memref_slice %arg9[%dma_start3A_1036] : memref<8x!tpu.dma_semaphore, #tpu.memory_space<semaphore_mem>> -> memref<1x!tpu.dma_semaphore, #tpu.memory_space<semaphore_mem>>
      %dma_start3A_1046 = tpu.memref_squeeze %dma_start3A_1045 : memref<1x!tpu.dma_semaphore, #tpu.memory_space<semaphore_mem>> -> memref<!tpu.dma_semaphore, #tpu.memory_space<semaphore_mem>>
      %dma_start3A_1047 = arith.constant 0 : i32
      %dma_start3A_1048 = arith.constant 0 : i32
      %dma_start3A_1049 = tpu.memref_slice %arg4[%add3A_1034, %dma_start3A_1047, %dma_start3A_1048] : memref<16384x200x128xf32, #tpu.memory_space<hbm>> -> memref<1x200x64xf32, #tpu.memory_space<hbm>>
      %dma_start3A_1050 = tpu.memref_squeeze %dma_start3A_1049 : memref<1x200x64xf32, #tpu.memory_space<hbm>> -> memref<200x64xf32, #tpu.memory_space<hbm>>
      %dma_start3A_1051 = arith.constant 0 : i32
      %dma_start3A_1052 = arith.constant 0 : i32
      %dma_start3A_1053 = tpu.memref_slice %arg6[%dma_start3A_1035, %dma_start3A_1051, %dma_start3A_1052] : memref<8x200x64xf32, #tpu.memory_space<vmem>> -> memref<1x200x64xf32, #tpu.memory_space<vmem>>
      %dma_start3A_1054 = tpu.memref_squeeze %dma_start3A_1053 : memref<1x200x64xf32, #tpu.memory_space<vmem>> -> memref<200x64xf32, #tpu.memory_space<vmem>>
      tpu.enqueue_dma source(%dma_start3A_1054 : memref<200x64xf32, #tpu.memory_space<vmem>>) target(%dma_start3A_1050 : memref<200x64xf32, #tpu.memory_space<hbm>>) target_semaphore(%dma_start3A_1046 : memref<!tpu.dma_semaphore, #tpu.memory_space<semaphore_mem>>)
      %add3A_1055 = arith.constant 4 : i32
      %add3A_1056 = arith.addi %add3A_962, %add3A_1055 : i32
      %lt3A = arith.constant 512 : i32
      %lt3A_1057 = arith.cmpi slt, %add3A_1056, %lt3A : i32
      %convert_element_type3A = arith.extui %lt3A_1057 : i1 to i32
      %cond3A = arith.constant 0 : i32
      %cond3A_1058 = arith.cmpi ne, %convert_element_type3A, %cond3A : i32
      scf.if %cond3A_1058 {
        %add3A_1787 = arith.constant 4 : i32
        %add3A_1788 = arith.addi %add3A_962, %add3A_1787 : i32
        %add3A_1789 = arith.addi %mul3A_2, %add3A_1788 : i32
        %dma_start3A_1790 = arith.constant 4 : i32
        %dma_start3A_1791 = arith.constant 4 : i32
        %dma_start3A_1792 = arith.constant 0 : i32
        %dma_start3A_1793 = tpu.memref_slice %arg5[%dma_start3A_1790, %dma_start3A_1792] : memref<8x200xi32, #tpu.memory_space<vmem>> -> memref<1x200xi32, #tpu.memory_space<vmem>>
        %dma_start3A_1794 = tpu.memref_squeeze %dma_start3A_1793 : memref<1x200xi32, #tpu.memory_space<vmem>> -> memref<200xi32, #tpu.memory_space<vmem>>
        %dma_start3A_1795 = arith.constant 0 : i32
        %dma_start3A_1796 = tpu.memref_slice %arg3[%add3A_1789, %dma_start3A_1795] : memref<16384x200xi32, #tpu.memory_space<hbm>> -> memref<1x200xi32, #tpu.memory_space<hbm>>
        %dma_start3A_1797 = tpu.memref_squeeze %dma_start3A_1796 : memref<1x200xi32, #tpu.memory_space<hbm>> -> memref<200xi32, #tpu.memory_space<hbm>>
        %dma_start3A_1798 = tpu.memref_slice %arg7[%dma_start3A_1791] : memref<8x!tpu.dma_semaphore, #tpu.memory_space<semaphore_mem>> -> memref<1x!tpu.dma_semaphore, #tpu.memory_space<semaphore_mem>>
        %dma_start3A_1799 = tpu.memref_squeeze %dma_start3A_1798 : memref<1x!tpu.dma_semaphore, #tpu.memory_space<semaphore_mem>> -> memref<!tpu.dma_semaphore, #tpu.memory_space<semaphore_mem>>
        %dma_start3A_1800 = arith.constant 0 : i32
        %dma_start3A_1801 = tpu.memref_slice %arg5[%dma_start3A_1790, %dma_start3A_1800] : memref<8x200xi32, #tpu.memory_space<vmem>> -> memref<1x200xi32, #tpu.memory_space<vmem>>
        %dma_start3A_1802 = tpu.memref_squeeze %dma_start3A_1801 : memref<1x200xi32, #tpu.memory_space<vmem>> -> memref<200xi32, #tpu.memory_space<vmem>>
        %dma_start3A_1803 = arith.constant 0 : i32
        %dma_start3A_1804 = tpu.memref_slice %arg3[%add3A_1789, %dma_start3A_1803] : memref<16384x200xi32, #tpu.memory_space<hbm>> -> memref<1x200xi32, #tpu.memory_space<hbm>>
        %dma_start3A_1805 = tpu.memref_squeeze %dma_start3A_1804 : memref<1x200xi32, #tpu.memory_space<hbm>> -> memref<200xi32, #tpu.memory_space<hbm>>
        tpu.enqueue_dma source(%dma_start3A_1805 : memref<200xi32, #tpu.memory_space<hbm>>) target(%dma_start3A_1802 : memref<200xi32, #tpu.memory_space<vmem>>) target_semaphore(%dma_start3A_1799 : memref<!tpu.dma_semaphore, #tpu.memory_space<semaphore_mem>>)
      } else {
      }
      %mul3A_1059 = arith.constant 8 : i32
      %mul3A_1060 = arith.muli %scan3A_958, %mul3A_1059 : i32
      %add3A_1061 = arith.constant 1 : i32
      %add3A_1062 = arith.addi %mul3A_1060, %add3A_1061 : i32
      %sub3A_1063 = arith.constant 8 : i32
      %sub3A_1064 = arith.subi %add3A_1062, %sub3A_1063 : i32
      %add3A_1065 = arith.addi %mul3A_2, %sub3A_1064 : i32
      %dma_wait3A_1066 = arith.constant 1 : i32
      %dma_wait3A_1067 = arith.constant 1 : i32
      %dma_wait3A_1068 = arith.constant 0 : i32
      %dma_wait3A_1069 = arith.constant 0 : i32
      %dma_wait3A_1070 = tpu.memref_slice %arg6[%dma_wait3A_1066, %dma_wait3A_1068, %dma_wait3A_1069] : memref<8x200x64xf32, #tpu.memory_space<vmem>> -> memref<1x200x64xf32, #tpu.memory_space<vmem>>
      %dma_wait3A_1071 = tpu.memref_squeeze %dma_wait3A_1070 : memref<1x200x64xf32, #tpu.memory_space<vmem>> -> memref<200x64xf32, #tpu.memory_space<vmem>>
      %dma_wait3A_1072 = arith.constant 0 : i32
      %dma_wait3A_1073 = arith.constant 0 : i32
      %dma_wait3A_1074 = tpu.memref_slice %arg4[%add3A_1065, %dma_wait3A_1072, %dma_wait3A_1073] : memref<16384x200x128xf32, #tpu.memory_space<hbm>> -> memref<1x200x64xf32, #tpu.memory_space<hbm>>
      %dma_wait3A_1075 = tpu.memref_squeeze %dma_wait3A_1074 : memref<1x200x64xf32, #tpu.memory_space<hbm>> -> memref<200x64xf32, #tpu.memory_space<hbm>>
      %dma_wait3A_1076 = tpu.memref_slice %arg9[%dma_wait3A_1067] : memref<8x!tpu.dma_semaphore, #tpu.memory_space<semaphore_mem>> -> memref<1x!tpu.dma_semaphore, #tpu.memory_space<semaphore_mem>>
      %dma_wait3A_1077 = tpu.memref_squeeze %dma_wait3A_1076 : memref<1x!tpu.dma_semaphore, #tpu.memory_space<semaphore_mem>> -> memref<!tpu.dma_semaphore, #tpu.memory_space<semaphore_mem>>
      %dma_wait3A_1078 = arith.constant 0 : i32
      %dma_wait3A_1079 = arith.constant 0 : i32
      %dma_wait3A_1080 = tpu.memref_slice %arg4[%add3A_1065, %dma_wait3A_1078, %dma_wait3A_1079] : memref<16384x200x128xf32, #tpu.memory_space<hbm>> -> memref<1x200x64xf32, #tpu.memory_space<hbm>>
      %dma_wait3A_1081 = tpu.memref_squeeze %dma_wait3A_1080 : memref<1x200x64xf32, #tpu.memory_space<hbm>> -> memref<200x64xf32, #tpu.memory_space<hbm>>
      %dma_wait3A_1082 = arith.constant 0 : i32
      %dma_wait3A_1083 = arith.constant 0 : i32
      %dma_wait3A_1084 = tpu.memref_slice %arg6[%dma_wait3A_1066, %dma_wait3A_1082, %dma_wait3A_1083] : memref<8x200x64xf32, #tpu.memory_space<vmem>> -> memref<1x200x64xf32, #tpu.memory_space<vmem>>
      %dma_wait3A_1085 = tpu.memref_squeeze %dma_wait3A_1084 : memref<1x200x64xf32, #tpu.memory_space<vmem>> -> memref<200x64xf32, #tpu.memory_space<vmem>>
      tpu.wait_dma2 semaphore(%dma_wait3A_1077 : memref<!tpu.dma_semaphore, #tpu.memory_space<semaphore_mem>>) src(%dma_wait3A_1085 : memref<200x64xf32, #tpu.memory_space<vmem>>) dst(%dma_wait3A_1081 : memref<200x64xf32, #tpu.memory_space<hbm>>)
      %add3A_1086 = arith.addi %mul3A_2, %add3A_1062 : i32
      %dma_wait3A_1087 = arith.constant 1 : i32
      %dma_wait3A_1088 = arith.constant 1 : i32
      %dma_wait3A_1089 = arith.constant 0 : i32
      %dma_wait3A_1090 = tpu.memref_slice %arg5[%dma_wait3A_1087, %dma_wait3A_1089] : memref<8x200xi32, #tpu.memory_space<vmem>> -> memref<1x200xi32, #tpu.memory_space<vmem>>
      %dma_wait3A_1091 = tpu.memref_squeeze %dma_wait3A_1090 : memref<1x200xi32, #tpu.memory_space<vmem>> -> memref<200xi32, #tpu.memory_space<vmem>>
      %dma_wait3A_1092 = arith.constant 0 : i32
      %dma_wait3A_1093 = tpu.memref_slice %arg3[%add3A_1086, %dma_wait3A_1092] : memref<16384x200xi32, #tpu.memory_space<hbm>> -> memref<1x200xi32, #tpu.memory_space<hbm>>
      %dma_wait3A_1094 = tpu.memref_squeeze %dma_wait3A_1093 : memref<1x200xi32, #tpu.memory_space<hbm>> -> memref<200xi32, #tpu.memory_space<hbm>>
      %dma_wait3A_1095 = tpu.memref_slice %arg7[%dma_wait3A_1088] : memref<8x!tpu.dma_semaphore, #tpu.memory_space<semaphore_mem>> -> memref<1x!tpu.dma_semaphore, #tpu.memory_space<semaphore_mem>>
      %dma_wait3A_1096 = tpu.memref_squeeze %dma_wait3A_1095 : memref<1x!tpu.dma_semaphore, #tpu.memory_space<semaphore_mem>> -> memref<!tpu.dma_semaphore, #tpu.memory_space<semaphore_mem>>
      %dma_wait3A_1097 = arith.constant 0 : i32
      %dma_wait3A_1098 = tpu.memref_slice %arg5[%dma_wait3A_1087, %dma_wait3A_1097] : memref<8x200xi32, #tpu.memory_space<vmem>> -> memref<1x200xi32, #tpu.memory_space<vmem>>
      %dma_wait3A_1099 = tpu.memref_squeeze %dma_wait3A_1098 : memref<1x200xi32, #tpu.memory_space<vmem>> -> memref<200xi32, #tpu.memory_space<vmem>>
      %dma_wait3A_1100 = arith.constant 0 : i32
      %dma_wait3A_1101 = tpu.memref_slice %arg3[%add3A_1086, %dma_wait3A_1100] : memref<16384x200xi32, #tpu.memory_space<hbm>> -> memref<1x200xi32, #tpu.memory_space<hbm>>
      %dma_wait3A_1102 = tpu.memref_squeeze %dma_wait3A_1101 : memref<1x200xi32, #tpu.memory_space<hbm>> -> memref<200xi32, #tpu.memory_space<hbm>>
      tpu.wait_dma2 semaphore(%dma_wait3A_1096 : memref<!tpu.dma_semaphore, #tpu.memory_space<semaphore_mem>>) src(%dma_wait3A_1102 : memref<200xi32, #tpu.memory_space<hbm>>) dst(%dma_wait3A_1099 : memref<200xi32, #tpu.memory_space<vmem>>)
      %dma_start3A_1103 = arith.constant 1 : i32
      %dma_start3A_1104 = arith.constant 1 : i32
      %dma_start3A_1105 = arith.constant 1 : i32
      %dma_start3A_1106 = arith.constant 0 : i32
      %dma_start3A_1107 = arith.constant 0 : i32
      %dma_start3A_1108 = tpu.memref_slice %arg6[%dma_start3A_1104, %dma_start3A_1106, %dma_start3A_1107] : memref<8x200x64xf32, #tpu.memory_space<vmem>> -> memref<1x200x64xf32, #tpu.memory_space<vmem>>
      %dma_start3A_1109 = tpu.memref_squeeze %dma_start3A_1108 : memref<1x200x64xf32, #tpu.memory_space<vmem>> -> memref<200x64xf32, #tpu.memory_space<vmem>>
      %dma_start3A_1110 = arith.constant 0 : i32
      %dma_start3A_1111 = tpu.memref_slice %arg5[%dma_start3A_1103, %dma_start3A_1110] : memref<8x200xi32, #tpu.memory_space<vmem>> -> memref<1x200xi32, #tpu.memory_space<vmem>>
      %dma_start3A_1112 = tpu.memref_squeeze %dma_start3A_1111 : memref<1x200xi32, #tpu.memory_space<vmem>> -> memref<200xi32, #tpu.memory_space<vmem>>
      %dma_start3A_1113 = arith.constant 0 : i32
      %dma_start3A_1114 = arith.constant 0 : i32
      %dma_start3A_1115 = tpu.memref_slice %arg2[%dma_start3A_1113, %dma_start3A_1114] : memref<1000000x64xf32, #tpu.memory_space<hbm>> -> memref<1000000x64xf32, #tpu.memory_space<hbm>>
      %dma_start3A_1116 = tpu.memref_slice %arg8[%dma_start3A_1105] : memref<8x!tpu.dma_semaphore, #tpu.memory_space<semaphore_mem>> -> memref<1x!tpu.dma_semaphore, #tpu.memory_space<semaphore_mem>>
      %dma_start3A_1117 = tpu.memref_squeeze %dma_start3A_1116 : memref<1x!tpu.dma_semaphore, #tpu.memory_space<semaphore_mem>> -> memref<!tpu.dma_semaphore, #tpu.memory_space<semaphore_mem>>
      tpu.enqueue_indirect_dma source(%dma_start3A_1115 : memref<1000000x64xf32, #tpu.memory_space<hbm>>) target(%dma_start3A_1109 : memref<200x64xf32, #tpu.memory_space<vmem>>) offsets(%dma_start3A_1112 : memref<200xi32, #tpu.memory_space<vmem>>) semaphore(%dma_start3A_1117 : memref<!tpu.dma_semaphore, #tpu.memory_space<semaphore_mem>>)
      %dma_wait3A_1118 = arith.constant 5 : i32
      %dma_wait3A_1119 = arith.constant 5 : i32
      %dma_wait3A_1120 = arith.constant 5 : i32
      %dma_wait3A_1121 = arith.constant 0 : i32
      %dma_wait3A_1122 = arith.constant 0 : i32
      %dma_wait3A_1123 = tpu.memref_slice %arg6[%dma_wait3A_1119, %dma_wait3A_1121, %dma_wait3A_1122] : memref<8x200x64xf32, #tpu.memory_space<vmem>> -> memref<1x200x64xf32, #tpu.memory_space<vmem>>
      %dma_wait3A_1124 = tpu.memref_squeeze %dma_wait3A_1123 : memref<1x200x64xf32, #tpu.memory_space<vmem>> -> memref<200x64xf32, #tpu.memory_space<vmem>>
      %dma_wait3A_1125 = arith.constant 0 : i32
      %dma_wait3A_1126 = tpu.memref_slice %arg5[%dma_wait3A_1118, %dma_wait3A_1125] : memref<8x200xi32, #tpu.memory_space<vmem>> -> memref<1x200xi32, #tpu.memory_space<vmem>>
      %dma_wait3A_1127 = tpu.memref_squeeze %dma_wait3A_1126 : memref<1x200xi32, #tpu.memory_space<vmem>> -> memref<200xi32, #tpu.memory_space<vmem>>
      %dma_wait3A_1128 = arith.constant 0 : i32
      %dma_wait3A_1129 = arith.constant 0 : i32
      %dma_wait3A_1130 = tpu.memref_slice %arg2[%dma_wait3A_1128, %dma_wait3A_1129] : memref<1000000x64xf32, #tpu.memory_space<hbm>> -> memref<1000000x64xf32, #tpu.memory_space<hbm>>
      %dma_wait3A_1131 = tpu.memref_slice %arg8[%dma_wait3A_1120] : memref<8x!tpu.dma_semaphore, #tpu.memory_space<semaphore_mem>> -> memref<1x!tpu.dma_semaphore, #tpu.memory_space<semaphore_mem>>
      %dma_wait3A_1132 = tpu.memref_squeeze %dma_wait3A_1131 : memref<1x!tpu.dma_semaphore, #tpu.memory_space<semaphore_mem>> -> memref<!tpu.dma_semaphore, #tpu.memory_space<semaphore_mem>>
      tpu.wait_indirect_dma semaphore(%dma_wait3A_1132 : memref<!tpu.dma_semaphore, #tpu.memory_space<semaphore_mem>>) src(%dma_wait3A_1130 : memref<1000000x64xf32, #tpu.memory_space<hbm>>) dst(%dma_wait3A_1124 : memref<200x64xf32, #tpu.memory_space<vmem>>)
      %sub3A_1133 = arith.constant 4 : i32
      %sub3A_1134 = arith.subi %add3A_1062, %sub3A_1133 : i32
      %add3A_1135 = arith.addi %mul3A_2, %sub3A_1134 : i32
      %dma_start3A_1136 = arith.constant 5 : i32
      %dma_start3A_1137 = arith.constant 5 : i32
      %dma_start3A_1138 = arith.constant 0 : i32
      %dma_start3A_1139 = arith.constant 0 : i32
      %dma_start3A_1140 = tpu.memref_slice %arg6[%dma_start3A_1136, %dma_start3A_1138, %dma_start3A_1139] : memref<8x200x64xf32, #tpu.memory_space<vmem>> -> memref<1x200x64xf32, #tpu.memory_space<vmem>>
      %dma_start3A_1141 = tpu.memref_squeeze %dma_start3A_1140 : memref<1x200x64xf32, #tpu.memory_space<vmem>> -> memref<200x64xf32, #tpu.memory_space<vmem>>
      %dma_start3A_1142 = arith.constant 0 : i32
      %dma_start3A_1143 = arith.constant 0 : i32
      %dma_start3A_1144 = tpu.memref_slice %arg4[%add3A_1135, %dma_start3A_1142, %dma_start3A_1143] : memref<16384x200x128xf32, #tpu.memory_space<hbm>> -> memref<1x200x64xf32, #tpu.memory_space<hbm>>
      %dma_start3A_1145 = tpu.memref_squeeze %dma_start3A_1144 : memref<1x200x64xf32, #tpu.memory_space<hbm>> -> memref<200x64xf32, #tpu.memory_space<hbm>>
      %dma_start3A_1146 = tpu.memref_slice %arg9[%dma_start3A_1137] : memref<8x!tpu.dma_semaphore, #tpu.memory_space<semaphore_mem>> -> memref<1x!tpu.dma_semaphore, #tpu.memory_space<semaphore_mem>>
      %dma_start3A_1147 = tpu.memref_squeeze %dma_start3A_1146 : memref<1x!tpu.dma_semaphore, #tpu.memory_space<semaphore_mem>> -> memref<!tpu.dma_semaphore, #tpu.memory_space<semaphore_mem>>
      %dma_start3A_1148 = arith.constant 0 : i32
      %dma_start3A_1149 = arith.constant 0 : i32
      %dma_start3A_1150 = tpu.memref_slice %arg4[%add3A_1135, %dma_start3A_1148, %dma_start3A_1149] : memref<16384x200x128xf32, #tpu.memory_space<hbm>> -> memref<1x200x64xf32, #tpu.memory_space<hbm>>
      %dma_start3A_1151 = tpu.memref_squeeze %dma_start3A_1150 : memref<1x200x64xf32, #tpu.memory_space<hbm>> -> memref<200x64xf32, #tpu.memory_space<hbm>>
      %dma_start3A_1152 = arith.constant 0 : i32
      %dma_start3A_1153 = arith.constant 0 : i32
      %dma_start3A_1154 = tpu.memref_slice %arg6[%dma_start3A_1136, %dma_start3A_1152, %dma_start3A_1153] : memref<8x200x64xf32, #tpu.memory_space<vmem>> -> memref<1x200x64xf32, #tpu.memory_space<vmem>>
      %dma_start3A_1155 = tpu.memref_squeeze %dma_start3A_1154 : memref<1x200x64xf32, #tpu.memory_space<vmem>> -> memref<200x64xf32, #tpu.memory_space<vmem>>
      tpu.enqueue_dma source(%dma_start3A_1155 : memref<200x64xf32, #tpu.memory_space<vmem>>) target(%dma_start3A_1151 : memref<200x64xf32, #tpu.memory_space<hbm>>) target_semaphore(%dma_start3A_1147 : memref<!tpu.dma_semaphore, #tpu.memory_space<semaphore_mem>>)
      %add3A_1156 = arith.constant 4 : i32
      %add3A_1157 = arith.addi %add3A_1062, %add3A_1156 : i32
      %lt3A_1158 = arith.constant 512 : i32
      %lt3A_1159 = arith.cmpi slt, %add3A_1157, %lt3A_1158 : i32
      %convert_element_type3A_1160 = arith.extui %lt3A_1159 : i1 to i32
      %cond3A_1161 = arith.constant 0 : i32
      %cond3A_1162 = arith.cmpi ne, %convert_element_type3A_1160, %cond3A_1161 : i32
      scf.if %cond3A_1162 {
        %add3A_1787 = arith.constant 4 : i32
        %add3A_1788 = arith.addi %add3A_1062, %add3A_1787 : i32
        %add3A_1789 = arith.addi %mul3A_2, %add3A_1788 : i32
        %dma_start3A_1790 = arith.constant 5 : i32
        %dma_start3A_1791 = arith.constant 5 : i32
        %dma_start3A_1792 = arith.constant 0 : i32
        %dma_start3A_1793 = tpu.memref_slice %arg5[%dma_start3A_1790, %dma_start3A_1792] : memref<8x200xi32, #tpu.memory_space<vmem>> -> memref<1x200xi32, #tpu.memory_space<vmem>>
        %dma_start3A_1794 = tpu.memref_squeeze %dma_start3A_1793 : memref<1x200xi32, #tpu.memory_space<vmem>> -> memref<200xi32, #tpu.memory_space<vmem>>
        %dma_start3A_1795 = arith.constant 0 : i32
        %dma_start3A_1796 = tpu.memref_slice %arg3[%add3A_1789, %dma_start3A_1795] : memref<16384x200xi32, #tpu.memory_space<hbm>> -> memref<1x200xi32, #tpu.memory_space<hbm>>
        %dma_start3A_1797 = tpu.memref_squeeze %dma_start3A_1796 : memref<1x200xi32, #tpu.memory_space<hbm>> -> memref<200xi32, #tpu.memory_space<hbm>>
        %dma_start3A_1798 = tpu.memref_slice %arg7[%dma_start3A_1791] : memref<8x!tpu.dma_semaphore, #tpu.memory_space<semaphore_mem>> -> memref<1x!tpu.dma_semaphore, #tpu.memory_space<semaphore_mem>>
        %dma_start3A_1799 = tpu.memref_squeeze %dma_start3A_1798 : memref<1x!tpu.dma_semaphore, #tpu.memory_space<semaphore_mem>> -> memref<!tpu.dma_semaphore, #tpu.memory_space<semaphore_mem>>
        %dma_start3A_1800 = arith.constant 0 : i32
        %dma_start3A_1801 = tpu.memref_slice %arg5[%dma_start3A_1790, %dma_start3A_1800] : memref<8x200xi32, #tpu.memory_space<vmem>> -> memref<1x200xi32, #tpu.memory_space<vmem>>
        %dma_start3A_1802 = tpu.memref_squeeze %dma_start3A_1801 : memref<1x200xi32, #tpu.memory_space<vmem>> -> memref<200xi32, #tpu.memory_space<vmem>>
        %dma_start3A_1803 = arith.constant 0 : i32
        %dma_start3A_1804 = tpu.memref_slice %arg3[%add3A_1789, %dma_start3A_1803] : memref<16384x200xi32, #tpu.memory_space<hbm>> -> memref<1x200xi32, #tpu.memory_space<hbm>>
        %dma_start3A_1805 = tpu.memref_squeeze %dma_start3A_1804 : memref<1x200xi32, #tpu.memory_space<hbm>> -> memref<200xi32, #tpu.memory_space<hbm>>
        tpu.enqueue_dma source(%dma_start3A_1805 : memref<200xi32, #tpu.memory_space<hbm>>) target(%dma_start3A_1802 : memref<200xi32, #tpu.memory_space<vmem>>) target_semaphore(%dma_start3A_1799 : memref<!tpu.dma_semaphore, #tpu.memory_space<semaphore_mem>>)
      } else {
      }
      %mul3A_1163 = arith.constant 8 : i32
      %mul3A_1164 = arith.muli %scan3A_958, %mul3A_1163 : i32
      %add3A_1165 = arith.constant 2 : i32
      %add3A_1166 = arith.addi %mul3A_1164, %add3A_1165 : i32
      %sub3A_1167 = arith.constant 8 : i32
      %sub3A_1168 = arith.subi %add3A_1166, %sub3A_1167 : i32
      %add3A_1169 = arith.addi %mul3A_2, %sub3A_1168 : i32
      %dma_wait3A_1170 = arith.constant 2 : i32
      %dma_wait3A_1171 = arith.constant 2 : i32
      %dma_wait3A_1172 = arith.constant 0 : i32
      %dma_wait3A_1173 = arith.constant 0 : i32
      %dma_wait3A_1174 = tpu.memref_slice %arg6[%dma_wait3A_1170, %dma_wait3A_1172, %dma_wait3A_1173] : memref<8x200x64xf32, #tpu.memory_space<vmem>> -> memref<1x200x64xf32, #tpu.memory_space<vmem>>
      %dma_wait3A_1175 = tpu.memref_squeeze %dma_wait3A_1174 : memref<1x200x64xf32, #tpu.memory_space<vmem>> -> memref<200x64xf32, #tpu.memory_space<vmem>>
      %dma_wait3A_1176 = arith.constant 0 : i32
      %dma_wait3A_1177 = arith.constant 0 : i32
      %dma_wait3A_1178 = tpu.memref_slice %arg4[%add3A_1169, %dma_wait3A_1176, %dma_wait3A_1177] : memref<16384x200x128xf32, #tpu.memory_space<hbm>> -> memref<1x200x64xf32, #tpu.memory_space<hbm>>
      %dma_wait3A_1179 = tpu.memref_squeeze %dma_wait3A_1178 : memref<1x200x64xf32, #tpu.memory_space<hbm>> -> memref<200x64xf32, #tpu.memory_space<hbm>>
      %dma_wait3A_1180 = tpu.memref_slice %arg9[%dma_wait3A_1171] : memref<8x!tpu.dma_semaphore, #tpu.memory_space<semaphore_mem>> -> memref<1x!tpu.dma_semaphore, #tpu.memory_space<semaphore_mem>>
      %dma_wait3A_1181 = tpu.memref_squeeze %dma_wait3A_1180 : memref<1x!tpu.dma_semaphore, #tpu.memory_space<semaphore_mem>> -> memref<!tpu.dma_semaphore, #tpu.memory_space<semaphore_mem>>
      %dma_wait3A_1182 = arith.constant 0 : i32
      %dma_wait3A_1183 = arith.constant 0 : i32
      %dma_wait3A_1184 = tpu.memref_slice %arg4[%add3A_1169, %dma_wait3A_1182, %dma_wait3A_1183] : memref<16384x200x128xf32, #tpu.memory_space<hbm>> -> memref<1x200x64xf32, #tpu.memory_space<hbm>>
      %dma_wait3A_1185 = tpu.memref_squeeze %dma_wait3A_1184 : memref<1x200x64xf32, #tpu.memory_space<hbm>> -> memref<200x64xf32, #tpu.memory_space<hbm>>
      %dma_wait3A_1186 = arith.constant 0 : i32
      %dma_wait3A_1187 = arith.constant 0 : i32
      %dma_wait3A_1188 = tpu.memref_slice %arg6[%dma_wait3A_1170, %dma_wait3A_1186, %dma_wait3A_1187] : memref<8x200x64xf32, #tpu.memory_space<vmem>> -> memref<1x200x64xf32, #tpu.memory_space<vmem>>
      %dma_wait3A_1189 = tpu.memref_squeeze %dma_wait3A_1188 : memref<1x200x64xf32, #tpu.memory_space<vmem>> -> memref<200x64xf32, #tpu.memory_space<vmem>>
      tpu.wait_dma2 semaphore(%dma_wait3A_1181 : memref<!tpu.dma_semaphore, #tpu.memory_space<semaphore_mem>>) src(%dma_wait3A_1189 : memref<200x64xf32, #tpu.memory_space<vmem>>) dst(%dma_wait3A_1185 : memref<200x64xf32, #tpu.memory_space<hbm>>)
      %add3A_1190 = arith.addi %mul3A_2, %add3A_1166 : i32
      %dma_wait3A_1191 = arith.constant 2 : i32
      %dma_wait3A_1192 = arith.constant 2 : i32
      %dma_wait3A_1193 = arith.constant 0 : i32
      %dma_wait3A_1194 = tpu.memref_slice %arg5[%dma_wait3A_1191, %dma_wait3A_1193] : memref<8x200xi32, #tpu.memory_space<vmem>> -> memref<1x200xi32, #tpu.memory_space<vmem>>
      %dma_wait3A_1195 = tpu.memref_squeeze %dma_wait3A_1194 : memref<1x200xi32, #tpu.memory_space<vmem>> -> memref<200xi32, #tpu.memory_space<vmem>>
      %dma_wait3A_1196 = arith.constant 0 : i32
      %dma_wait3A_1197 = tpu.memref_slice %arg3[%add3A_1190, %dma_wait3A_1196] : memref<16384x200xi32, #tpu.memory_space<hbm>> -> memref<1x200xi32, #tpu.memory_space<hbm>>
      %dma_wait3A_1198 = tpu.memref_squeeze %dma_wait3A_1197 : memref<1x200xi32, #tpu.memory_space<hbm>> -> memref<200xi32, #tpu.memory_space<hbm>>
      %dma_wait3A_1199 = tpu.memref_slice %arg7[%dma_wait3A_1192] : memref<8x!tpu.dma_semaphore, #tpu.memory_space<semaphore_mem>> -> memref<1x!tpu.dma_semaphore, #tpu.memory_space<semaphore_mem>>
      %dma_wait3A_1200 = tpu.memref_squeeze %dma_wait3A_1199 : memref<1x!tpu.dma_semaphore, #tpu.memory_space<semaphore_mem>> -> memref<!tpu.dma_semaphore, #tpu.memory_space<semaphore_mem>>
      %dma_wait3A_1201 = arith.constant 0 : i32
      %dma_wait3A_1202 = tpu.memref_slice %arg5[%dma_wait3A_1191, %dma_wait3A_1201] : memref<8x200xi32, #tpu.memory_space<vmem>> -> memref<1x200xi32, #tpu.memory_space<vmem>>
      %dma_wait3A_1203 = tpu.memref_squeeze %dma_wait3A_1202 : memref<1x200xi32, #tpu.memory_space<vmem>> -> memref<200xi32, #tpu.memory_space<vmem>>
      %dma_wait3A_1204 = arith.constant 0 : i32
      %dma_wait3A_1205 = tpu.memref_slice %arg3[%add3A_1190, %dma_wait3A_1204] : memref<16384x200xi32, #tpu.memory_space<hbm>> -> memref<1x200xi32, #tpu.memory_space<hbm>>
      %dma_wait3A_1206 = tpu.memref_squeeze %dma_wait3A_1205 : memref<1x200xi32, #tpu.memory_space<hbm>> -> memref<200xi32, #tpu.memory_space<hbm>>
      tpu.wait_dma2 semaphore(%dma_wait3A_1200 : memref<!tpu.dma_semaphore, #tpu.memory_space<semaphore_mem>>) src(%dma_wait3A_1206 : memref<200xi32, #tpu.memory_space<hbm>>) dst(%dma_wait3A_1203 : memref<200xi32, #tpu.memory_space<vmem>>)
      %dma_start3A_1207 = arith.constant 2 : i32
      %dma_start3A_1208 = arith.constant 2 : i32
      %dma_start3A_1209 = arith.constant 2 : i32
      %dma_start3A_1210 = arith.constant 0 : i32
      %dma_start3A_1211 = arith.constant 0 : i32
      %dma_start3A_1212 = tpu.memref_slice %arg6[%dma_start3A_1208, %dma_start3A_1210, %dma_start3A_1211] : memref<8x200x64xf32, #tpu.memory_space<vmem>> -> memref<1x200x64xf32, #tpu.memory_space<vmem>>
      %dma_start3A_1213 = tpu.memref_squeeze %dma_start3A_1212 : memref<1x200x64xf32, #tpu.memory_space<vmem>> -> memref<200x64xf32, #tpu.memory_space<vmem>>
      %dma_start3A_1214 = arith.constant 0 : i32
      %dma_start3A_1215 = tpu.memref_slice %arg5[%dma_start3A_1207, %dma_start3A_1214] : memref<8x200xi32, #tpu.memory_space<vmem>> -> memref<1x200xi32, #tpu.memory_space<vmem>>
      %dma_start3A_1216 = tpu.memref_squeeze %dma_start3A_1215 : memref<1x200xi32, #tpu.memory_space<vmem>> -> memref<200xi32, #tpu.memory_space<vmem>>
      %dma_start3A_1217 = arith.constant 0 : i32
      %dma_start3A_1218 = arith.constant 0 : i32
      %dma_start3A_1219 = tpu.memref_slice %arg2[%dma_start3A_1217, %dma_start3A_1218] : memref<1000000x64xf32, #tpu.memory_space<hbm>> -> memref<1000000x64xf32, #tpu.memory_space<hbm>>
      %dma_start3A_1220 = tpu.memref_slice %arg8[%dma_start3A_1209] : memref<8x!tpu.dma_semaphore, #tpu.memory_space<semaphore_mem>> -> memref<1x!tpu.dma_semaphore, #tpu.memory_space<semaphore_mem>>
      %dma_start3A_1221 = tpu.memref_squeeze %dma_start3A_1220 : memref<1x!tpu.dma_semaphore, #tpu.memory_space<semaphore_mem>> -> memref<!tpu.dma_semaphore, #tpu.memory_space<semaphore_mem>>
      tpu.enqueue_indirect_dma source(%dma_start3A_1219 : memref<1000000x64xf32, #tpu.memory_space<hbm>>) target(%dma_start3A_1213 : memref<200x64xf32, #tpu.memory_space<vmem>>) offsets(%dma_start3A_1216 : memref<200xi32, #tpu.memory_space<vmem>>) semaphore(%dma_start3A_1221 : memref<!tpu.dma_semaphore, #tpu.memory_space<semaphore_mem>>)
      %dma_wait3A_1222 = arith.constant 6 : i32
      %dma_wait3A_1223 = arith.constant 6 : i32
      %dma_wait3A_1224 = arith.constant 6 : i32
      %dma_wait3A_1225 = arith.constant 0 : i32
      %dma_wait3A_1226 = arith.constant 0 : i32
      %dma_wait3A_1227 = tpu.memref_slice %arg6[%dma_wait3A_1223, %dma_wait3A_1225, %dma_wait3A_1226] : memref<8x200x64xf32, #tpu.memory_space<vmem>> -> memref<1x200x64xf32, #tpu.memory_space<vmem>>
      %dma_wait3A_1228 = tpu.memref_squeeze %dma_wait3A_1227 : memref<1x200x64xf32, #tpu.memory_space<vmem>> -> memref<200x64xf32, #tpu.memory_space<vmem>>
      %dma_wait3A_1229 = arith.constant 0 : i32
      %dma_wait3A_1230 = tpu.memref_slice %arg5[%dma_wait3A_1222, %dma_wait3A_1229] : memref<8x200xi32, #tpu.memory_space<vmem>> -> memref<1x200xi32, #tpu.memory_space<vmem>>
      %dma_wait3A_1231 = tpu.memref_squeeze %dma_wait3A_1230 : memref<1x200xi32, #tpu.memory_space<vmem>> -> memref<200xi32, #tpu.memory_space<vmem>>
      %dma_wait3A_1232 = arith.constant 0 : i32
      %dma_wait3A_1233 = arith.constant 0 : i32
      %dma_wait3A_1234 = tpu.memref_slice %arg2[%dma_wait3A_1232, %dma_wait3A_1233] : memref<1000000x64xf32, #tpu.memory_space<hbm>> -> memref<1000000x64xf32, #tpu.memory_space<hbm>>
      %dma_wait3A_1235 = tpu.memref_slice %arg8[%dma_wait3A_1224] : memref<8x!tpu.dma_semaphore, #tpu.memory_space<semaphore_mem>> -> memref<1x!tpu.dma_semaphore, #tpu.memory_space<semaphore_mem>>
      %dma_wait3A_1236 = tpu.memref_squeeze %dma_wait3A_1235 : memref<1x!tpu.dma_semaphore, #tpu.memory_space<semaphore_mem>> -> memref<!tpu.dma_semaphore, #tpu.memory_space<semaphore_mem>>
      tpu.wait_indirect_dma semaphore(%dma_wait3A_1236 : memref<!tpu.dma_semaphore, #tpu.memory_space<semaphore_mem>>) src(%dma_wait3A_1234 : memref<1000000x64xf32, #tpu.memory_space<hbm>>) dst(%dma_wait3A_1228 : memref<200x64xf32, #tpu.memory_space<vmem>>)
      %sub3A_1237 = arith.constant 4 : i32
      %sub3A_1238 = arith.subi %add3A_1166, %sub3A_1237 : i32
      %add3A_1239 = arith.addi %mul3A_2, %sub3A_1238 : i32
      %dma_start3A_1240 = arith.constant 6 : i32
      %dma_start3A_1241 = arith.constant 6 : i32
      %dma_start3A_1242 = arith.constant 0 : i32
      %dma_start3A_1243 = arith.constant 0 : i32
      %dma_start3A_1244 = tpu.memref_slice %arg6[%dma_start3A_1240, %dma_start3A_1242, %dma_start3A_1243] : memref<8x200x64xf32, #tpu.memory_space<vmem>> -> memref<1x200x64xf32, #tpu.memory_space<vmem>>
      %dma_start3A_1245 = tpu.memref_squeeze %dma_start3A_1244 : memref<1x200x64xf32, #tpu.memory_space<vmem>> -> memref<200x64xf32, #tpu.memory_space<vmem>>
      %dma_start3A_1246 = arith.constant 0 : i32
      %dma_start3A_1247 = arith.constant 0 : i32
      %dma_start3A_1248 = tpu.memref_slice %arg4[%add3A_1239, %dma_start3A_1246, %dma_start3A_1247] : memref<16384x200x128xf32, #tpu.memory_space<hbm>> -> memref<1x200x64xf32, #tpu.memory_space<hbm>>
      %dma_start3A_1249 = tpu.memref_squeeze %dma_start3A_1248 : memref<1x200x64xf32, #tpu.memory_space<hbm>> -> memref<200x64xf32, #tpu.memory_space<hbm>>
      %dma_start3A_1250 = tpu.memref_slice %arg9[%dma_start3A_1241] : memref<8x!tpu.dma_semaphore, #tpu.memory_space<semaphore_mem>> -> memref<1x!tpu.dma_semaphore, #tpu.memory_space<semaphore_mem>>
      %dma_start3A_1251 = tpu.memref_squeeze %dma_start3A_1250 : memref<1x!tpu.dma_semaphore, #tpu.memory_space<semaphore_mem>> -> memref<!tpu.dma_semaphore, #tpu.memory_space<semaphore_mem>>
      %dma_start3A_1252 = arith.constant 0 : i32
      %dma_start3A_1253 = arith.constant 0 : i32
      %dma_start3A_1254 = tpu.memref_slice %arg4[%add3A_1239, %dma_start3A_1252, %dma_start3A_1253] : memref<16384x200x128xf32, #tpu.memory_space<hbm>> -> memref<1x200x64xf32, #tpu.memory_space<hbm>>
      %dma_start3A_1255 = tpu.memref_squeeze %dma_start3A_1254 : memref<1x200x64xf32, #tpu.memory_space<hbm>> -> memref<200x64xf32, #tpu.memory_space<hbm>>
      %dma_start3A_1256 = arith.constant 0 : i32
      %dma_start3A_1257 = arith.constant 0 : i32
      %dma_start3A_1258 = tpu.memref_slice %arg6[%dma_start3A_1240, %dma_start3A_1256, %dma_start3A_1257] : memref<8x200x64xf32, #tpu.memory_space<vmem>> -> memref<1x200x64xf32, #tpu.memory_space<vmem>>
      %dma_start3A_1259 = tpu.memref_squeeze %dma_start3A_1258 : memref<1x200x64xf32, #tpu.memory_space<vmem>> -> memref<200x64xf32, #tpu.memory_space<vmem>>
      tpu.enqueue_dma source(%dma_start3A_1259 : memref<200x64xf32, #tpu.memory_space<vmem>>) target(%dma_start3A_1255 : memref<200x64xf32, #tpu.memory_space<hbm>>) target_semaphore(%dma_start3A_1251 : memref<!tpu.dma_semaphore, #tpu.memory_space<semaphore_mem>>)
      %add3A_1260 = arith.constant 4 : i32
      %add3A_1261 = arith.addi %add3A_1166, %add3A_1260 : i32
      %lt3A_1262 = arith.constant 512 : i32
      %lt3A_1263 = arith.cmpi slt, %add3A_1261, %lt3A_1262 : i32
      %convert_element_type3A_1264 = arith.extui %lt3A_1263 : i1 to i32
      %cond3A_1265 = arith.constant 0 : i32
      %cond3A_1266 = arith.cmpi ne, %convert_element_type3A_1264, %cond3A_1265 : i32
      scf.if %cond3A_1266 {
        %add3A_1787 = arith.constant 4 : i32
        %add3A_1788 = arith.addi %add3A_1166, %add3A_1787 : i32
        %add3A_1789 = arith.addi %mul3A_2, %add3A_1788 : i32
        %dma_start3A_1790 = arith.constant 6 : i32
        %dma_start3A_1791 = arith.constant 6 : i32
        %dma_start3A_1792 = arith.constant 0 : i32
        %dma_start3A_1793 = tpu.memref_slice %arg5[%dma_start3A_1790, %dma_start3A_1792] : memref<8x200xi32, #tpu.memory_space<vmem>> -> memref<1x200xi32, #tpu.memory_space<vmem>>
        %dma_start3A_1794 = tpu.memref_squeeze %dma_start3A_1793 : memref<1x200xi32, #tpu.memory_space<vmem>> -> memref<200xi32, #tpu.memory_space<vmem>>
        %dma_start3A_1795 = arith.constant 0 : i32
        %dma_start3A_1796 = tpu.memref_slice %arg3[%add3A_1789, %dma_start3A_1795] : memref<16384x200xi32, #tpu.memory_space<hbm>> -> memref<1x200xi32, #tpu.memory_space<hbm>>
        %dma_start3A_1797 = tpu.memref_squeeze %dma_start3A_1796 : memref<1x200xi32, #tpu.memory_space<hbm>> -> memref<200xi32, #tpu.memory_space<hbm>>
        %dma_start3A_1798 = tpu.memref_slice %arg7[%dma_start3A_1791] : memref<8x!tpu.dma_semaphore, #tpu.memory_space<semaphore_mem>> -> memref<1x!tpu.dma_semaphore, #tpu.memory_space<semaphore_mem>>
        %dma_start3A_1799 = tpu.memref_squeeze %dma_start3A_1798 : memref<1x!tpu.dma_semaphore, #tpu.memory_space<semaphore_mem>> -> memref<!tpu.dma_semaphore, #tpu.memory_space<semaphore_mem>>
        %dma_start3A_1800 = arith.constant 0 : i32
        %dma_start3A_1801 = tpu.memref_slice %arg5[%dma_start3A_1790, %dma_start3A_1800] : memref<8x200xi32, #tpu.memory_space<vmem>> -> memref<1x200xi32, #tpu.memory_space<vmem>>
        %dma_start3A_1802 = tpu.memref_squeeze %dma_start3A_1801 : memref<1x200xi32, #tpu.memory_space<vmem>> -> memref<200xi32, #tpu.memory_space<vmem>>
        %dma_start3A_1803 = arith.constant 0 : i32
        %dma_start3A_1804 = tpu.memref_slice %arg3[%add3A_1789, %dma_start3A_1803] : memref<16384x200xi32, #tpu.memory_space<hbm>> -> memref<1x200xi32, #tpu.memory_space<hbm>>
        %dma_start3A_1805 = tpu.memref_squeeze %dma_start3A_1804 : memref<1x200xi32, #tpu.memory_space<hbm>> -> memref<200xi32, #tpu.memory_space<hbm>>
        tpu.enqueue_dma source(%dma_start3A_1805 : memref<200xi32, #tpu.memory_space<hbm>>) target(%dma_start3A_1802 : memref<200xi32, #tpu.memory_space<vmem>>) target_semaphore(%dma_start3A_1799 : memref<!tpu.dma_semaphore, #tpu.memory_space<semaphore_mem>>)
      } else {
      }
      %mul3A_1267 = arith.constant 8 : i32
      %mul3A_1268 = arith.muli %scan3A_958, %mul3A_1267 : i32
      %add3A_1269 = arith.constant 3 : i32
      %add3A_1270 = arith.addi %mul3A_1268, %add3A_1269 : i32
      %sub3A_1271 = arith.constant 8 : i32
      %sub3A_1272 = arith.subi %add3A_1270, %sub3A_1271 : i32
      %add3A_1273 = arith.addi %mul3A_2, %sub3A_1272 : i32
      %dma_wait3A_1274 = arith.constant 3 : i32
      %dma_wait3A_1275 = arith.constant 3 : i32
      %dma_wait3A_1276 = arith.constant 0 : i32
      %dma_wait3A_1277 = arith.constant 0 : i32
      %dma_wait3A_1278 = tpu.memref_slice %arg6[%dma_wait3A_1274, %dma_wait3A_1276, %dma_wait3A_1277] : memref<8x200x64xf32, #tpu.memory_space<vmem>> -> memref<1x200x64xf32, #tpu.memory_space<vmem>>
      %dma_wait3A_1279 = tpu.memref_squeeze %dma_wait3A_1278 : memref<1x200x64xf32, #tpu.memory_space<vmem>> -> memref<200x64xf32, #tpu.memory_space<vmem>>
      %dma_wait3A_1280 = arith.constant 0 : i32
      %dma_wait3A_1281 = arith.constant 0 : i32
      %dma_wait3A_1282 = tpu.memref_slice %arg4[%add3A_1273, %dma_wait3A_1280, %dma_wait3A_1281] : memref<16384x200x128xf32, #tpu.memory_space<hbm>> -> memref<1x200x64xf32, #tpu.memory_space<hbm>>
      %dma_wait3A_1283 = tpu.memref_squeeze %dma_wait3A_1282 : memref<1x200x64xf32, #tpu.memory_space<hbm>> -> memref<200x64xf32, #tpu.memory_space<hbm>>
      %dma_wait3A_1284 = tpu.memref_slice %arg9[%dma_wait3A_1275] : memref<8x!tpu.dma_semaphore, #tpu.memory_space<semaphore_mem>> -> memref<1x!tpu.dma_semaphore, #tpu.memory_space<semaphore_mem>>
      %dma_wait3A_1285 = tpu.memref_squeeze %dma_wait3A_1284 : memref<1x!tpu.dma_semaphore, #tpu.memory_space<semaphore_mem>> -> memref<!tpu.dma_semaphore, #tpu.memory_space<semaphore_mem>>
      %dma_wait3A_1286 = arith.constant 0 : i32
      %dma_wait3A_1287 = arith.constant 0 : i32
      %dma_wait3A_1288 = tpu.memref_slice %arg4[%add3A_1273, %dma_wait3A_1286, %dma_wait3A_1287] : memref<16384x200x128xf32, #tpu.memory_space<hbm>> -> memref<1x200x64xf32, #tpu.memory_space<hbm>>
      %dma_wait3A_1289 = tpu.memref_squeeze %dma_wait3A_1288 : memref<1x200x64xf32, #tpu.memory_space<hbm>> -> memref<200x64xf32, #tpu.memory_space<hbm>>
      %dma_wait3A_1290 = arith.constant 0 : i32
      %dma_wait3A_1291 = arith.constant 0 : i32
      %dma_wait3A_1292 = tpu.memref_slice %arg6[%dma_wait3A_1274, %dma_wait3A_1290, %dma_wait3A_1291] : memref<8x200x64xf32, #tpu.memory_space<vmem>> -> memref<1x200x64xf32, #tpu.memory_space<vmem>>
      %dma_wait3A_1293 = tpu.memref_squeeze %dma_wait3A_1292 : memref<1x200x64xf32, #tpu.memory_space<vmem>> -> memref<200x64xf32, #tpu.memory_space<vmem>>
      tpu.wait_dma2 semaphore(%dma_wait3A_1285 : memref<!tpu.dma_semaphore, #tpu.memory_space<semaphore_mem>>) src(%dma_wait3A_1293 : memref<200x64xf32, #tpu.memory_space<vmem>>) dst(%dma_wait3A_1289 : memref<200x64xf32, #tpu.memory_space<hbm>>)
      %add3A_1294 = arith.addi %mul3A_2, %add3A_1270 : i32
      %dma_wait3A_1295 = arith.constant 3 : i32
      %dma_wait3A_1296 = arith.constant 3 : i32
      %dma_wait3A_1297 = arith.constant 0 : i32
      %dma_wait3A_1298 = tpu.memref_slice %arg5[%dma_wait3A_1295, %dma_wait3A_1297] : memref<8x200xi32, #tpu.memory_space<vmem>> -> memref<1x200xi32, #tpu.memory_space<vmem>>
      %dma_wait3A_1299 = tpu.memref_squeeze %dma_wait3A_1298 : memref<1x200xi32, #tpu.memory_space<vmem>> -> memref<200xi32, #tpu.memory_space<vmem>>
      %dma_wait3A_1300 = arith.constant 0 : i32
      %dma_wait3A_1301 = tpu.memref_slice %arg3[%add3A_1294, %dma_wait3A_1300] : memref<16384x200xi32, #tpu.memory_space<hbm>> -> memref<1x200xi32, #tpu.memory_space<hbm>>
      %dma_wait3A_1302 = tpu.memref_squeeze %dma_wait3A_1301 : memref<1x200xi32, #tpu.memory_space<hbm>> -> memref<200xi32, #tpu.memory_space<hbm>>
      %dma_wait3A_1303 = tpu.memref_slice %arg7[%dma_wait3A_1296] : memref<8x!tpu.dma_semaphore, #tpu.memory_space<semaphore_mem>> -> memref<1x!tpu.dma_semaphore, #tpu.memory_space<semaphore_mem>>
      %dma_wait3A_1304 = tpu.memref_squeeze %dma_wait3A_1303 : memref<1x!tpu.dma_semaphore, #tpu.memory_space<semaphore_mem>> -> memref<!tpu.dma_semaphore, #tpu.memory_space<semaphore_mem>>
      %dma_wait3A_1305 = arith.constant 0 : i32
      %dma_wait3A_1306 = tpu.memref_slice %arg5[%dma_wait3A_1295, %dma_wait3A_1305] : memref<8x200xi32, #tpu.memory_space<vmem>> -> memref<1x200xi32, #tpu.memory_space<vmem>>
      %dma_wait3A_1307 = tpu.memref_squeeze %dma_wait3A_1306 : memref<1x200xi32, #tpu.memory_space<vmem>> -> memref<200xi32, #tpu.memory_space<vmem>>
      %dma_wait3A_1308 = arith.constant 0 : i32
      %dma_wait3A_1309 = tpu.memref_slice %arg3[%add3A_1294, %dma_wait3A_1308] : memref<16384x200xi32, #tpu.memory_space<hbm>> -> memref<1x200xi32, #tpu.memory_space<hbm>>
      %dma_wait3A_1310 = tpu.memref_squeeze %dma_wait3A_1309 : memref<1x200xi32, #tpu.memory_space<hbm>> -> memref<200xi32, #tpu.memory_space<hbm>>
      tpu.wait_dma2 semaphore(%dma_wait3A_1304 : memref<!tpu.dma_semaphore, #tpu.memory_space<semaphore_mem>>) src(%dma_wait3A_1310 : memref<200xi32, #tpu.memory_space<hbm>>) dst(%dma_wait3A_1307 : memref<200xi32, #tpu.memory_space<vmem>>)
      %dma_start3A_1311 = arith.constant 3 : i32
      %dma_start3A_1312 = arith.constant 3 : i32
      %dma_start3A_1313 = arith.constant 3 : i32
      %dma_start3A_1314 = arith.constant 0 : i32
      %dma_start3A_1315 = arith.constant 0 : i32
      %dma_start3A_1316 = tpu.memref_slice %arg6[%dma_start3A_1312, %dma_start3A_1314, %dma_start3A_1315] : memref<8x200x64xf32, #tpu.memory_space<vmem>> -> memref<1x200x64xf32, #tpu.memory_space<vmem>>
      %dma_start3A_1317 = tpu.memref_squeeze %dma_start3A_1316 : memref<1x200x64xf32, #tpu.memory_space<vmem>> -> memref<200x64xf32, #tpu.memory_space<vmem>>
      %dma_start3A_1318 = arith.constant 0 : i32
      %dma_start3A_1319 = tpu.memref_slice %arg5[%dma_start3A_1311, %dma_start3A_1318] : memref<8x200xi32, #tpu.memory_space<vmem>> -> memref<1x200xi32, #tpu.memory_space<vmem>>
      %dma_start3A_1320 = tpu.memref_squeeze %dma_start3A_1319 : memref<1x200xi32, #tpu.memory_space<vmem>> -> memref<200xi32, #tpu.memory_space<vmem>>
      %dma_start3A_1321 = arith.constant 0 : i32
      %dma_start3A_1322 = arith.constant 0 : i32
      %dma_start3A_1323 = tpu.memref_slice %arg2[%dma_start3A_1321, %dma_start3A_1322] : memref<1000000x64xf32, #tpu.memory_space<hbm>> -> memref<1000000x64xf32, #tpu.memory_space<hbm>>
      %dma_start3A_1324 = tpu.memref_slice %arg8[%dma_start3A_1313] : memref<8x!tpu.dma_semaphore, #tpu.memory_space<semaphore_mem>> -> memref<1x!tpu.dma_semaphore, #tpu.memory_space<semaphore_mem>>
      %dma_start3A_1325 = tpu.memref_squeeze %dma_start3A_1324 : memref<1x!tpu.dma_semaphore, #tpu.memory_space<semaphore_mem>> -> memref<!tpu.dma_semaphore, #tpu.memory_space<semaphore_mem>>
      tpu.enqueue_indirect_dma source(%dma_start3A_1323 : memref<1000000x64xf32, #tpu.memory_space<hbm>>) target(%dma_start3A_1317 : memref<200x64xf32, #tpu.memory_space<vmem>>) offsets(%dma_start3A_1320 : memref<200xi32, #tpu.memory_space<vmem>>) semaphore(%dma_start3A_1325 : memref<!tpu.dma_semaphore, #tpu.memory_space<semaphore_mem>>)
      %dma_wait3A_1326 = arith.constant 7 : i32
      %dma_wait3A_1327 = arith.constant 7 : i32
      %dma_wait3A_1328 = arith.constant 7 : i32
      %dma_wait3A_1329 = arith.constant 0 : i32
      %dma_wait3A_1330 = arith.constant 0 : i32
      %dma_wait3A_1331 = tpu.memref_slice %arg6[%dma_wait3A_1327, %dma_wait3A_1329, %dma_wait3A_1330] : memref<8x200x64xf32, #tpu.memory_space<vmem>> -> memref<1x200x64xf32, #tpu.memory_space<vmem>>
      %dma_wait3A_1332 = tpu.memref_squeeze %dma_wait3A_1331 : memref<1x200x64xf32, #tpu.memory_space<vmem>> -> memref<200x64xf32, #tpu.memory_space<vmem>>
      %dma_wait3A_1333 = arith.constant 0 : i32
      %dma_wait3A_1334 = tpu.memref_slice %arg5[%dma_wait3A_1326, %dma_wait3A_1333] : memref<8x200xi32, #tpu.memory_space<vmem>> -> memref<1x200xi32, #tpu.memory_space<vmem>>
      %dma_wait3A_1335 = tpu.memref_squeeze %dma_wait3A_1334 : memref<1x200xi32, #tpu.memory_space<vmem>> -> memref<200xi32, #tpu.memory_space<vmem>>
      %dma_wait3A_1336 = arith.constant 0 : i32
      %dma_wait3A_1337 = arith.constant 0 : i32
      %dma_wait3A_1338 = tpu.memref_slice %arg2[%dma_wait3A_1336, %dma_wait3A_1337] : memref<1000000x64xf32, #tpu.memory_space<hbm>> -> memref<1000000x64xf32, #tpu.memory_space<hbm>>
      %dma_wait3A_1339 = tpu.memref_slice %arg8[%dma_wait3A_1328] : memref<8x!tpu.dma_semaphore, #tpu.memory_space<semaphore_mem>> -> memref<1x!tpu.dma_semaphore, #tpu.memory_space<semaphore_mem>>
      %dma_wait3A_1340 = tpu.memref_squeeze %dma_wait3A_1339 : memref<1x!tpu.dma_semaphore, #tpu.memory_space<semaphore_mem>> -> memref<!tpu.dma_semaphore, #tpu.memory_space<semaphore_mem>>
      tpu.wait_indirect_dma semaphore(%dma_wait3A_1340 : memref<!tpu.dma_semaphore, #tpu.memory_space<semaphore_mem>>) src(%dma_wait3A_1338 : memref<1000000x64xf32, #tpu.memory_space<hbm>>) dst(%dma_wait3A_1332 : memref<200x64xf32, #tpu.memory_space<vmem>>)
      %sub3A_1341 = arith.constant 4 : i32
      %sub3A_1342 = arith.subi %add3A_1270, %sub3A_1341 : i32
      %add3A_1343 = arith.addi %mul3A_2, %sub3A_1342 : i32
      %dma_start3A_1344 = arith.constant 7 : i32
      %dma_start3A_1345 = arith.constant 7 : i32
      %dma_start3A_1346 = arith.constant 0 : i32
      %dma_start3A_1347 = arith.constant 0 : i32
      %dma_start3A_1348 = tpu.memref_slice %arg6[%dma_start3A_1344, %dma_start3A_1346, %dma_start3A_1347] : memref<8x200x64xf32, #tpu.memory_space<vmem>> -> memref<1x200x64xf32, #tpu.memory_space<vmem>>
      %dma_start3A_1349 = tpu.memref_squeeze %dma_start3A_1348 : memref<1x200x64xf32, #tpu.memory_space<vmem>> -> memref<200x64xf32, #tpu.memory_space<vmem>>
      %dma_start3A_1350 = arith.constant 0 : i32
      %dma_start3A_1351 = arith.constant 0 : i32
      %dma_start3A_1352 = tpu.memref_slice %arg4[%add3A_1343, %dma_start3A_1350, %dma_start3A_1351] : memref<16384x200x128xf32, #tpu.memory_space<hbm>> -> memref<1x200x64xf32, #tpu.memory_space<hbm>>
      %dma_start3A_1353 = tpu.memref_squeeze %dma_start3A_1352 : memref<1x200x64xf32, #tpu.memory_space<hbm>> -> memref<200x64xf32, #tpu.memory_space<hbm>>
      %dma_start3A_1354 = tpu.memref_slice %arg9[%dma_start3A_1345] : memref<8x!tpu.dma_semaphore, #tpu.memory_space<semaphore_mem>> -> memref<1x!tpu.dma_semaphore, #tpu.memory_space<semaphore_mem>>
      %dma_start3A_1355 = tpu.memref_squeeze %dma_start3A_1354 : memref<1x!tpu.dma_semaphore, #tpu.memory_space<semaphore_mem>> -> memref<!tpu.dma_semaphore, #tpu.memory_space<semaphore_mem>>
      %dma_start3A_1356 = arith.constant 0 : i32
      %dma_start3A_1357 = arith.constant 0 : i32
      %dma_start3A_1358 = tpu.memref_slice %arg4[%add3A_1343, %dma_start3A_1356, %dma_start3A_1357] : memref<16384x200x128xf32, #tpu.memory_space<hbm>> -> memref<1x200x64xf32, #tpu.memory_space<hbm>>
      %dma_start3A_1359 = tpu.memref_squeeze %dma_start3A_1358 : memref<1x200x64xf32, #tpu.memory_space<hbm>> -> memref<200x64xf32, #tpu.memory_space<hbm>>
      %dma_start3A_1360 = arith.constant 0 : i32
      %dma_start3A_1361 = arith.constant 0 : i32
      %dma_start3A_1362 = tpu.memref_slice %arg6[%dma_start3A_1344, %dma_start3A_1360, %dma_start3A_1361] : memref<8x200x64xf32, #tpu.memory_space<vmem>> -> memref<1x200x64xf32, #tpu.memory_space<vmem>>
      %dma_start3A_1363 = tpu.memref_squeeze %dma_start3A_1362 : memref<1x200x64xf32, #tpu.memory_space<vmem>> -> memref<200x64xf32, #tpu.memory_space<vmem>>
      tpu.enqueue_dma source(%dma_start3A_1363 : memref<200x64xf32, #tpu.memory_space<vmem>>) target(%dma_start3A_1359 : memref<200x64xf32, #tpu.memory_space<hbm>>) target_semaphore(%dma_start3A_1355 : memref<!tpu.dma_semaphore, #tpu.memory_space<semaphore_mem>>)
      %add3A_1364 = arith.constant 4 : i32
      %add3A_1365 = arith.addi %add3A_1270, %add3A_1364 : i32
      %lt3A_1366 = arith.constant 512 : i32
      %lt3A_1367 = arith.cmpi slt, %add3A_1365, %lt3A_1366 : i32
      %convert_element_type3A_1368 = arith.extui %lt3A_1367 : i1 to i32
      %cond3A_1369 = arith.constant 0 : i32
      %cond3A_1370 = arith.cmpi ne, %convert_element_type3A_1368, %cond3A_1369 : i32
      scf.if %cond3A_1370 {
        %add3A_1787 = arith.constant 4 : i32
        %add3A_1788 = arith.addi %add3A_1270, %add3A_1787 : i32
        %add3A_1789 = arith.addi %mul3A_2, %add3A_1788 : i32
        %dma_start3A_1790 = arith.constant 7 : i32
        %dma_start3A_1791 = arith.constant 7 : i32
        %dma_start3A_1792 = arith.constant 0 : i32
        %dma_start3A_1793 = tpu.memref_slice %arg5[%dma_start3A_1790, %dma_start3A_1792] : memref<8x200xi32, #tpu.memory_space<vmem>> -> memref<1x200xi32, #tpu.memory_space<vmem>>
        %dma_start3A_1794 = tpu.memref_squeeze %dma_start3A_1793 : memref<1x200xi32, #tpu.memory_space<vmem>> -> memref<200xi32, #tpu.memory_space<vmem>>
        %dma_start3A_1795 = arith.constant 0 : i32
        %dma_start3A_1796 = tpu.memref_slice %arg3[%add3A_1789, %dma_start3A_1795] : memref<16384x200xi32, #tpu.memory_space<hbm>> -> memref<1x200xi32, #tpu.memory_space<hbm>>
        %dma_start3A_1797 = tpu.memref_squeeze %dma_start3A_1796 : memref<1x200xi32, #tpu.memory_space<hbm>> -> memref<200xi32, #tpu.memory_space<hbm>>
        %dma_start3A_1798 = tpu.memref_slice %arg7[%dma_start3A_1791] : memref<8x!tpu.dma_semaphore, #tpu.memory_space<semaphore_mem>> -> memref<1x!tpu.dma_semaphore, #tpu.memory_space<semaphore_mem>>
        %dma_start3A_1799 = tpu.memref_squeeze %dma_start3A_1798 : memref<1x!tpu.dma_semaphore, #tpu.memory_space<semaphore_mem>> -> memref<!tpu.dma_semaphore, #tpu.memory_space<semaphore_mem>>
        %dma_start3A_1800 = arith.constant 0 : i32
        %dma_start3A_1801 = tpu.memref_slice %arg5[%dma_start3A_1790, %dma_start3A_1800] : memref<8x200xi32, #tpu.memory_space<vmem>> -> memref<1x200xi32, #tpu.memory_space<vmem>>
        %dma_start3A_1802 = tpu.memref_squeeze %dma_start3A_1801 : memref<1x200xi32, #tpu.memory_space<vmem>> -> memref<200xi32, #tpu.memory_space<vmem>>
        %dma_start3A_1803 = arith.constant 0 : i32
        %dma_start3A_1804 = tpu.memref_slice %arg3[%add3A_1789, %dma_start3A_1803] : memref<16384x200xi32, #tpu.memory_space<hbm>> -> memref<1x200xi32, #tpu.memory_space<hbm>>
        %dma_start3A_1805 = tpu.memref_squeeze %dma_start3A_1804 : memref<1x200xi32, #tpu.memory_space<hbm>> -> memref<200xi32, #tpu.memory_space<hbm>>
        tpu.enqueue_dma source(%dma_start3A_1805 : memref<200xi32, #tpu.memory_space<hbm>>) target(%dma_start3A_1802 : memref<200xi32, #tpu.memory_space<vmem>>) target_semaphore(%dma_start3A_1799 : memref<!tpu.dma_semaphore, #tpu.memory_space<semaphore_mem>>)
      } else {
      }
      %mul3A_1371 = arith.constant 8 : i32
      %mul3A_1372 = arith.muli %scan3A_958, %mul3A_1371 : i32
      %add3A_1373 = arith.constant 4 : i32
      %add3A_1374 = arith.addi %mul3A_1372, %add3A_1373 : i32
      %sub3A_1375 = arith.constant 8 : i32
      %sub3A_1376 = arith.subi %add3A_1374, %sub3A_1375 : i32
      %add3A_1377 = arith.addi %mul3A_2, %sub3A_1376 : i32
      %dma_wait3A_1378 = arith.constant 4 : i32
      %dma_wait3A_1379 = arith.constant 4 : i32
      %dma_wait3A_1380 = arith.constant 0 : i32
      %dma_wait3A_1381 = arith.constant 0 : i32
      %dma_wait3A_1382 = tpu.memref_slice %arg6[%dma_wait3A_1378, %dma_wait3A_1380, %dma_wait3A_1381] : memref<8x200x64xf32, #tpu.memory_space<vmem>> -> memref<1x200x64xf32, #tpu.memory_space<vmem>>
      %dma_wait3A_1383 = tpu.memref_squeeze %dma_wait3A_1382 : memref<1x200x64xf32, #tpu.memory_space<vmem>> -> memref<200x64xf32, #tpu.memory_space<vmem>>
      %dma_wait3A_1384 = arith.constant 0 : i32
      %dma_wait3A_1385 = arith.constant 0 : i32
      %dma_wait3A_1386 = tpu.memref_slice %arg4[%add3A_1377, %dma_wait3A_1384, %dma_wait3A_1385] : memref<16384x200x128xf32, #tpu.memory_space<hbm>> -> memref<1x200x64xf32, #tpu.memory_space<hbm>>
      %dma_wait3A_1387 = tpu.memref_squeeze %dma_wait3A_1386 : memref<1x200x64xf32, #tpu.memory_space<hbm>> -> memref<200x64xf32, #tpu.memory_space<hbm>>
      %dma_wait3A_1388 = tpu.memref_slice %arg9[%dma_wait3A_1379] : memref<8x!tpu.dma_semaphore, #tpu.memory_space<semaphore_mem>> -> memref<1x!tpu.dma_semaphore, #tpu.memory_space<semaphore_mem>>
      %dma_wait3A_1389 = tpu.memref_squeeze %dma_wait3A_1388 : memref<1x!tpu.dma_semaphore, #tpu.memory_space<semaphore_mem>> -> memref<!tpu.dma_semaphore, #tpu.memory_space<semaphore_mem>>
      %dma_wait3A_1390 = arith.constant 0 : i32
      %dma_wait3A_1391 = arith.constant 0 : i32
      %dma_wait3A_1392 = tpu.memref_slice %arg4[%add3A_1377, %dma_wait3A_1390, %dma_wait3A_1391] : memref<16384x200x128xf32, #tpu.memory_space<hbm>> -> memref<1x200x64xf32, #tpu.memory_space<hbm>>
      %dma_wait3A_1393 = tpu.memref_squeeze %dma_wait3A_1392 : memref<1x200x64xf32, #tpu.memory_space<hbm>> -> memref<200x64xf32, #tpu.memory_space<hbm>>
      %dma_wait3A_1394 = arith.constant 0 : i32
      %dma_wait3A_1395 = arith.constant 0 : i32
      %dma_wait3A_1396 = tpu.memref_slice %arg6[%dma_wait3A_1378, %dma_wait3A_1394, %dma_wait3A_1395] : memref<8x200x64xf32, #tpu.memory_space<vmem>> -> memref<1x200x64xf32, #tpu.memory_space<vmem>>
      %dma_wait3A_1397 = tpu.memref_squeeze %dma_wait3A_1396 : memref<1x200x64xf32, #tpu.memory_space<vmem>> -> memref<200x64xf32, #tpu.memory_space<vmem>>
      tpu.wait_dma2 semaphore(%dma_wait3A_1389 : memref<!tpu.dma_semaphore, #tpu.memory_space<semaphore_mem>>) src(%dma_wait3A_1397 : memref<200x64xf32, #tpu.memory_space<vmem>>) dst(%dma_wait3A_1393 : memref<200x64xf32, #tpu.memory_space<hbm>>)
      %add3A_1398 = arith.addi %mul3A_2, %add3A_1374 : i32
      %dma_wait3A_1399 = arith.constant 4 : i32
      %dma_wait3A_1400 = arith.constant 4 : i32
      %dma_wait3A_1401 = arith.constant 0 : i32
      %dma_wait3A_1402 = tpu.memref_slice %arg5[%dma_wait3A_1399, %dma_wait3A_1401] : memref<8x200xi32, #tpu.memory_space<vmem>> -> memref<1x200xi32, #tpu.memory_space<vmem>>
      %dma_wait3A_1403 = tpu.memref_squeeze %dma_wait3A_1402 : memref<1x200xi32, #tpu.memory_space<vmem>> -> memref<200xi32, #tpu.memory_space<vmem>>
      %dma_wait3A_1404 = arith.constant 0 : i32
      %dma_wait3A_1405 = tpu.memref_slice %arg3[%add3A_1398, %dma_wait3A_1404] : memref<16384x200xi32, #tpu.memory_space<hbm>> -> memref<1x200xi32, #tpu.memory_space<hbm>>
      %dma_wait3A_1406 = tpu.memref_squeeze %dma_wait3A_1405 : memref<1x200xi32, #tpu.memory_space<hbm>> -> memref<200xi32, #tpu.memory_space<hbm>>
      %dma_wait3A_1407 = tpu.memref_slice %arg7[%dma_wait3A_1400] : memref<8x!tpu.dma_semaphore, #tpu.memory_space<semaphore_mem>> -> memref<1x!tpu.dma_semaphore, #tpu.memory_space<semaphore_mem>>
      %dma_wait3A_1408 = tpu.memref_squeeze %dma_wait3A_1407 : memref<1x!tpu.dma_semaphore, #tpu.memory_space<semaphore_mem>> -> memref<!tpu.dma_semaphore, #tpu.memory_space<semaphore_mem>>
      %dma_wait3A_1409 = arith.constant 0 : i32
      %dma_wait3A_1410 = tpu.memref_slice %arg5[%dma_wait3A_1399, %dma_wait3A_1409] : memref<8x200xi32, #tpu.memory_space<vmem>> -> memref<1x200xi32, #tpu.memory_space<vmem>>
      %dma_wait3A_1411 = tpu.memref_squeeze %dma_wait3A_1410 : memref<1x200xi32, #tpu.memory_space<vmem>> -> memref<200xi32, #tpu.memory_space<vmem>>
      %dma_wait3A_1412 = arith.constant 0 : i32
      %dma_wait3A_1413 = tpu.memref_slice %arg3[%add3A_1398, %dma_wait3A_1412] : memref<16384x200xi32, #tpu.memory_space<hbm>> -> memref<1x200xi32, #tpu.memory_space<hbm>>
      %dma_wait3A_1414 = tpu.memref_squeeze %dma_wait3A_1413 : memref<1x200xi32, #tpu.memory_space<hbm>> -> memref<200xi32, #tpu.memory_space<hbm>>
      tpu.wait_dma2 semaphore(%dma_wait3A_1408 : memref<!tpu.dma_semaphore, #tpu.memory_space<semaphore_mem>>) src(%dma_wait3A_1414 : memref<200xi32, #tpu.memory_space<hbm>>) dst(%dma_wait3A_1411 : memref<200xi32, #tpu.memory_space<vmem>>)
      %dma_start3A_1415 = arith.constant 4 : i32
      %dma_start3A_1416 = arith.constant 4 : i32
      %dma_start3A_1417 = arith.constant 4 : i32
      %dma_start3A_1418 = arith.constant 0 : i32
      %dma_start3A_1419 = arith.constant 0 : i32
      %dma_start3A_1420 = tpu.memref_slice %arg6[%dma_start3A_1416, %dma_start3A_1418, %dma_start3A_1419] : memref<8x200x64xf32, #tpu.memory_space<vmem>> -> memref<1x200x64xf32, #tpu.memory_space<vmem>>
      %dma_start3A_1421 = tpu.memref_squeeze %dma_start3A_1420 : memref<1x200x64xf32, #tpu.memory_space<vmem>> -> memref<200x64xf32, #tpu.memory_space<vmem>>
      %dma_start3A_1422 = arith.constant 0 : i32
      %dma_start3A_1423 = tpu.memref_slice %arg5[%dma_start3A_1415, %dma_start3A_1422] : memref<8x200xi32, #tpu.memory_space<vmem>> -> memref<1x200xi32, #tpu.memory_space<vmem>>
      %dma_start3A_1424 = tpu.memref_squeeze %dma_start3A_1423 : memref<1x200xi32, #tpu.memory_space<vmem>> -> memref<200xi32, #tpu.memory_space<vmem>>
      %dma_start3A_1425 = arith.constant 0 : i32
      %dma_start3A_1426 = arith.constant 0 : i32
      %dma_start3A_1427 = tpu.memref_slice %arg2[%dma_start3A_1425, %dma_start3A_1426] : memref<1000000x64xf32, #tpu.memory_space<hbm>> -> memref<1000000x64xf32, #tpu.memory_space<hbm>>
      %dma_start3A_1428 = tpu.memref_slice %arg8[%dma_start3A_1417] : memref<8x!tpu.dma_semaphore, #tpu.memory_space<semaphore_mem>> -> memref<1x!tpu.dma_semaphore, #tpu.memory_space<semaphore_mem>>
      %dma_start3A_1429 = tpu.memref_squeeze %dma_start3A_1428 : memref<1x!tpu.dma_semaphore, #tpu.memory_space<semaphore_mem>> -> memref<!tpu.dma_semaphore, #tpu.memory_space<semaphore_mem>>
      tpu.enqueue_indirect_dma source(%dma_start3A_1427 : memref<1000000x64xf32, #tpu.memory_space<hbm>>) target(%dma_start3A_1421 : memref<200x64xf32, #tpu.memory_space<vmem>>) offsets(%dma_start3A_1424 : memref<200xi32, #tpu.memory_space<vmem>>) semaphore(%dma_start3A_1429 : memref<!tpu.dma_semaphore, #tpu.memory_space<semaphore_mem>>)
      %dma_wait3A_1430 = arith.constant 0 : i32
      %dma_wait3A_1431 = arith.constant 0 : i32
      %dma_wait3A_1432 = arith.constant 0 : i32
      %dma_wait3A_1433 = arith.constant 0 : i32
      %dma_wait3A_1434 = arith.constant 0 : i32
      %dma_wait3A_1435 = tpu.memref_slice %arg6[%dma_wait3A_1431, %dma_wait3A_1433, %dma_wait3A_1434] : memref<8x200x64xf32, #tpu.memory_space<vmem>> -> memref<1x200x64xf32, #tpu.memory_space<vmem>>
      %dma_wait3A_1436 = tpu.memref_squeeze %dma_wait3A_1435 : memref<1x200x64xf32, #tpu.memory_space<vmem>> -> memref<200x64xf32, #tpu.memory_space<vmem>>
      %dma_wait3A_1437 = arith.constant 0 : i32
      %dma_wait3A_1438 = tpu.memref_slice %arg5[%dma_wait3A_1430, %dma_wait3A_1437] : memref<8x200xi32, #tpu.memory_space<vmem>> -> memref<1x200xi32, #tpu.memory_space<vmem>>
      %dma_wait3A_1439 = tpu.memref_squeeze %dma_wait3A_1438 : memref<1x200xi32, #tpu.memory_space<vmem>> -> memref<200xi32, #tpu.memory_space<vmem>>
      %dma_wait3A_1440 = arith.constant 0 : i32
      %dma_wait3A_1441 = arith.constant 0 : i32
      %dma_wait3A_1442 = tpu.memref_slice %arg2[%dma_wait3A_1440, %dma_wait3A_1441] : memref<1000000x64xf32, #tpu.memory_space<hbm>> -> memref<1000000x64xf32, #tpu.memory_space<hbm>>
      %dma_wait3A_1443 = tpu.memref_slice %arg8[%dma_wait3A_1432] : memref<8x!tpu.dma_semaphore, #tpu.memory_space<semaphore_mem>> -> memref<1x!tpu.dma_semaphore, #tpu.memory_space<semaphore_mem>>
      %dma_wait3A_1444 = tpu.memref_squeeze %dma_wait3A_1443 : memref<1x!tpu.dma_semaphore, #tpu.memory_space<semaphore_mem>> -> memref<!tpu.dma_semaphore, #tpu.memory_space<semaphore_mem>>
      tpu.wait_indirect_dma semaphore(%dma_wait3A_1444 : memref<!tpu.dma_semaphore, #tpu.memory_space<semaphore_mem>>) src(%dma_wait3A_1442 : memref<1000000x64xf32, #tpu.memory_space<hbm>>) dst(%dma_wait3A_1436 : memref<200x64xf32, #tpu.memory_space<vmem>>)
      %sub3A_1445 = arith.constant 4 : i32
      %sub3A_1446 = arith.subi %add3A_1374, %sub3A_1445 : i32
      %add3A_1447 = arith.addi %mul3A_2, %sub3A_1446 : i32
      %dma_start3A_1448 = arith.constant 0 : i32
      %dma_start3A_1449 = arith.constant 0 : i32
      %dma_start3A_1450 = arith.constant 0 : i32
      %dma_start3A_1451 = arith.constant 0 : i32
      %dma_start3A_1452 = tpu.memref_slice %arg6[%dma_start3A_1448, %dma_start3A_1450, %dma_start3A_1451] : memref<8x200x64xf32, #tpu.memory_space<vmem>> -> memref<1x200x64xf32, #tpu.memory_space<vmem>>
      %dma_start3A_1453 = tpu.memref_squeeze %dma_start3A_1452 : memref<1x200x64xf32, #tpu.memory_space<vmem>> -> memref<200x64xf32, #tpu.memory_space<vmem>>
      %dma_start3A_1454 = arith.constant 0 : i32
      %dma_start3A_1455 = arith.constant 0 : i32
      %dma_start3A_1456 = tpu.memref_slice %arg4[%add3A_1447, %dma_start3A_1454, %dma_start3A_1455] : memref<16384x200x128xf32, #tpu.memory_space<hbm>> -> memref<1x200x64xf32, #tpu.memory_space<hbm>>
      %dma_start3A_1457 = tpu.memref_squeeze %dma_start3A_1456 : memref<1x200x64xf32, #tpu.memory_space<hbm>> -> memref<200x64xf32, #tpu.memory_space<hbm>>
      %dma_start3A_1458 = tpu.memref_slice %arg9[%dma_start3A_1449] : memref<8x!tpu.dma_semaphore, #tpu.memory_space<semaphore_mem>> -> memref<1x!tpu.dma_semaphore, #tpu.memory_space<semaphore_mem>>
      %dma_start3A_1459 = tpu.memref_squeeze %dma_start3A_1458 : memref<1x!tpu.dma_semaphore, #tpu.memory_space<semaphore_mem>> -> memref<!tpu.dma_semaphore, #tpu.memory_space<semaphore_mem>>
      %dma_start3A_1460 = arith.constant 0 : i32
      %dma_start3A_1461 = arith.constant 0 : i32
      %dma_start3A_1462 = tpu.memref_slice %arg4[%add3A_1447, %dma_start3A_1460, %dma_start3A_1461] : memref<16384x200x128xf32, #tpu.memory_space<hbm>> -> memref<1x200x64xf32, #tpu.memory_space<hbm>>
      %dma_start3A_1463 = tpu.memref_squeeze %dma_start3A_1462 : memref<1x200x64xf32, #tpu.memory_space<hbm>> -> memref<200x64xf32, #tpu.memory_space<hbm>>
      %dma_start3A_1464 = arith.constant 0 : i32
      %dma_start3A_1465 = arith.constant 0 : i32
      %dma_start3A_1466 = tpu.memref_slice %arg6[%dma_start3A_1448, %dma_start3A_1464, %dma_start3A_1465] : memref<8x200x64xf32, #tpu.memory_space<vmem>> -> memref<1x200x64xf32, #tpu.memory_space<vmem>>
      %dma_start3A_1467 = tpu.memref_squeeze %dma_start3A_1466 : memref<1x200x64xf32, #tpu.memory_space<vmem>> -> memref<200x64xf32, #tpu.memory_space<vmem>>
      tpu.enqueue_dma source(%dma_start3A_1467 : memref<200x64xf32, #tpu.memory_space<vmem>>) target(%dma_start3A_1463 : memref<200x64xf32, #tpu.memory_space<hbm>>) target_semaphore(%dma_start3A_1459 : memref<!tpu.dma_semaphore, #tpu.memory_space<semaphore_mem>>)
      %add3A_1468 = arith.constant 4 : i32
      %add3A_1469 = arith.addi %add3A_1374, %add3A_1468 : i32
      %lt3A_1470 = arith.constant 512 : i32
      %lt3A_1471 = arith.cmpi slt, %add3A_1469, %lt3A_1470 : i32
      %convert_element_type3A_1472 = arith.extui %lt3A_1471 : i1 to i32
      %cond3A_1473 = arith.constant 0 : i32
      %cond3A_1474 = arith.cmpi ne, %convert_element_type3A_1472, %cond3A_1473 : i32
      scf.if %cond3A_1474 {
        %add3A_1787 = arith.constant 4 : i32
        %add3A_1788 = arith.addi %add3A_1374, %add3A_1787 : i32
        %add3A_1789 = arith.addi %mul3A_2, %add3A_1788 : i32
        %dma_start3A_1790 = arith.constant 0 : i32
        %dma_start3A_1791 = arith.constant 0 : i32
        %dma_start3A_1792 = arith.constant 0 : i32
        %dma_start3A_1793 = tpu.memref_slice %arg5[%dma_start3A_1790, %dma_start3A_1792] : memref<8x200xi32, #tpu.memory_space<vmem>> -> memref<1x200xi32, #tpu.memory_space<vmem>>
        %dma_start3A_1794 = tpu.memref_squeeze %dma_start3A_1793 : memref<1x200xi32, #tpu.memory_space<vmem>> -> memref<200xi32, #tpu.memory_space<vmem>>
        %dma_start3A_1795 = arith.constant 0 : i32
        %dma_start3A_1796 = tpu.memref_slice %arg3[%add3A_1789, %dma_start3A_1795] : memref<16384x200xi32, #tpu.memory_space<hbm>> -> memref<1x200xi32, #tpu.memory_space<hbm>>
        %dma_start3A_1797 = tpu.memref_squeeze %dma_start3A_1796 : memref<1x200xi32, #tpu.memory_space<hbm>> -> memref<200xi32, #tpu.memory_space<hbm>>
        %dma_start3A_1798 = tpu.memref_slice %arg7[%dma_start3A_1791] : memref<8x!tpu.dma_semaphore, #tpu.memory_space<semaphore_mem>> -> memref<1x!tpu.dma_semaphore, #tpu.memory_space<semaphore_mem>>
        %dma_start3A_1799 = tpu.memref_squeeze %dma_start3A_1798 : memref<1x!tpu.dma_semaphore, #tpu.memory_space<semaphore_mem>> -> memref<!tpu.dma_semaphore, #tpu.memory_space<semaphore_mem>>
        %dma_start3A_1800 = arith.constant 0 : i32
        %dma_start3A_1801 = tpu.memref_slice %arg5[%dma_start3A_1790, %dma_start3A_1800] : memref<8x200xi32, #tpu.memory_space<vmem>> -> memref<1x200xi32, #tpu.memory_space<vmem>>
        %dma_start3A_1802 = tpu.memref_squeeze %dma_start3A_1801 : memref<1x200xi32, #tpu.memory_space<vmem>> -> memref<200xi32, #tpu.memory_space<vmem>>
        %dma_start3A_1803 = arith.constant 0 : i32
        %dma_start3A_1804 = tpu.memref_slice %arg3[%add3A_1789, %dma_start3A_1803] : memref<16384x200xi32, #tpu.memory_space<hbm>> -> memref<1x200xi32, #tpu.memory_space<hbm>>
        %dma_start3A_1805 = tpu.memref_squeeze %dma_start3A_1804 : memref<1x200xi32, #tpu.memory_space<hbm>> -> memref<200xi32, #tpu.memory_space<hbm>>
        tpu.enqueue_dma source(%dma_start3A_1805 : memref<200xi32, #tpu.memory_space<hbm>>) target(%dma_start3A_1802 : memref<200xi32, #tpu.memory_space<vmem>>) target_semaphore(%dma_start3A_1799 : memref<!tpu.dma_semaphore, #tpu.memory_space<semaphore_mem>>)
      } else {
      }
      %mul3A_1475 = arith.constant 8 : i32
      %mul3A_1476 = arith.muli %scan3A_958, %mul3A_1475 : i32
      %add3A_1477 = arith.constant 5 : i32
      %add3A_1478 = arith.addi %mul3A_1476, %add3A_1477 : i32
      %sub3A_1479 = arith.constant 8 : i32
      %sub3A_1480 = arith.subi %add3A_1478, %sub3A_1479 : i32
      %add3A_1481 = arith.addi %mul3A_2, %sub3A_1480 : i32
      %dma_wait3A_1482 = arith.constant 5 : i32
      %dma_wait3A_1483 = arith.constant 5 : i32
      %dma_wait3A_1484 = arith.constant 0 : i32
      %dma_wait3A_1485 = arith.constant 0 : i32
      %dma_wait3A_1486 = tpu.memref_slice %arg6[%dma_wait3A_1482, %dma_wait3A_1484, %dma_wait3A_1485] : memref<8x200x64xf32, #tpu.memory_space<vmem>> -> memref<1x200x64xf32, #tpu.memory_space<vmem>>
      %dma_wait3A_1487 = tpu.memref_squeeze %dma_wait3A_1486 : memref<1x200x64xf32, #tpu.memory_space<vmem>> -> memref<200x64xf32, #tpu.memory_space<vmem>>
      %dma_wait3A_1488 = arith.constant 0 : i32
      %dma_wait3A_1489 = arith.constant 0 : i32
      %dma_wait3A_1490 = tpu.memref_slice %arg4[%add3A_1481, %dma_wait3A_1488, %dma_wait3A_1489] : memref<16384x200x128xf32, #tpu.memory_space<hbm>> -> memref<1x200x64xf32, #tpu.memory_space<hbm>>
      %dma_wait3A_1491 = tpu.memref_squeeze %dma_wait3A_1490 : memref<1x200x64xf32, #tpu.memory_space<hbm>> -> memref<200x64xf32, #tpu.memory_space<hbm>>
      %dma_wait3A_1492 = tpu.memref_slice %arg9[%dma_wait3A_1483] : memref<8x!tpu.dma_semaphore, #tpu.memory_space<semaphore_mem>> -> memref<1x!tpu.dma_semaphore, #tpu.memory_space<semaphore_mem>>
      %dma_wait3A_1493 = tpu.memref_squeeze %dma_wait3A_1492 : memref<1x!tpu.dma_semaphore, #tpu.memory_space<semaphore_mem>> -> memref<!tpu.dma_semaphore, #tpu.memory_space<semaphore_mem>>
      %dma_wait3A_1494 = arith.constant 0 : i32
      %dma_wait3A_1495 = arith.constant 0 : i32
      %dma_wait3A_1496 = tpu.memref_slice %arg4[%add3A_1481, %dma_wait3A_1494, %dma_wait3A_1495] : memref<16384x200x128xf32, #tpu.memory_space<hbm>> -> memref<1x200x64xf32, #tpu.memory_space<hbm>>
      %dma_wait3A_1497 = tpu.memref_squeeze %dma_wait3A_1496 : memref<1x200x64xf32, #tpu.memory_space<hbm>> -> memref<200x64xf32, #tpu.memory_space<hbm>>
      %dma_wait3A_1498 = arith.constant 0 : i32
      %dma_wait3A_1499 = arith.constant 0 : i32
      %dma_wait3A_1500 = tpu.memref_slice %arg6[%dma_wait3A_1482, %dma_wait3A_1498, %dma_wait3A_1499] : memref<8x200x64xf32, #tpu.memory_space<vmem>> -> memref<1x200x64xf32, #tpu.memory_space<vmem>>
      %dma_wait3A_1501 = tpu.memref_squeeze %dma_wait3A_1500 : memref<1x200x64xf32, #tpu.memory_space<vmem>> -> memref<200x64xf32, #tpu.memory_space<vmem>>
      tpu.wait_dma2 semaphore(%dma_wait3A_1493 : memref<!tpu.dma_semaphore, #tpu.memory_space<semaphore_mem>>) src(%dma_wait3A_1501 : memref<200x64xf32, #tpu.memory_space<vmem>>) dst(%dma_wait3A_1497 : memref<200x64xf32, #tpu.memory_space<hbm>>)
      %add3A_1502 = arith.addi %mul3A_2, %add3A_1478 : i32
      %dma_wait3A_1503 = arith.constant 5 : i32
      %dma_wait3A_1504 = arith.constant 5 : i32
      %dma_wait3A_1505 = arith.constant 0 : i32
      %dma_wait3A_1506 = tpu.memref_slice %arg5[%dma_wait3A_1503, %dma_wait3A_1505] : memref<8x200xi32, #tpu.memory_space<vmem>> -> memref<1x200xi32, #tpu.memory_space<vmem>>
      %dma_wait3A_1507 = tpu.memref_squeeze %dma_wait3A_1506 : memref<1x200xi32, #tpu.memory_space<vmem>> -> memref<200xi32, #tpu.memory_space<vmem>>
      %dma_wait3A_1508 = arith.constant 0 : i32
      %dma_wait3A_1509 = tpu.memref_slice %arg3[%add3A_1502, %dma_wait3A_1508] : memref<16384x200xi32, #tpu.memory_space<hbm>> -> memref<1x200xi32, #tpu.memory_space<hbm>>
      %dma_wait3A_1510 = tpu.memref_squeeze %dma_wait3A_1509 : memref<1x200xi32, #tpu.memory_space<hbm>> -> memref<200xi32, #tpu.memory_space<hbm>>
      %dma_wait3A_1511 = tpu.memref_slice %arg7[%dma_wait3A_1504] : memref<8x!tpu.dma_semaphore, #tpu.memory_space<semaphore_mem>> -> memref<1x!tpu.dma_semaphore, #tpu.memory_space<semaphore_mem>>
      %dma_wait3A_1512 = tpu.memref_squeeze %dma_wait3A_1511 : memref<1x!tpu.dma_semaphore, #tpu.memory_space<semaphore_mem>> -> memref<!tpu.dma_semaphore, #tpu.memory_space<semaphore_mem>>
      %dma_wait3A_1513 = arith.constant 0 : i32
      %dma_wait3A_1514 = tpu.memref_slice %arg5[%dma_wait3A_1503, %dma_wait3A_1513] : memref<8x200xi32, #tpu.memory_space<vmem>> -> memref<1x200xi32, #tpu.memory_space<vmem>>
      %dma_wait3A_1515 = tpu.memref_squeeze %dma_wait3A_1514 : memref<1x200xi32, #tpu.memory_space<vmem>> -> memref<200xi32, #tpu.memory_space<vmem>>
      %dma_wait3A_1516 = arith.constant 0 : i32
      %dma_wait3A_1517 = tpu.memref_slice %arg3[%add3A_1502, %dma_wait3A_1516] : memref<16384x200xi32, #tpu.memory_space<hbm>> -> memref<1x200xi32, #tpu.memory_space<hbm>>
      %dma_wait3A_1518 = tpu.memref_squeeze %dma_wait3A_1517 : memref<1x200xi32, #tpu.memory_space<hbm>> -> memref<200xi32, #tpu.memory_space<hbm>>
      tpu.wait_dma2 semaphore(%dma_wait3A_1512 : memref<!tpu.dma_semaphore, #tpu.memory_space<semaphore_mem>>) src(%dma_wait3A_1518 : memref<200xi32, #tpu.memory_space<hbm>>) dst(%dma_wait3A_1515 : memref<200xi32, #tpu.memory_space<vmem>>)
      %dma_start3A_1519 = arith.constant 5 : i32
      %dma_start3A_1520 = arith.constant 5 : i32
      %dma_start3A_1521 = arith.constant 5 : i32
      %dma_start3A_1522 = arith.constant 0 : i32
      %dma_start3A_1523 = arith.constant 0 : i32
      %dma_start3A_1524 = tpu.memref_slice %arg6[%dma_start3A_1520, %dma_start3A_1522, %dma_start3A_1523] : memref<8x200x64xf32, #tpu.memory_space<vmem>> -> memref<1x200x64xf32, #tpu.memory_space<vmem>>
      %dma_start3A_1525 = tpu.memref_squeeze %dma_start3A_1524 : memref<1x200x64xf32, #tpu.memory_space<vmem>> -> memref<200x64xf32, #tpu.memory_space<vmem>>
      %dma_start3A_1526 = arith.constant 0 : i32
      %dma_start3A_1527 = tpu.memref_slice %arg5[%dma_start3A_1519, %dma_start3A_1526] : memref<8x200xi32, #tpu.memory_space<vmem>> -> memref<1x200xi32, #tpu.memory_space<vmem>>
      %dma_start3A_1528 = tpu.memref_squeeze %dma_start3A_1527 : memref<1x200xi32, #tpu.memory_space<vmem>> -> memref<200xi32, #tpu.memory_space<vmem>>
      %dma_start3A_1529 = arith.constant 0 : i32
      %dma_start3A_1530 = arith.constant 0 : i32
      %dma_start3A_1531 = tpu.memref_slice %arg2[%dma_start3A_1529, %dma_start3A_1530] : memref<1000000x64xf32, #tpu.memory_space<hbm>> -> memref<1000000x64xf32, #tpu.memory_space<hbm>>
      %dma_start3A_1532 = tpu.memref_slice %arg8[%dma_start3A_1521] : memref<8x!tpu.dma_semaphore, #tpu.memory_space<semaphore_mem>> -> memref<1x!tpu.dma_semaphore, #tpu.memory_space<semaphore_mem>>
      %dma_start3A_1533 = tpu.memref_squeeze %dma_start3A_1532 : memref<1x!tpu.dma_semaphore, #tpu.memory_space<semaphore_mem>> -> memref<!tpu.dma_semaphore, #tpu.memory_space<semaphore_mem>>
      tpu.enqueue_indirect_dma source(%dma_start3A_1531 : memref<1000000x64xf32, #tpu.memory_space<hbm>>) target(%dma_start3A_1525 : memref<200x64xf32, #tpu.memory_space<vmem>>) offsets(%dma_start3A_1528 : memref<200xi32, #tpu.memory_space<vmem>>) semaphore(%dma_start3A_1533 : memref<!tpu.dma_semaphore, #tpu.memory_space<semaphore_mem>>)
      %dma_wait3A_1534 = arith.constant 1 : i32
      %dma_wait3A_1535 = arith.constant 1 : i32
      %dma_wait3A_1536 = arith.constant 1 : i32
      %dma_wait3A_1537 = arith.constant 0 : i32
      %dma_wait3A_1538 = arith.constant 0 : i32
      %dma_wait3A_1539 = tpu.memref_slice %arg6[%dma_wait3A_1535, %dma_wait3A_1537, %dma_wait3A_1538] : memref<8x200x64xf32, #tpu.memory_space<vmem>> -> memref<1x200x64xf32, #tpu.memory_space<vmem>>
      %dma_wait3A_1540 = tpu.memref_squeeze %dma_wait3A_1539 : memref<1x200x64xf32, #tpu.memory_space<vmem>> -> memref<200x64xf32, #tpu.memory_space<vmem>>
      %dma_wait3A_1541 = arith.constant 0 : i32
      %dma_wait3A_1542 = tpu.memref_slice %arg5[%dma_wait3A_1534, %dma_wait3A_1541] : memref<8x200xi32, #tpu.memory_space<vmem>> -> memref<1x200xi32, #tpu.memory_space<vmem>>
      %dma_wait3A_1543 = tpu.memref_squeeze %dma_wait3A_1542 : memref<1x200xi32, #tpu.memory_space<vmem>> -> memref<200xi32, #tpu.memory_space<vmem>>
      %dma_wait3A_1544 = arith.constant 0 : i32
      %dma_wait3A_1545 = arith.constant 0 : i32
      %dma_wait3A_1546 = tpu.memref_slice %arg2[%dma_wait3A_1544, %dma_wait3A_1545] : memref<1000000x64xf32, #tpu.memory_space<hbm>> -> memref<1000000x64xf32, #tpu.memory_space<hbm>>
      %dma_wait3A_1547 = tpu.memref_slice %arg8[%dma_wait3A_1536] : memref<8x!tpu.dma_semaphore, #tpu.memory_space<semaphore_mem>> -> memref<1x!tpu.dma_semaphore, #tpu.memory_space<semaphore_mem>>
      %dma_wait3A_1548 = tpu.memref_squeeze %dma_wait3A_1547 : memref<1x!tpu.dma_semaphore, #tpu.memory_space<semaphore_mem>> -> memref<!tpu.dma_semaphore, #tpu.memory_space<semaphore_mem>>
      tpu.wait_indirect_dma semaphore(%dma_wait3A_1548 : memref<!tpu.dma_semaphore, #tpu.memory_space<semaphore_mem>>) src(%dma_wait3A_1546 : memref<1000000x64xf32, #tpu.memory_space<hbm>>) dst(%dma_wait3A_1540 : memref<200x64xf32, #tpu.memory_space<vmem>>)
      %sub3A_1549 = arith.constant 4 : i32
      %sub3A_1550 = arith.subi %add3A_1478, %sub3A_1549 : i32
      %add3A_1551 = arith.addi %mul3A_2, %sub3A_1550 : i32
      %dma_start3A_1552 = arith.constant 1 : i32
      %dma_start3A_1553 = arith.constant 1 : i32
      %dma_start3A_1554 = arith.constant 0 : i32
      %dma_start3A_1555 = arith.constant 0 : i32
      %dma_start3A_1556 = tpu.memref_slice %arg6[%dma_start3A_1552, %dma_start3A_1554, %dma_start3A_1555] : memref<8x200x64xf32, #tpu.memory_space<vmem>> -> memref<1x200x64xf32, #tpu.memory_space<vmem>>
      %dma_start3A_1557 = tpu.memref_squeeze %dma_start3A_1556 : memref<1x200x64xf32, #tpu.memory_space<vmem>> -> memref<200x64xf32, #tpu.memory_space<vmem>>
      %dma_start3A_1558 = arith.constant 0 : i32
      %dma_start3A_1559 = arith.constant 0 : i32
      %dma_start3A_1560 = tpu.memref_slice %arg4[%add3A_1551, %dma_start3A_1558, %dma_start3A_1559] : memref<16384x200x128xf32, #tpu.memory_space<hbm>> -> memref<1x200x64xf32, #tpu.memory_space<hbm>>
      %dma_start3A_1561 = tpu.memref_squeeze %dma_start3A_1560 : memref<1x200x64xf32, #tpu.memory_space<hbm>> -> memref<200x64xf32, #tpu.memory_space<hbm>>
      %dma_start3A_1562 = tpu.memref_slice %arg9[%dma_start3A_1553] : memref<8x!tpu.dma_semaphore, #tpu.memory_space<semaphore_mem>> -> memref<1x!tpu.dma_semaphore, #tpu.memory_space<semaphore_mem>>
      %dma_start3A_1563 = tpu.memref_squeeze %dma_start3A_1562 : memref<1x!tpu.dma_semaphore, #tpu.memory_space<semaphore_mem>> -> memref<!tpu.dma_semaphore, #tpu.memory_space<semaphore_mem>>
      %dma_start3A_1564 = arith.constant 0 : i32
      %dma_start3A_1565 = arith.constant 0 : i32
      %dma_start3A_1566 = tpu.memref_slice %arg4[%add3A_1551, %dma_start3A_1564, %dma_start3A_1565] : memref<16384x200x128xf32, #tpu.memory_space<hbm>> -> memref<1x200x64xf32, #tpu.memory_space<hbm>>
      %dma_start3A_1567 = tpu.memref_squeeze %dma_start3A_1566 : memref<1x200x64xf32, #tpu.memory_space<hbm>> -> memref<200x64xf32, #tpu.memory_space<hbm>>
      %dma_start3A_1568 = arith.constant 0 : i32
      %dma_start3A_1569 = arith.constant 0 : i32
      %dma_start3A_1570 = tpu.memref_slice %arg6[%dma_start3A_1552, %dma_start3A_1568, %dma_start3A_1569] : memref<8x200x64xf32, #tpu.memory_space<vmem>> -> memref<1x200x64xf32, #tpu.memory_space<vmem>>
      %dma_start3A_1571 = tpu.memref_squeeze %dma_start3A_1570 : memref<1x200x64xf32, #tpu.memory_space<vmem>> -> memref<200x64xf32, #tpu.memory_space<vmem>>
      tpu.enqueue_dma source(%dma_start3A_1571 : memref<200x64xf32, #tpu.memory_space<vmem>>) target(%dma_start3A_1567 : memref<200x64xf32, #tpu.memory_space<hbm>>) target_semaphore(%dma_start3A_1563 : memref<!tpu.dma_semaphore, #tpu.memory_space<semaphore_mem>>)
      %add3A_1572 = arith.constant 4 : i32
      %add3A_1573 = arith.addi %add3A_1478, %add3A_1572 : i32
      %lt3A_1574 = arith.constant 512 : i32
      %lt3A_1575 = arith.cmpi slt, %add3A_1573, %lt3A_1574 : i32
      %convert_element_type3A_1576 = arith.extui %lt3A_1575 : i1 to i32
      %cond3A_1577 = arith.constant 0 : i32
      %cond3A_1578 = arith.cmpi ne, %convert_element_type3A_1576, %cond3A_1577 : i32
      scf.if %cond3A_1578 {
        %add3A_1787 = arith.constant 4 : i32
        %add3A_1788 = arith.addi %add3A_1478, %add3A_1787 : i32
        %add3A_1789 = arith.addi %mul3A_2, %add3A_1788 : i32
        %dma_start3A_1790 = arith.constant 1 : i32
        %dma_start3A_1791 = arith.constant 1 : i32
        %dma_start3A_1792 = arith.constant 0 : i32
        %dma_start3A_1793 = tpu.memref_slice %arg5[%dma_start3A_1790, %dma_start3A_1792] : memref<8x200xi32, #tpu.memory_space<vmem>> -> memref<1x200xi32, #tpu.memory_space<vmem>>
        %dma_start3A_1794 = tpu.memref_squeeze %dma_start3A_1793 : memref<1x200xi32, #tpu.memory_space<vmem>> -> memref<200xi32, #tpu.memory_space<vmem>>
        %dma_start3A_1795 = arith.constant 0 : i32
        %dma_start3A_1796 = tpu.memref_slice %arg3[%add3A_1789, %dma_start3A_1795] : memref<16384x200xi32, #tpu.memory_space<hbm>> -> memref<1x200xi32, #tpu.memory_space<hbm>>
        %dma_start3A_1797 = tpu.memref_squeeze %dma_start3A_1796 : memref<1x200xi32, #tpu.memory_space<hbm>> -> memref<200xi32, #tpu.memory_space<hbm>>
        %dma_start3A_1798 = tpu.memref_slice %arg7[%dma_start3A_1791] : memref<8x!tpu.dma_semaphore, #tpu.memory_space<semaphore_mem>> -> memref<1x!tpu.dma_semaphore, #tpu.memory_space<semaphore_mem>>
        %dma_start3A_1799 = tpu.memref_squeeze %dma_start3A_1798 : memref<1x!tpu.dma_semaphore, #tpu.memory_space<semaphore_mem>> -> memref<!tpu.dma_semaphore, #tpu.memory_space<semaphore_mem>>
        %dma_start3A_1800 = arith.constant 0 : i32
        %dma_start3A_1801 = tpu.memref_slice %arg5[%dma_start3A_1790, %dma_start3A_1800] : memref<8x200xi32, #tpu.memory_space<vmem>> -> memref<1x200xi32, #tpu.memory_space<vmem>>
        %dma_start3A_1802 = tpu.memref_squeeze %dma_start3A_1801 : memref<1x200xi32, #tpu.memory_space<vmem>> -> memref<200xi32, #tpu.memory_space<vmem>>
        %dma_start3A_1803 = arith.constant 0 : i32
        %dma_start3A_1804 = tpu.memref_slice %arg3[%add3A_1789, %dma_start3A_1803] : memref<16384x200xi32, #tpu.memory_space<hbm>> -> memref<1x200xi32, #tpu.memory_space<hbm>>
        %dma_start3A_1805 = tpu.memref_squeeze %dma_start3A_1804 : memref<1x200xi32, #tpu.memory_space<hbm>> -> memref<200xi32, #tpu.memory_space<hbm>>
        tpu.enqueue_dma source(%dma_start3A_1805 : memref<200xi32, #tpu.memory_space<hbm>>) target(%dma_start3A_1802 : memref<200xi32, #tpu.memory_space<vmem>>) target_semaphore(%dma_start3A_1799 : memref<!tpu.dma_semaphore, #tpu.memory_space<semaphore_mem>>)
      } else {
      }
      %mul3A_1579 = arith.constant 8 : i32
      %mul3A_1580 = arith.muli %scan3A_958, %mul3A_1579 : i32
      %add3A_1581 = arith.constant 6 : i32
      %add3A_1582 = arith.addi %mul3A_1580, %add3A_1581 : i32
      %sub3A_1583 = arith.constant 8 : i32
      %sub3A_1584 = arith.subi %add3A_1582, %sub3A_1583 : i32
      %add3A_1585 = arith.addi %mul3A_2, %sub3A_1584 : i32
      %dma_wait3A_1586 = arith.constant 6 : i32
      %dma_wait3A_1587 = arith.constant 6 : i32
      %dma_wait3A_1588 = arith.constant 0 : i32
      %dma_wait3A_1589 = arith.constant 0 : i32
      %dma_wait3A_1590 = tpu.memref_slice %arg6[%dma_wait3A_1586, %dma_wait3A_1588, %dma_wait3A_1589] : memref<8x200x64xf32, #tpu.memory_space<vmem>> -> memref<1x200x64xf32, #tpu.memory_space<vmem>>
      %dma_wait3A_1591 = tpu.memref_squeeze %dma_wait3A_1590 : memref<1x200x64xf32, #tpu.memory_space<vmem>> -> memref<200x64xf32, #tpu.memory_space<vmem>>
      %dma_wait3A_1592 = arith.constant 0 : i32
      %dma_wait3A_1593 = arith.constant 0 : i32
      %dma_wait3A_1594 = tpu.memref_slice %arg4[%add3A_1585, %dma_wait3A_1592, %dma_wait3A_1593] : memref<16384x200x128xf32, #tpu.memory_space<hbm>> -> memref<1x200x64xf32, #tpu.memory_space<hbm>>
      %dma_wait3A_1595 = tpu.memref_squeeze %dma_wait3A_1594 : memref<1x200x64xf32, #tpu.memory_space<hbm>> -> memref<200x64xf32, #tpu.memory_space<hbm>>
      %dma_wait3A_1596 = tpu.memref_slice %arg9[%dma_wait3A_1587] : memref<8x!tpu.dma_semaphore, #tpu.memory_space<semaphore_mem>> -> memref<1x!tpu.dma_semaphore, #tpu.memory_space<semaphore_mem>>
      %dma_wait3A_1597 = tpu.memref_squeeze %dma_wait3A_1596 : memref<1x!tpu.dma_semaphore, #tpu.memory_space<semaphore_mem>> -> memref<!tpu.dma_semaphore, #tpu.memory_space<semaphore_mem>>
      %dma_wait3A_1598 = arith.constant 0 : i32
      %dma_wait3A_1599 = arith.constant 0 : i32
      %dma_wait3A_1600 = tpu.memref_slice %arg4[%add3A_1585, %dma_wait3A_1598, %dma_wait3A_1599] : memref<16384x200x128xf32, #tpu.memory_space<hbm>> -> memref<1x200x64xf32, #tpu.memory_space<hbm>>
      %dma_wait3A_1601 = tpu.memref_squeeze %dma_wait3A_1600 : memref<1x200x64xf32, #tpu.memory_space<hbm>> -> memref<200x64xf32, #tpu.memory_space<hbm>>
      %dma_wait3A_1602 = arith.constant 0 : i32
      %dma_wait3A_1603 = arith.constant 0 : i32
      %dma_wait3A_1604 = tpu.memref_slice %arg6[%dma_wait3A_1586, %dma_wait3A_1602, %dma_wait3A_1603] : memref<8x200x64xf32, #tpu.memory_space<vmem>> -> memref<1x200x64xf32, #tpu.memory_space<vmem>>
      %dma_wait3A_1605 = tpu.memref_squeeze %dma_wait3A_1604 : memref<1x200x64xf32, #tpu.memory_space<vmem>> -> memref<200x64xf32, #tpu.memory_space<vmem>>
      tpu.wait_dma2 semaphore(%dma_wait3A_1597 : memref<!tpu.dma_semaphore, #tpu.memory_space<semaphore_mem>>) src(%dma_wait3A_1605 : memref<200x64xf32, #tpu.memory_space<vmem>>) dst(%dma_wait3A_1601 : memref<200x64xf32, #tpu.memory_space<hbm>>)
      %add3A_1606 = arith.addi %mul3A_2, %add3A_1582 : i32
      %dma_wait3A_1607 = arith.constant 6 : i32
      %dma_wait3A_1608 = arith.constant 6 : i32
      %dma_wait3A_1609 = arith.constant 0 : i32
      %dma_wait3A_1610 = tpu.memref_slice %arg5[%dma_wait3A_1607, %dma_wait3A_1609] : memref<8x200xi32, #tpu.memory_space<vmem>> -> memref<1x200xi32, #tpu.memory_space<vmem>>
      %dma_wait3A_1611 = tpu.memref_squeeze %dma_wait3A_1610 : memref<1x200xi32, #tpu.memory_space<vmem>> -> memref<200xi32, #tpu.memory_space<vmem>>
      %dma_wait3A_1612 = arith.constant 0 : i32
      %dma_wait3A_1613 = tpu.memref_slice %arg3[%add3A_1606, %dma_wait3A_1612] : memref<16384x200xi32, #tpu.memory_space<hbm>> -> memref<1x200xi32, #tpu.memory_space<hbm>>
      %dma_wait3A_1614 = tpu.memref_squeeze %dma_wait3A_1613 : memref<1x200xi32, #tpu.memory_space<hbm>> -> memref<200xi32, #tpu.memory_space<hbm>>
      %dma_wait3A_1615 = tpu.memref_slice %arg7[%dma_wait3A_1608] : memref<8x!tpu.dma_semaphore, #tpu.memory_space<semaphore_mem>> -> memref<1x!tpu.dma_semaphore, #tpu.memory_space<semaphore_mem>>
      %dma_wait3A_1616 = tpu.memref_squeeze %dma_wait3A_1615 : memref<1x!tpu.dma_semaphore, #tpu.memory_space<semaphore_mem>> -> memref<!tpu.dma_semaphore, #tpu.memory_space<semaphore_mem>>
      %dma_wait3A_1617 = arith.constant 0 : i32
      %dma_wait3A_1618 = tpu.memref_slice %arg5[%dma_wait3A_1607, %dma_wait3A_1617] : memref<8x200xi32, #tpu.memory_space<vmem>> -> memref<1x200xi32, #tpu.memory_space<vmem>>
      %dma_wait3A_1619 = tpu.memref_squeeze %dma_wait3A_1618 : memref<1x200xi32, #tpu.memory_space<vmem>> -> memref<200xi32, #tpu.memory_space<vmem>>
      %dma_wait3A_1620 = arith.constant 0 : i32
      %dma_wait3A_1621 = tpu.memref_slice %arg3[%add3A_1606, %dma_wait3A_1620] : memref<16384x200xi32, #tpu.memory_space<hbm>> -> memref<1x200xi32, #tpu.memory_space<hbm>>
      %dma_wait3A_1622 = tpu.memref_squeeze %dma_wait3A_1621 : memref<1x200xi32, #tpu.memory_space<hbm>> -> memref<200xi32, #tpu.memory_space<hbm>>
      tpu.wait_dma2 semaphore(%dma_wait3A_1616 : memref<!tpu.dma_semaphore, #tpu.memory_space<semaphore_mem>>) src(%dma_wait3A_1622 : memref<200xi32, #tpu.memory_space<hbm>>) dst(%dma_wait3A_1619 : memref<200xi32, #tpu.memory_space<vmem>>)
      %dma_start3A_1623 = arith.constant 6 : i32
      %dma_start3A_1624 = arith.constant 6 : i32
      %dma_start3A_1625 = arith.constant 6 : i32
      %dma_start3A_1626 = arith.constant 0 : i32
      %dma_start3A_1627 = arith.constant 0 : i32
      %dma_start3A_1628 = tpu.memref_slice %arg6[%dma_start3A_1624, %dma_start3A_1626, %dma_start3A_1627] : memref<8x200x64xf32, #tpu.memory_space<vmem>> -> memref<1x200x64xf32, #tpu.memory_space<vmem>>
      %dma_start3A_1629 = tpu.memref_squeeze %dma_start3A_1628 : memref<1x200x64xf32, #tpu.memory_space<vmem>> -> memref<200x64xf32, #tpu.memory_space<vmem>>
      %dma_start3A_1630 = arith.constant 0 : i32
      %dma_start3A_1631 = tpu.memref_slice %arg5[%dma_start3A_1623, %dma_start3A_1630] : memref<8x200xi32, #tpu.memory_space<vmem>> -> memref<1x200xi32, #tpu.memory_space<vmem>>
      %dma_start3A_1632 = tpu.memref_squeeze %dma_start3A_1631 : memref<1x200xi32, #tpu.memory_space<vmem>> -> memref<200xi32, #tpu.memory_space<vmem>>
      %dma_start3A_1633 = arith.constant 0 : i32
      %dma_start3A_1634 = arith.constant 0 : i32
      %dma_start3A_1635 = tpu.memref_slice %arg2[%dma_start3A_1633, %dma_start3A_1634] : memref<1000000x64xf32, #tpu.memory_space<hbm>> -> memref<1000000x64xf32, #tpu.memory_space<hbm>>
      %dma_start3A_1636 = tpu.memref_slice %arg8[%dma_start3A_1625] : memref<8x!tpu.dma_semaphore, #tpu.memory_space<semaphore_mem>> -> memref<1x!tpu.dma_semaphore, #tpu.memory_space<semaphore_mem>>
      %dma_start3A_1637 = tpu.memref_squeeze %dma_start3A_1636 : memref<1x!tpu.dma_semaphore, #tpu.memory_space<semaphore_mem>> -> memref<!tpu.dma_semaphore, #tpu.memory_space<semaphore_mem>>
      tpu.enqueue_indirect_dma source(%dma_start3A_1635 : memref<1000000x64xf32, #tpu.memory_space<hbm>>) target(%dma_start3A_1629 : memref<200x64xf32, #tpu.memory_space<vmem>>) offsets(%dma_start3A_1632 : memref<200xi32, #tpu.memory_space<vmem>>) semaphore(%dma_start3A_1637 : memref<!tpu.dma_semaphore, #tpu.memory_space<semaphore_mem>>)
      %dma_wait3A_1638 = arith.constant 2 : i32
      %dma_wait3A_1639 = arith.constant 2 : i32
      %dma_wait3A_1640 = arith.constant 2 : i32
      %dma_wait3A_1641 = arith.constant 0 : i32
      %dma_wait3A_1642 = arith.constant 0 : i32
      %dma_wait3A_1643 = tpu.memref_slice %arg6[%dma_wait3A_1639, %dma_wait3A_1641, %dma_wait3A_1642] : memref<8x200x64xf32, #tpu.memory_space<vmem>> -> memref<1x200x64xf32, #tpu.memory_space<vmem>>
      %dma_wait3A_1644 = tpu.memref_squeeze %dma_wait3A_1643 : memref<1x200x64xf32, #tpu.memory_space<vmem>> -> memref<200x64xf32, #tpu.memory_space<vmem>>
      %dma_wait3A_1645 = arith.constant 0 : i32
      %dma_wait3A_1646 = tpu.memref_slice %arg5[%dma_wait3A_1638, %dma_wait3A_1645] : memref<8x200xi32, #tpu.memory_space<vmem>> -> memref<1x200xi32, #tpu.memory_space<vmem>>
      %dma_wait3A_1647 = tpu.memref_squeeze %dma_wait3A_1646 : memref<1x200xi32, #tpu.memory_space<vmem>> -> memref<200xi32, #tpu.memory_space<vmem>>
      %dma_wait3A_1648 = arith.constant 0 : i32
      %dma_wait3A_1649 = arith.constant 0 : i32
      %dma_wait3A_1650 = tpu.memref_slice %arg2[%dma_wait3A_1648, %dma_wait3A_1649] : memref<1000000x64xf32, #tpu.memory_space<hbm>> -> memref<1000000x64xf32, #tpu.memory_space<hbm>>
      %dma_wait3A_1651 = tpu.memref_slice %arg8[%dma_wait3A_1640] : memref<8x!tpu.dma_semaphore, #tpu.memory_space<semaphore_mem>> -> memref<1x!tpu.dma_semaphore, #tpu.memory_space<semaphore_mem>>
      %dma_wait3A_1652 = tpu.memref_squeeze %dma_wait3A_1651 : memref<1x!tpu.dma_semaphore, #tpu.memory_space<semaphore_mem>> -> memref<!tpu.dma_semaphore, #tpu.memory_space<semaphore_mem>>
      tpu.wait_indirect_dma semaphore(%dma_wait3A_1652 : memref<!tpu.dma_semaphore, #tpu.memory_space<semaphore_mem>>) src(%dma_wait3A_1650 : memref<1000000x64xf32, #tpu.memory_space<hbm>>) dst(%dma_wait3A_1644 : memref<200x64xf32, #tpu.memory_space<vmem>>)
      %sub3A_1653 = arith.constant 4 : i32
      %sub3A_1654 = arith.subi %add3A_1582, %sub3A_1653 : i32
      %add3A_1655 = arith.addi %mul3A_2, %sub3A_1654 : i32
      %dma_start3A_1656 = arith.constant 2 : i32
      %dma_start3A_1657 = arith.constant 2 : i32
      %dma_start3A_1658 = arith.constant 0 : i32
      %dma_start3A_1659 = arith.constant 0 : i32
      %dma_start3A_1660 = tpu.memref_slice %arg6[%dma_start3A_1656, %dma_start3A_1658, %dma_start3A_1659] : memref<8x200x64xf32, #tpu.memory_space<vmem>> -> memref<1x200x64xf32, #tpu.memory_space<vmem>>
      %dma_start3A_1661 = tpu.memref_squeeze %dma_start3A_1660 : memref<1x200x64xf32, #tpu.memory_space<vmem>> -> memref<200x64xf32, #tpu.memory_space<vmem>>
      %dma_start3A_1662 = arith.constant 0 : i32
      %dma_start3A_1663 = arith.constant 0 : i32
      %dma_start3A_1664 = tpu.memref_slice %arg4[%add3A_1655, %dma_start3A_1662, %dma_start3A_1663] : memref<16384x200x128xf32, #tpu.memory_space<hbm>> -> memref<1x200x64xf32, #tpu.memory_space<hbm>>
      %dma_start3A_1665 = tpu.memref_squeeze %dma_start3A_1664 : memref<1x200x64xf32, #tpu.memory_space<hbm>> -> memref<200x64xf32, #tpu.memory_space<hbm>>
      %dma_start3A_1666 = tpu.memref_slice %arg9[%dma_start3A_1657] : memref<8x!tpu.dma_semaphore, #tpu.memory_space<semaphore_mem>> -> memref<1x!tpu.dma_semaphore, #tpu.memory_space<semaphore_mem>>
      %dma_start3A_1667 = tpu.memref_squeeze %dma_start3A_1666 : memref<1x!tpu.dma_semaphore, #tpu.memory_space<semaphore_mem>> -> memref<!tpu.dma_semaphore, #tpu.memory_space<semaphore_mem>>
      %dma_start3A_1668 = arith.constant 0 : i32
      %dma_start3A_1669 = arith.constant 0 : i32
      %dma_start3A_1670 = tpu.memref_slice %arg4[%add3A_1655, %dma_start3A_1668, %dma_start3A_1669] : memref<16384x200x128xf32, #tpu.memory_space<hbm>> -> memref<1x200x64xf32, #tpu.memory_space<hbm>>
      %dma_start3A_1671 = tpu.memref_squeeze %dma_start3A_1670 : memref<1x200x64xf32, #tpu.memory_space<hbm>> -> memref<200x64xf32, #tpu.memory_space<hbm>>
      %dma_start3A_1672 = arith.constant 0 : i32
      %dma_start3A_1673 = arith.constant 0 : i32
      %dma_start3A_1674 = tpu.memref_slice %arg6[%dma_start3A_1656, %dma_start3A_1672, %dma_start3A_1673] : memref<8x200x64xf32, #tpu.memory_space<vmem>> -> memref<1x200x64xf32, #tpu.memory_space<vmem>>
      %dma_start3A_1675 = tpu.memref_squeeze %dma_start3A_1674 : memref<1x200x64xf32, #tpu.memory_space<vmem>> -> memref<200x64xf32, #tpu.memory_space<vmem>>
      tpu.enqueue_dma source(%dma_start3A_1675 : memref<200x64xf32, #tpu.memory_space<vmem>>) target(%dma_start3A_1671 : memref<200x64xf32, #tpu.memory_space<hbm>>) target_semaphore(%dma_start3A_1667 : memref<!tpu.dma_semaphore, #tpu.memory_space<semaphore_mem>>)
      %add3A_1676 = arith.constant 4 : i32
      %add3A_1677 = arith.addi %add3A_1582, %add3A_1676 : i32
      %lt3A_1678 = arith.constant 512 : i32
      %lt3A_1679 = arith.cmpi slt, %add3A_1677, %lt3A_1678 : i32
      %convert_element_type3A_1680 = arith.extui %lt3A_1679 : i1 to i32
      %cond3A_1681 = arith.constant 0 : i32
      %cond3A_1682 = arith.cmpi ne, %convert_element_type3A_1680, %cond3A_1681 : i32
      scf.if %cond3A_1682 {
        %add3A_1787 = arith.constant 4 : i32
        %add3A_1788 = arith.addi %add3A_1582, %add3A_1787 : i32
        %add3A_1789 = arith.addi %mul3A_2, %add3A_1788 : i32
        %dma_start3A_1790 = arith.constant 2 : i32
        %dma_start3A_1791 = arith.constant 2 : i32
        %dma_start3A_1792 = arith.constant 0 : i32
        %dma_start3A_1793 = tpu.memref_slice %arg5[%dma_start3A_1790, %dma_start3A_1792] : memref<8x200xi32, #tpu.memory_space<vmem>> -> memref<1x200xi32, #tpu.memory_space<vmem>>
        %dma_start3A_1794 = tpu.memref_squeeze %dma_start3A_1793 : memref<1x200xi32, #tpu.memory_space<vmem>> -> memref<200xi32, #tpu.memory_space<vmem>>
        %dma_start3A_1795 = arith.constant 0 : i32
        %dma_start3A_1796 = tpu.memref_slice %arg3[%add3A_1789, %dma_start3A_1795] : memref<16384x200xi32, #tpu.memory_space<hbm>> -> memref<1x200xi32, #tpu.memory_space<hbm>>
        %dma_start3A_1797 = tpu.memref_squeeze %dma_start3A_1796 : memref<1x200xi32, #tpu.memory_space<hbm>> -> memref<200xi32, #tpu.memory_space<hbm>>
        %dma_start3A_1798 = tpu.memref_slice %arg7[%dma_start3A_1791] : memref<8x!tpu.dma_semaphore, #tpu.memory_space<semaphore_mem>> -> memref<1x!tpu.dma_semaphore, #tpu.memory_space<semaphore_mem>>
        %dma_start3A_1799 = tpu.memref_squeeze %dma_start3A_1798 : memref<1x!tpu.dma_semaphore, #tpu.memory_space<semaphore_mem>> -> memref<!tpu.dma_semaphore, #tpu.memory_space<semaphore_mem>>
        %dma_start3A_1800 = arith.constant 0 : i32
        %dma_start3A_1801 = tpu.memref_slice %arg5[%dma_start3A_1790, %dma_start3A_1800] : memref<8x200xi32, #tpu.memory_space<vmem>> -> memref<1x200xi32, #tpu.memory_space<vmem>>
        %dma_start3A_1802 = tpu.memref_squeeze %dma_start3A_1801 : memref<1x200xi32, #tpu.memory_space<vmem>> -> memref<200xi32, #tpu.memory_space<vmem>>
        %dma_start3A_1803 = arith.constant 0 : i32
        %dma_start3A_1804 = tpu.memref_slice %arg3[%add3A_1789, %dma_start3A_1803] : memref<16384x200xi32, #tpu.memory_space<hbm>> -> memref<1x200xi32, #tpu.memory_space<hbm>>
        %dma_start3A_1805 = tpu.memref_squeeze %dma_start3A_1804 : memref<1x200xi32, #tpu.memory_space<hbm>> -> memref<200xi32, #tpu.memory_space<hbm>>
        tpu.enqueue_dma source(%dma_start3A_1805 : memref<200xi32, #tpu.memory_space<hbm>>) target(%dma_start3A_1802 : memref<200xi32, #tpu.memory_space<vmem>>) target_semaphore(%dma_start3A_1799 : memref<!tpu.dma_semaphore, #tpu.memory_space<semaphore_mem>>)
      } else {
      }
      %mul3A_1683 = arith.constant 8 : i32
      %mul3A_1684 = arith.muli %scan3A_958, %mul3A_1683 : i32
      %add3A_1685 = arith.constant 7 : i32
      %add3A_1686 = arith.addi %mul3A_1684, %add3A_1685 : i32
      %sub3A_1687 = arith.constant 8 : i32
      %sub3A_1688 = arith.subi %add3A_1686, %sub3A_1687 : i32
      %add3A_1689 = arith.addi %mul3A_2, %sub3A_1688 : i32
      %dma_wait3A_1690 = arith.constant 7 : i32
      %dma_wait3A_1691 = arith.constant 7 : i32
      %dma_wait3A_1692 = arith.constant 0 : i32
      %dma_wait3A_1693 = arith.constant 0 : i32
      %dma_wait3A_1694 = tpu.memref_slice %arg6[%dma_wait3A_1690, %dma_wait3A_1692, %dma_wait3A_1693] : memref<8x200x64xf32, #tpu.memory_space<vmem>> -> memref<1x200x64xf32, #tpu.memory_space<vmem>>
      %dma_wait3A_1695 = tpu.memref_squeeze %dma_wait3A_1694 : memref<1x200x64xf32, #tpu.memory_space<vmem>> -> memref<200x64xf32, #tpu.memory_space<vmem>>
      %dma_wait3A_1696 = arith.constant 0 : i32
      %dma_wait3A_1697 = arith.constant 0 : i32
      %dma_wait3A_1698 = tpu.memref_slice %arg4[%add3A_1689, %dma_wait3A_1696, %dma_wait3A_1697] : memref<16384x200x128xf32, #tpu.memory_space<hbm>> -> memref<1x200x64xf32, #tpu.memory_space<hbm>>
      %dma_wait3A_1699 = tpu.memref_squeeze %dma_wait3A_1698 : memref<1x200x64xf32, #tpu.memory_space<hbm>> -> memref<200x64xf32, #tpu.memory_space<hbm>>
      %dma_wait3A_1700 = tpu.memref_slice %arg9[%dma_wait3A_1691] : memref<8x!tpu.dma_semaphore, #tpu.memory_space<semaphore_mem>> -> memref<1x!tpu.dma_semaphore, #tpu.memory_space<semaphore_mem>>
      %dma_wait3A_1701 = tpu.memref_squeeze %dma_wait3A_1700 : memref<1x!tpu.dma_semaphore, #tpu.memory_space<semaphore_mem>> -> memref<!tpu.dma_semaphore, #tpu.memory_space<semaphore_mem>>
      %dma_wait3A_1702 = arith.constant 0 : i32
      %dma_wait3A_1703 = arith.constant 0 : i32
      %dma_wait3A_1704 = tpu.memref_slice %arg4[%add3A_1689, %dma_wait3A_1702, %dma_wait3A_1703] : memref<16384x200x128xf32, #tpu.memory_space<hbm>> -> memref<1x200x64xf32, #tpu.memory_space<hbm>>
      %dma_wait3A_1705 = tpu.memref_squeeze %dma_wait3A_1704 : memref<1x200x64xf32, #tpu.memory_space<hbm>> -> memref<200x64xf32, #tpu.memory_space<hbm>>
      %dma_wait3A_1706 = arith.constant 0 : i32
      %dma_wait3A_1707 = arith.constant 0 : i32
      %dma_wait3A_1708 = tpu.memref_slice %arg6[%dma_wait3A_1690, %dma_wait3A_1706, %dma_wait3A_1707] : memref<8x200x64xf32, #tpu.memory_space<vmem>> -> memref<1x200x64xf32, #tpu.memory_space<vmem>>
      %dma_wait3A_1709 = tpu.memref_squeeze %dma_wait3A_1708 : memref<1x200x64xf32, #tpu.memory_space<vmem>> -> memref<200x64xf32, #tpu.memory_space<vmem>>
      tpu.wait_dma2 semaphore(%dma_wait3A_1701 : memref<!tpu.dma_semaphore, #tpu.memory_space<semaphore_mem>>) src(%dma_wait3A_1709 : memref<200x64xf32, #tpu.memory_space<vmem>>) dst(%dma_wait3A_1705 : memref<200x64xf32, #tpu.memory_space<hbm>>)
      %add3A_1710 = arith.addi %mul3A_2, %add3A_1686 : i32
      %dma_wait3A_1711 = arith.constant 7 : i32
      %dma_wait3A_1712 = arith.constant 7 : i32
      %dma_wait3A_1713 = arith.constant 0 : i32
      %dma_wait3A_1714 = tpu.memref_slice %arg5[%dma_wait3A_1711, %dma_wait3A_1713] : memref<8x200xi32, #tpu.memory_space<vmem>> -> memref<1x200xi32, #tpu.memory_space<vmem>>
      %dma_wait3A_1715 = tpu.memref_squeeze %dma_wait3A_1714 : memref<1x200xi32, #tpu.memory_space<vmem>> -> memref<200xi32, #tpu.memory_space<vmem>>
      %dma_wait3A_1716 = arith.constant 0 : i32
      %dma_wait3A_1717 = tpu.memref_slice %arg3[%add3A_1710, %dma_wait3A_1716] : memref<16384x200xi32, #tpu.memory_space<hbm>> -> memref<1x200xi32, #tpu.memory_space<hbm>>
      %dma_wait3A_1718 = tpu.memref_squeeze %dma_wait3A_1717 : memref<1x200xi32, #tpu.memory_space<hbm>> -> memref<200xi32, #tpu.memory_space<hbm>>
      %dma_wait3A_1719 = tpu.memref_slice %arg7[%dma_wait3A_1712] : memref<8x!tpu.dma_semaphore, #tpu.memory_space<semaphore_mem>> -> memref<1x!tpu.dma_semaphore, #tpu.memory_space<semaphore_mem>>
      %dma_wait3A_1720 = tpu.memref_squeeze %dma_wait3A_1719 : memref<1x!tpu.dma_semaphore, #tpu.memory_space<semaphore_mem>> -> memref<!tpu.dma_semaphore, #tpu.memory_space<semaphore_mem>>
      %dma_wait3A_1721 = arith.constant 0 : i32
      %dma_wait3A_1722 = tpu.memref_slice %arg5[%dma_wait3A_1711, %dma_wait3A_1721] : memref<8x200xi32, #tpu.memory_space<vmem>> -> memref<1x200xi32, #tpu.memory_space<vmem>>
      %dma_wait3A_1723 = tpu.memref_squeeze %dma_wait3A_1722 : memref<1x200xi32, #tpu.memory_space<vmem>> -> memref<200xi32, #tpu.memory_space<vmem>>
      %dma_wait3A_1724 = arith.constant 0 : i32
      %dma_wait3A_1725 = tpu.memref_slice %arg3[%add3A_1710, %dma_wait3A_1724] : memref<16384x200xi32, #tpu.memory_space<hbm>> -> memref<1x200xi32, #tpu.memory_space<hbm>>
      %dma_wait3A_1726 = tpu.memref_squeeze %dma_wait3A_1725 : memref<1x200xi32, #tpu.memory_space<hbm>> -> memref<200xi32, #tpu.memory_space<hbm>>
      tpu.wait_dma2 semaphore(%dma_wait3A_1720 : memref<!tpu.dma_semaphore, #tpu.memory_space<semaphore_mem>>) src(%dma_wait3A_1726 : memref<200xi32, #tpu.memory_space<hbm>>) dst(%dma_wait3A_1723 : memref<200xi32, #tpu.memory_space<vmem>>)
      %dma_start3A_1727 = arith.constant 7 : i32
      %dma_start3A_1728 = arith.constant 7 : i32
      %dma_start3A_1729 = arith.constant 7 : i32
      %dma_start3A_1730 = arith.constant 0 : i32
      %dma_start3A_1731 = arith.constant 0 : i32
      %dma_start3A_1732 = tpu.memref_slice %arg6[%dma_start3A_1728, %dma_start3A_1730, %dma_start3A_1731] : memref<8x200x64xf32, #tpu.memory_space<vmem>> -> memref<1x200x64xf32, #tpu.memory_space<vmem>>
      %dma_start3A_1733 = tpu.memref_squeeze %dma_start3A_1732 : memref<1x200x64xf32, #tpu.memory_space<vmem>> -> memref<200x64xf32, #tpu.memory_space<vmem>>
      %dma_start3A_1734 = arith.constant 0 : i32
      %dma_start3A_1735 = tpu.memref_slice %arg5[%dma_start3A_1727, %dma_start3A_1734] : memref<8x200xi32, #tpu.memory_space<vmem>> -> memref<1x200xi32, #tpu.memory_space<vmem>>
      %dma_start3A_1736 = tpu.memref_squeeze %dma_start3A_1735 : memref<1x200xi32, #tpu.memory_space<vmem>> -> memref<200xi32, #tpu.memory_space<vmem>>
      %dma_start3A_1737 = arith.constant 0 : i32
      %dma_start3A_1738 = arith.constant 0 : i32
      %dma_start3A_1739 = tpu.memref_slice %arg2[%dma_start3A_1737, %dma_start3A_1738] : memref<1000000x64xf32, #tpu.memory_space<hbm>> -> memref<1000000x64xf32, #tpu.memory_space<hbm>>
      %dma_start3A_1740 = tpu.memref_slice %arg8[%dma_start3A_1729] : memref<8x!tpu.dma_semaphore, #tpu.memory_space<semaphore_mem>> -> memref<1x!tpu.dma_semaphore, #tpu.memory_space<semaphore_mem>>
      %dma_start3A_1741 = tpu.memref_squeeze %dma_start3A_1740 : memref<1x!tpu.dma_semaphore, #tpu.memory_space<semaphore_mem>> -> memref<!tpu.dma_semaphore, #tpu.memory_space<semaphore_mem>>
      tpu.enqueue_indirect_dma source(%dma_start3A_1739 : memref<1000000x64xf32, #tpu.memory_space<hbm>>) target(%dma_start3A_1733 : memref<200x64xf32, #tpu.memory_space<vmem>>) offsets(%dma_start3A_1736 : memref<200xi32, #tpu.memory_space<vmem>>) semaphore(%dma_start3A_1741 : memref<!tpu.dma_semaphore, #tpu.memory_space<semaphore_mem>>)
      %dma_wait3A_1742 = arith.constant 3 : i32
      %dma_wait3A_1743 = arith.constant 3 : i32
      %dma_wait3A_1744 = arith.constant 3 : i32
      %dma_wait3A_1745 = arith.constant 0 : i32
      %dma_wait3A_1746 = arith.constant 0 : i32
      %dma_wait3A_1747 = tpu.memref_slice %arg6[%dma_wait3A_1743, %dma_wait3A_1745, %dma_wait3A_1746] : memref<8x200x64xf32, #tpu.memory_space<vmem>> -> memref<1x200x64xf32, #tpu.memory_space<vmem>>
      %dma_wait3A_1748 = tpu.memref_squeeze %dma_wait3A_1747 : memref<1x200x64xf32, #tpu.memory_space<vmem>> -> memref<200x64xf32, #tpu.memory_space<vmem>>
      %dma_wait3A_1749 = arith.constant 0 : i32
      %dma_wait3A_1750 = tpu.memref_slice %arg5[%dma_wait3A_1742, %dma_wait3A_1749] : memref<8x200xi32, #tpu.memory_space<vmem>> -> memref<1x200xi32, #tpu.memory_space<vmem>>
      %dma_wait3A_1751 = tpu.memref_squeeze %dma_wait3A_1750 : memref<1x200xi32, #tpu.memory_space<vmem>> -> memref<200xi32, #tpu.memory_space<vmem>>
      %dma_wait3A_1752 = arith.constant 0 : i32
      %dma_wait3A_1753 = arith.constant 0 : i32
      %dma_wait3A_1754 = tpu.memref_slice %arg2[%dma_wait3A_1752, %dma_wait3A_1753] : memref<1000000x64xf32, #tpu.memory_space<hbm>> -> memref<1000000x64xf32, #tpu.memory_space<hbm>>
      %dma_wait3A_1755 = tpu.memref_slice %arg8[%dma_wait3A_1744] : memref<8x!tpu.dma_semaphore, #tpu.memory_space<semaphore_mem>> -> memref<1x!tpu.dma_semaphore, #tpu.memory_space<semaphore_mem>>
      %dma_wait3A_1756 = tpu.memref_squeeze %dma_wait3A_1755 : memref<1x!tpu.dma_semaphore, #tpu.memory_space<semaphore_mem>> -> memref<!tpu.dma_semaphore, #tpu.memory_space<semaphore_mem>>
      tpu.wait_indirect_dma semaphore(%dma_wait3A_1756 : memref<!tpu.dma_semaphore, #tpu.memory_space<semaphore_mem>>) src(%dma_wait3A_1754 : memref<1000000x64xf32, #tpu.memory_space<hbm>>) dst(%dma_wait3A_1748 : memref<200x64xf32, #tpu.memory_space<vmem>>)
      %sub3A_1757 = arith.constant 4 : i32
      %sub3A_1758 = arith.subi %add3A_1686, %sub3A_1757 : i32
      %add3A_1759 = arith.addi %mul3A_2, %sub3A_1758 : i32
      %dma_start3A_1760 = arith.constant 3 : i32
      %dma_start3A_1761 = arith.constant 3 : i32
      %dma_start3A_1762 = arith.constant 0 : i32
      %dma_start3A_1763 = arith.constant 0 : i32
      %dma_start3A_1764 = tpu.memref_slice %arg6[%dma_start3A_1760, %dma_start3A_1762, %dma_start3A_1763] : memref<8x200x64xf32, #tpu.memory_space<vmem>> -> memref<1x200x64xf32, #tpu.memory_space<vmem>>
      %dma_start3A_1765 = tpu.memref_squeeze %dma_start3A_1764 : memref<1x200x64xf32, #tpu.memory_space<vmem>> -> memref<200x64xf32, #tpu.memory_space<vmem>>
      %dma_start3A_1766 = arith.constant 0 : i32
      %dma_start3A_1767 = arith.constant 0 : i32
      %dma_start3A_1768 = tpu.memref_slice %arg4[%add3A_1759, %dma_start3A_1766, %dma_start3A_1767] : memref<16384x200x128xf32, #tpu.memory_space<hbm>> -> memref<1x200x64xf32, #tpu.memory_space<hbm>>
      %dma_start3A_1769 = tpu.memref_squeeze %dma_start3A_1768 : memref<1x200x64xf32, #tpu.memory_space<hbm>> -> memref<200x64xf32, #tpu.memory_space<hbm>>
      %dma_start3A_1770 = tpu.memref_slice %arg9[%dma_start3A_1761] : memref<8x!tpu.dma_semaphore, #tpu.memory_space<semaphore_mem>> -> memref<1x!tpu.dma_semaphore, #tpu.memory_space<semaphore_mem>>
      %dma_start3A_1771 = tpu.memref_squeeze %dma_start3A_1770 : memref<1x!tpu.dma_semaphore, #tpu.memory_space<semaphore_mem>> -> memref<!tpu.dma_semaphore, #tpu.memory_space<semaphore_mem>>
      %dma_start3A_1772 = arith.constant 0 : i32
      %dma_start3A_1773 = arith.constant 0 : i32
      %dma_start3A_1774 = tpu.memref_slice %arg4[%add3A_1759, %dma_start3A_1772, %dma_start3A_1773] : memref<16384x200x128xf32, #tpu.memory_space<hbm>> -> memref<1x200x64xf32, #tpu.memory_space<hbm>>
      %dma_start3A_1775 = tpu.memref_squeeze %dma_start3A_1774 : memref<1x200x64xf32, #tpu.memory_space<hbm>> -> memref<200x64xf32, #tpu.memory_space<hbm>>
      %dma_start3A_1776 = arith.constant 0 : i32
      %dma_start3A_1777 = arith.constant 0 : i32
      %dma_start3A_1778 = tpu.memref_slice %arg6[%dma_start3A_1760, %dma_start3A_1776, %dma_start3A_1777] : memref<8x200x64xf32, #tpu.memory_space<vmem>> -> memref<1x200x64xf32, #tpu.memory_space<vmem>>
      %dma_start3A_1779 = tpu.memref_squeeze %dma_start3A_1778 : memref<1x200x64xf32, #tpu.memory_space<vmem>> -> memref<200x64xf32, #tpu.memory_space<vmem>>
      tpu.enqueue_dma source(%dma_start3A_1779 : memref<200x64xf32, #tpu.memory_space<vmem>>) target(%dma_start3A_1775 : memref<200x64xf32, #tpu.memory_space<hbm>>) target_semaphore(%dma_start3A_1771 : memref<!tpu.dma_semaphore, #tpu.memory_space<semaphore_mem>>)
      %add3A_1780 = arith.constant 4 : i32
      %add3A_1781 = arith.addi %add3A_1686, %add3A_1780 : i32
      %lt3A_1782 = arith.constant 512 : i32
      %lt3A_1783 = arith.cmpi slt, %add3A_1781, %lt3A_1782 : i32
      %convert_element_type3A_1784 = arith.extui %lt3A_1783 : i1 to i32
      %cond3A_1785 = arith.constant 0 : i32
      %cond3A_1786 = arith.cmpi ne, %convert_element_type3A_1784, %cond3A_1785 : i32
      scf.if %cond3A_1786 {
        %add3A_1787 = arith.constant 4 : i32
        %add3A_1788 = arith.addi %add3A_1686, %add3A_1787 : i32
        %add3A_1789 = arith.addi %mul3A_2, %add3A_1788 : i32
        %dma_start3A_1790 = arith.constant 3 : i32
        %dma_start3A_1791 = arith.constant 3 : i32
        %dma_start3A_1792 = arith.constant 0 : i32
        %dma_start3A_1793 = tpu.memref_slice %arg5[%dma_start3A_1790, %dma_start3A_1792] : memref<8x200xi32, #tpu.memory_space<vmem>> -> memref<1x200xi32, #tpu.memory_space<vmem>>
        %dma_start3A_1794 = tpu.memref_squeeze %dma_start3A_1793 : memref<1x200xi32, #tpu.memory_space<vmem>> -> memref<200xi32, #tpu.memory_space<vmem>>
        %dma_start3A_1795 = arith.constant 0 : i32
        %dma_start3A_1796 = tpu.memref_slice %arg3[%add3A_1789, %dma_start3A_1795] : memref<16384x200xi32, #tpu.memory_space<hbm>> -> memref<1x200xi32, #tpu.memory_space<hbm>>
        %dma_start3A_1797 = tpu.memref_squeeze %dma_start3A_1796 : memref<1x200xi32, #tpu.memory_space<hbm>> -> memref<200xi32, #tpu.memory_space<hbm>>
        %dma_start3A_1798 = tpu.memref_slice %arg7[%dma_start3A_1791] : memref<8x!tpu.dma_semaphore, #tpu.memory_space<semaphore_mem>> -> memref<1x!tpu.dma_semaphore, #tpu.memory_space<semaphore_mem>>
        %dma_start3A_1799 = tpu.memref_squeeze %dma_start3A_1798 : memref<1x!tpu.dma_semaphore, #tpu.memory_space<semaphore_mem>> -> memref<!tpu.dma_semaphore, #tpu.memory_space<semaphore_mem>>
        %dma_start3A_1800 = arith.constant 0 : i32
        %dma_start3A_1801 = tpu.memref_slice %arg5[%dma_start3A_1790, %dma_start3A_1800] : memref<8x200xi32, #tpu.memory_space<vmem>> -> memref<1x200xi32, #tpu.memory_space<vmem>>
        %dma_start3A_1802 = tpu.memref_squeeze %dma_start3A_1801 : memref<1x200xi32, #tpu.memory_space<vmem>> -> memref<200xi32, #tpu.memory_space<vmem>>
        %dma_start3A_1803 = arith.constant 0 : i32
        %dma_start3A_1804 = tpu.memref_slice %arg3[%add3A_1789, %dma_start3A_1803] : memref<16384x200xi32, #tpu.memory_space<hbm>> -> memref<1x200xi32, #tpu.memory_space<hbm>>
        %dma_start3A_1805 = tpu.memref_squeeze %dma_start3A_1804 : memref<1x200xi32, #tpu.memory_space<hbm>> -> memref<200xi32, #tpu.memory_space<hbm>>
        tpu.enqueue_dma source(%dma_start3A_1805 : memref<200xi32, #tpu.memory_space<hbm>>) target(%dma_start3A_1802 : memref<200xi32, #tpu.memory_space<vmem>>) target_semaphore(%dma_start3A_1799 : memref<!tpu.dma_semaphore, #tpu.memory_space<semaphore_mem>>)
      } else {
      }
    }
    %scan3A_633 = arith.constant 63 : i32
    %dma_wait3A_634 = arith.constant 4 : i32
    %dma_wait3A_635 = arith.constant 4 : i32
    %dma_wait3A_636 = arith.constant 4 : i32
    %dma_wait3A_637 = arith.constant 0 : i32
    %dma_wait3A_638 = arith.constant 0 : i32
    %dma_wait3A_639 = tpu.memref_slice %arg6[%dma_wait3A_635, %dma_wait3A_637, %dma_wait3A_638] : memref<8x200x64xf32, #tpu.memory_space<vmem>> -> memref<1x200x64xf32, #tpu.memory_space<vmem>>
    %dma_wait3A_640 = tpu.memref_squeeze %dma_wait3A_639 : memref<1x200x64xf32, #tpu.memory_space<vmem>> -> memref<200x64xf32, #tpu.memory_space<vmem>>
    %dma_wait3A_641 = arith.constant 0 : i32
    %dma_wait3A_642 = tpu.memref_slice %arg5[%dma_wait3A_634, %dma_wait3A_641] : memref<8x200xi32, #tpu.memory_space<vmem>> -> memref<1x200xi32, #tpu.memory_space<vmem>>
    %dma_wait3A_643 = tpu.memref_squeeze %dma_wait3A_642 : memref<1x200xi32, #tpu.memory_space<vmem>> -> memref<200xi32, #tpu.memory_space<vmem>>
    %dma_wait3A_644 = arith.constant 0 : i32
    %dma_wait3A_645 = arith.constant 0 : i32
    %dma_wait3A_646 = tpu.memref_slice %arg2[%dma_wait3A_644, %dma_wait3A_645] : memref<1000000x64xf32, #tpu.memory_space<hbm>> -> memref<1000000x64xf32, #tpu.memory_space<hbm>>
    %dma_wait3A_647 = tpu.memref_slice %arg8[%dma_wait3A_636] : memref<8x!tpu.dma_semaphore, #tpu.memory_space<semaphore_mem>> -> memref<1x!tpu.dma_semaphore, #tpu.memory_space<semaphore_mem>>
    %dma_wait3A_648 = tpu.memref_squeeze %dma_wait3A_647 : memref<1x!tpu.dma_semaphore, #tpu.memory_space<semaphore_mem>> -> memref<!tpu.dma_semaphore, #tpu.memory_space<semaphore_mem>>
    tpu.wait_indirect_dma semaphore(%dma_wait3A_648 : memref<!tpu.dma_semaphore, #tpu.memory_space<semaphore_mem>>) src(%dma_wait3A_646 : memref<1000000x64xf32, #tpu.memory_space<hbm>>) dst(%dma_wait3A_640 : memref<200x64xf32, #tpu.memory_space<vmem>>)
    %add3A_649 = arith.constant 508 : i32
    %add3A_650 = arith.addi %mul3A_2, %add3A_649 : i32
    %dma_start3A_651 = arith.constant 4 : i32
    %dma_start3A_652 = arith.constant 4 : i32
    %dma_start3A_653 = arith.constant 0 : i32
    %dma_start3A_654 = arith.constant 0 : i32
    %dma_start3A_655 = tpu.memref_slice %arg6[%dma_start3A_651, %dma_start3A_653, %dma_start3A_654] : memref<8x200x64xf32, #tpu.memory_space<vmem>> -> memref<1x200x64xf32, #tpu.memory_space<vmem>>
    %dma_start3A_656 = tpu.memref_squeeze %dma_start3A_655 : memref<1x200x64xf32, #tpu.memory_space<vmem>> -> memref<200x64xf32, #tpu.memory_space<vmem>>
    %dma_start3A_657 = arith.constant 0 : i32
    %dma_start3A_658 = arith.constant 0 : i32
    %dma_start3A_659 = tpu.memref_slice %arg4[%add3A_650, %dma_start3A_657, %dma_start3A_658] : memref<16384x200x128xf32, #tpu.memory_space<hbm>> -> memref<1x200x64xf32, #tpu.memory_space<hbm>>
    %dma_start3A_660 = tpu.memref_squeeze %dma_start3A_659 : memref<1x200x64xf32, #tpu.memory_space<hbm>> -> memref<200x64xf32, #tpu.memory_space<hbm>>
    %dma_start3A_661 = tpu.memref_slice %arg9[%dma_start3A_652] : memref<8x!tpu.dma_semaphore, #tpu.memory_space<semaphore_mem>> -> memref<1x!tpu.dma_semaphore, #tpu.memory_space<semaphore_mem>>
    %dma_start3A_662 = tpu.memref_squeeze %dma_start3A_661 : memref<1x!tpu.dma_semaphore, #tpu.memory_space<semaphore_mem>> -> memref<!tpu.dma_semaphore, #tpu.memory_space<semaphore_mem>>
    %dma_start3A_663 = arith.constant 0 : i32
    %dma_start3A_664 = arith.constant 0 : i32
    %dma_start3A_665 = tpu.memref_slice %arg4[%add3A_650, %dma_start3A_663, %dma_start3A_664] : memref<16384x200x128xf32, #tpu.memory_space<hbm>> -> memref<1x200x64xf32, #tpu.memory_space<hbm>>
    %dma_start3A_666 = tpu.memref_squeeze %dma_start3A_665 : memref<1x200x64xf32, #tpu.memory_space<hbm>> -> memref<200x64xf32, #tpu.memory_space<hbm>>
    %dma_start3A_667 = arith.constant 0 : i32
    %dma_start3A_668 = arith.constant 0 : i32
    %dma_start3A_669 = tpu.memref_slice %arg6[%dma_start3A_651, %dma_start3A_667, %dma_start3A_668] : memref<8x200x64xf32, #tpu.memory_space<vmem>> -> memref<1x200x64xf32, #tpu.memory_space<vmem>>
    %dma_start3A_670 = tpu.memref_squeeze %dma_start3A_669 : memref<1x200x64xf32, #tpu.memory_space<vmem>> -> memref<200x64xf32, #tpu.memory_space<vmem>>
    tpu.enqueue_dma source(%dma_start3A_670 : memref<200x64xf32, #tpu.memory_space<vmem>>) target(%dma_start3A_666 : memref<200x64xf32, #tpu.memory_space<hbm>>) target_semaphore(%dma_start3A_662 : memref<!tpu.dma_semaphore, #tpu.memory_space<semaphore_mem>>)
    %dma_wait3A_671 = arith.constant 5 : i32
    %dma_wait3A_672 = arith.constant 5 : i32
    %dma_wait3A_673 = arith.constant 5 : i32
    %dma_wait3A_674 = arith.constant 0 : i32
    %dma_wait3A_675 = arith.constant 0 : i32
    %dma_wait3A_676 = tpu.memref_slice %arg6[%dma_wait3A_672, %dma_wait3A_674, %dma_wait3A_675] : memref<8x200x64xf32, #tpu.memory_space<vmem>> -> memref<1x200x64xf32, #tpu.memory_space<vmem>>
    %dma_wait3A_677 = tpu.memref_squeeze %dma_wait3A_676 : memref<1x200x64xf32, #tpu.memory_space<vmem>> -> memref<200x64xf32, #tpu.memory_space<vmem>>
    %dma_wait3A_678 = arith.constant 0 : i32
    %dma_wait3A_679 = tpu.memref_slice %arg5[%dma_wait3A_671, %dma_wait3A_678] : memref<8x200xi32, #tpu.memory_space<vmem>> -> memref<1x200xi32, #tpu.memory_space<vmem>>
    %dma_wait3A_680 = tpu.memref_squeeze %dma_wait3A_679 : memref<1x200xi32, #tpu.memory_space<vmem>> -> memref<200xi32, #tpu.memory_space<vmem>>
    %dma_wait3A_681 = arith.constant 0 : i32
    %dma_wait3A_682 = arith.constant 0 : i32
    %dma_wait3A_683 = tpu.memref_slice %arg2[%dma_wait3A_681, %dma_wait3A_682] : memref<1000000x64xf32, #tpu.memory_space<hbm>> -> memref<1000000x64xf32, #tpu.memory_space<hbm>>
    %dma_wait3A_684 = tpu.memref_slice %arg8[%dma_wait3A_673] : memref<8x!tpu.dma_semaphore, #tpu.memory_space<semaphore_mem>> -> memref<1x!tpu.dma_semaphore, #tpu.memory_space<semaphore_mem>>
    %dma_wait3A_685 = tpu.memref_squeeze %dma_wait3A_684 : memref<1x!tpu.dma_semaphore, #tpu.memory_space<semaphore_mem>> -> memref<!tpu.dma_semaphore, #tpu.memory_space<semaphore_mem>>
    tpu.wait_indirect_dma semaphore(%dma_wait3A_685 : memref<!tpu.dma_semaphore, #tpu.memory_space<semaphore_mem>>) src(%dma_wait3A_683 : memref<1000000x64xf32, #tpu.memory_space<hbm>>) dst(%dma_wait3A_677 : memref<200x64xf32, #tpu.memory_space<vmem>>)
    %add3A_686 = arith.constant 509 : i32
    %add3A_687 = arith.addi %mul3A_2, %add3A_686 : i32
    %dma_start3A_688 = arith.constant 5 : i32
    %dma_start3A_689 = arith.constant 5 : i32
    %dma_start3A_690 = arith.constant 0 : i32
    %dma_start3A_691 = arith.constant 0 : i32
    %dma_start3A_692 = tpu.memref_slice %arg6[%dma_start3A_688, %dma_start3A_690, %dma_start3A_691] : memref<8x200x64xf32, #tpu.memory_space<vmem>> -> memref<1x200x64xf32, #tpu.memory_space<vmem>>
    %dma_start3A_693 = tpu.memref_squeeze %dma_start3A_692 : memref<1x200x64xf32, #tpu.memory_space<vmem>> -> memref<200x64xf32, #tpu.memory_space<vmem>>
    %dma_start3A_694 = arith.constant 0 : i32
    %dma_start3A_695 = arith.constant 0 : i32
    %dma_start3A_696 = tpu.memref_slice %arg4[%add3A_687, %dma_start3A_694, %dma_start3A_695] : memref<16384x200x128xf32, #tpu.memory_space<hbm>> -> memref<1x200x64xf32, #tpu.memory_space<hbm>>
    %dma_start3A_697 = tpu.memref_squeeze %dma_start3A_696 : memref<1x200x64xf32, #tpu.memory_space<hbm>> -> memref<200x64xf32, #tpu.memory_space<hbm>>
    %dma_start3A_698 = tpu.memref_slice %arg9[%dma_start3A_689] : memref<8x!tpu.dma_semaphore, #tpu.memory_space<semaphore_mem>> -> memref<1x!tpu.dma_semaphore, #tpu.memory_space<semaphore_mem>>
    %dma_start3A_699 = tpu.memref_squeeze %dma_start3A_698 : memref<1x!tpu.dma_semaphore, #tpu.memory_space<semaphore_mem>> -> memref<!tpu.dma_semaphore, #tpu.memory_space<semaphore_mem>>
    %dma_start3A_700 = arith.constant 0 : i32
    %dma_start3A_701 = arith.constant 0 : i32
    %dma_start3A_702 = tpu.memref_slice %arg4[%add3A_687, %dma_start3A_700, %dma_start3A_701] : memref<16384x200x128xf32, #tpu.memory_space<hbm>> -> memref<1x200x64xf32, #tpu.memory_space<hbm>>
    %dma_start3A_703 = tpu.memref_squeeze %dma_start3A_702 : memref<1x200x64xf32, #tpu.memory_space<hbm>> -> memref<200x64xf32, #tpu.memory_space<hbm>>
    %dma_start3A_704 = arith.constant 0 : i32
    %dma_start3A_705 = arith.constant 0 : i32
    %dma_start3A_706 = tpu.memref_slice %arg6[%dma_start3A_688, %dma_start3A_704, %dma_start3A_705] : memref<8x200x64xf32, #tpu.memory_space<vmem>> -> memref<1x200x64xf32, #tpu.memory_space<vmem>>
    %dma_start3A_707 = tpu.memref_squeeze %dma_start3A_706 : memref<1x200x64xf32, #tpu.memory_space<vmem>> -> memref<200x64xf32, #tpu.memory_space<vmem>>
    tpu.enqueue_dma source(%dma_start3A_707 : memref<200x64xf32, #tpu.memory_space<vmem>>) target(%dma_start3A_703 : memref<200x64xf32, #tpu.memory_space<hbm>>) target_semaphore(%dma_start3A_699 : memref<!tpu.dma_semaphore, #tpu.memory_space<semaphore_mem>>)
    %dma_wait3A_708 = arith.constant 6 : i32
    %dma_wait3A_709 = arith.constant 6 : i32
    %dma_wait3A_710 = arith.constant 6 : i32
    %dma_wait3A_711 = arith.constant 0 : i32
    %dma_wait3A_712 = arith.constant 0 : i32
    %dma_wait3A_713 = tpu.memref_slice %arg6[%dma_wait3A_709, %dma_wait3A_711, %dma_wait3A_712] : memref<8x200x64xf32, #tpu.memory_space<vmem>> -> memref<1x200x64xf32, #tpu.memory_space<vmem>>
    %dma_wait3A_714 = tpu.memref_squeeze %dma_wait3A_713 : memref<1x200x64xf32, #tpu.memory_space<vmem>> -> memref<200x64xf32, #tpu.memory_space<vmem>>
    %dma_wait3A_715 = arith.constant 0 : i32
    %dma_wait3A_716 = tpu.memref_slice %arg5[%dma_wait3A_708, %dma_wait3A_715] : memref<8x200xi32, #tpu.memory_space<vmem>> -> memref<1x200xi32, #tpu.memory_space<vmem>>
    %dma_wait3A_717 = tpu.memref_squeeze %dma_wait3A_716 : memref<1x200xi32, #tpu.memory_space<vmem>> -> memref<200xi32, #tpu.memory_space<vmem>>
    %dma_wait3A_718 = arith.constant 0 : i32
    %dma_wait3A_719 = arith.constant 0 : i32
    %dma_wait3A_720 = tpu.memref_slice %arg2[%dma_wait3A_718, %dma_wait3A_719] : memref<1000000x64xf32, #tpu.memory_space<hbm>> -> memref<1000000x64xf32, #tpu.memory_space<hbm>>
    %dma_wait3A_721 = tpu.memref_slice %arg8[%dma_wait3A_710] : memref<8x!tpu.dma_semaphore, #tpu.memory_space<semaphore_mem>> -> memref<1x!tpu.dma_semaphore, #tpu.memory_space<semaphore_mem>>
    %dma_wait3A_722 = tpu.memref_squeeze %dma_wait3A_721 : memref<1x!tpu.dma_semaphore, #tpu.memory_space<semaphore_mem>> -> memref<!tpu.dma_semaphore, #tpu.memory_space<semaphore_mem>>
    tpu.wait_indirect_dma semaphore(%dma_wait3A_722 : memref<!tpu.dma_semaphore, #tpu.memory_space<semaphore_mem>>) src(%dma_wait3A_720 : memref<1000000x64xf32, #tpu.memory_space<hbm>>) dst(%dma_wait3A_714 : memref<200x64xf32, #tpu.memory_space<vmem>>)
    %add3A_723 = arith.constant 510 : i32
    %add3A_724 = arith.addi %mul3A_2, %add3A_723 : i32
    %dma_start3A_725 = arith.constant 6 : i32
    %dma_start3A_726 = arith.constant 6 : i32
    %dma_start3A_727 = arith.constant 0 : i32
    %dma_start3A_728 = arith.constant 0 : i32
    %dma_start3A_729 = tpu.memref_slice %arg6[%dma_start3A_725, %dma_start3A_727, %dma_start3A_728] : memref<8x200x64xf32, #tpu.memory_space<vmem>> -> memref<1x200x64xf32, #tpu.memory_space<vmem>>
    %dma_start3A_730 = tpu.memref_squeeze %dma_start3A_729 : memref<1x200x64xf32, #tpu.memory_space<vmem>> -> memref<200x64xf32, #tpu.memory_space<vmem>>
    %dma_start3A_731 = arith.constant 0 : i32
    %dma_start3A_732 = arith.constant 0 : i32
    %dma_start3A_733 = tpu.memref_slice %arg4[%add3A_724, %dma_start3A_731, %dma_start3A_732] : memref<16384x200x128xf32, #tpu.memory_space<hbm>> -> memref<1x200x64xf32, #tpu.memory_space<hbm>>
    %dma_start3A_734 = tpu.memref_squeeze %dma_start3A_733 : memref<1x200x64xf32, #tpu.memory_space<hbm>> -> memref<200x64xf32, #tpu.memory_space<hbm>>
    %dma_start3A_735 = tpu.memref_slice %arg9[%dma_start3A_726] : memref<8x!tpu.dma_semaphore, #tpu.memory_space<semaphore_mem>> -> memref<1x!tpu.dma_semaphore, #tpu.memory_space<semaphore_mem>>
    %dma_start3A_736 = tpu.memref_squeeze %dma_start3A_735 : memref<1x!tpu.dma_semaphore, #tpu.memory_space<semaphore_mem>> -> memref<!tpu.dma_semaphore, #tpu.memory_space<semaphore_mem>>
    %dma_start3A_737 = arith.constant 0 : i32
    %dma_start3A_738 = arith.constant 0 : i32
    %dma_start3A_739 = tpu.memref_slice %arg4[%add3A_724, %dma_start3A_737, %dma_start3A_738] : memref<16384x200x128xf32, #tpu.memory_space<hbm>> -> memref<1x200x64xf32, #tpu.memory_space<hbm>>
    %dma_start3A_740 = tpu.memref_squeeze %dma_start3A_739 : memref<1x200x64xf32, #tpu.memory_space<hbm>> -> memref<200x64xf32, #tpu.memory_space<hbm>>
    %dma_start3A_741 = arith.constant 0 : i32
    %dma_start3A_742 = arith.constant 0 : i32
    %dma_start3A_743 = tpu.memref_slice %arg6[%dma_start3A_725, %dma_start3A_741, %dma_start3A_742] : memref<8x200x64xf32, #tpu.memory_space<vmem>> -> memref<1x200x64xf32, #tpu.memory_space<vmem>>
    %dma_start3A_744 = tpu.memref_squeeze %dma_start3A_743 : memref<1x200x64xf32, #tpu.memory_space<vmem>> -> memref<200x64xf32, #tpu.memory_space<vmem>>
    tpu.enqueue_dma source(%dma_start3A_744 : memref<200x64xf32, #tpu.memory_space<vmem>>) target(%dma_start3A_740 : memref<200x64xf32, #tpu.memory_space<hbm>>) target_semaphore(%dma_start3A_736 : memref<!tpu.dma_semaphore, #tpu.memory_space<semaphore_mem>>)
    %dma_wait3A_745 = arith.constant 7 : i32
    %dma_wait3A_746 = arith.constant 7 : i32
    %dma_wait3A_747 = arith.constant 7 : i32
    %dma_wait3A_748 = arith.constant 0 : i32
    %dma_wait3A_749 = arith.constant 0 : i32
    %dma_wait3A_750 = tpu.memref_slice %arg6[%dma_wait3A_746, %dma_wait3A_748, %dma_wait3A_749] : memref<8x200x64xf32, #tpu.memory_space<vmem>> -> memref<1x200x64xf32, #tpu.memory_space<vmem>>
    %dma_wait3A_751 = tpu.memref_squeeze %dma_wait3A_750 : memref<1x200x64xf32, #tpu.memory_space<vmem>> -> memref<200x64xf32, #tpu.memory_space<vmem>>
    %dma_wait3A_752 = arith.constant 0 : i32
    %dma_wait3A_753 = tpu.memref_slice %arg5[%dma_wait3A_745, %dma_wait3A_752] : memref<8x200xi32, #tpu.memory_space<vmem>> -> memref<1x200xi32, #tpu.memory_space<vmem>>
    %dma_wait3A_754 = tpu.memref_squeeze %dma_wait3A_753 : memref<1x200xi32, #tpu.memory_space<vmem>> -> memref<200xi32, #tpu.memory_space<vmem>>
    %dma_wait3A_755 = arith.constant 0 : i32
    %dma_wait3A_756 = arith.constant 0 : i32
    %dma_wait3A_757 = tpu.memref_slice %arg2[%dma_wait3A_755, %dma_wait3A_756] : memref<1000000x64xf32, #tpu.memory_space<hbm>> -> memref<1000000x64xf32, #tpu.memory_space<hbm>>
    %dma_wait3A_758 = tpu.memref_slice %arg8[%dma_wait3A_747] : memref<8x!tpu.dma_semaphore, #tpu.memory_space<semaphore_mem>> -> memref<1x!tpu.dma_semaphore, #tpu.memory_space<semaphore_mem>>
    %dma_wait3A_759 = tpu.memref_squeeze %dma_wait3A_758 : memref<1x!tpu.dma_semaphore, #tpu.memory_space<semaphore_mem>> -> memref<!tpu.dma_semaphore, #tpu.memory_space<semaphore_mem>>
    tpu.wait_indirect_dma semaphore(%dma_wait3A_759 : memref<!tpu.dma_semaphore, #tpu.memory_space<semaphore_mem>>) src(%dma_wait3A_757 : memref<1000000x64xf32, #tpu.memory_space<hbm>>) dst(%dma_wait3A_751 : memref<200x64xf32, #tpu.memory_space<vmem>>)
    %add3A_760 = arith.constant 511 : i32
    %add3A_761 = arith.addi %mul3A_2, %add3A_760 : i32
    %dma_start3A_762 = arith.constant 7 : i32
    %dma_start3A_763 = arith.constant 7 : i32
    %dma_start3A_764 = arith.constant 0 : i32
    %dma_start3A_765 = arith.constant 0 : i32
    %dma_start3A_766 = tpu.memref_slice %arg6[%dma_start3A_762, %dma_start3A_764, %dma_start3A_765] : memref<8x200x64xf32, #tpu.memory_space<vmem>> -> memref<1x200x64xf32, #tpu.memory_space<vmem>>
    %dma_start3A_767 = tpu.memref_squeeze %dma_start3A_766 : memref<1x200x64xf32, #tpu.memory_space<vmem>> -> memref<200x64xf32, #tpu.memory_space<vmem>>
    %dma_start3A_768 = arith.constant 0 : i32
    %dma_start3A_769 = arith.constant 0 : i32
    %dma_start3A_770 = tpu.memref_slice %arg4[%add3A_761, %dma_start3A_768, %dma_start3A_769] : memref<16384x200x128xf32, #tpu.memory_space<hbm>> -> memref<1x200x64xf32, #tpu.memory_space<hbm>>
    %dma_start3A_771 = tpu.memref_squeeze %dma_start3A_770 : memref<1x200x64xf32, #tpu.memory_space<hbm>> -> memref<200x64xf32, #tpu.memory_space<hbm>>
    %dma_start3A_772 = tpu.memref_slice %arg9[%dma_start3A_763] : memref<8x!tpu.dma_semaphore, #tpu.memory_space<semaphore_mem>> -> memref<1x!tpu.dma_semaphore, #tpu.memory_space<semaphore_mem>>
    %dma_start3A_773 = tpu.memref_squeeze %dma_start3A_772 : memref<1x!tpu.dma_semaphore, #tpu.memory_space<semaphore_mem>> -> memref<!tpu.dma_semaphore, #tpu.memory_space<semaphore_mem>>
    %dma_start3A_774 = arith.constant 0 : i32
    %dma_start3A_775 = arith.constant 0 : i32
    %dma_start3A_776 = tpu.memref_slice %arg4[%add3A_761, %dma_start3A_774, %dma_start3A_775] : memref<16384x200x128xf32, #tpu.memory_space<hbm>> -> memref<1x200x64xf32, #tpu.memory_space<hbm>>
    %dma_start3A_777 = tpu.memref_squeeze %dma_start3A_776 : memref<1x200x64xf32, #tpu.memory_space<hbm>> -> memref<200x64xf32, #tpu.memory_space<hbm>>
    %dma_start3A_778 = arith.constant 0 : i32
    %dma_start3A_779 = arith.constant 0 : i32
    %dma_start3A_780 = tpu.memref_slice %arg6[%dma_start3A_762, %dma_start3A_778, %dma_start3A_779] : memref<8x200x64xf32, #tpu.memory_space<vmem>> -> memref<1x200x64xf32, #tpu.memory_space<vmem>>
    %dma_start3A_781 = tpu.memref_squeeze %dma_start3A_780 : memref<1x200x64xf32, #tpu.memory_space<vmem>> -> memref<200x64xf32, #tpu.memory_space<vmem>>
    tpu.enqueue_dma source(%dma_start3A_781 : memref<200x64xf32, #tpu.memory_space<vmem>>) target(%dma_start3A_777 : memref<200x64xf32, #tpu.memory_space<hbm>>) target_semaphore(%dma_start3A_773 : memref<!tpu.dma_semaphore, #tpu.memory_space<semaphore_mem>>)
    %add3A_782 = arith.constant 504 : i32
    %add3A_783 = arith.addi %mul3A_2, %add3A_782 : i32
    %dma_wait3A_784 = arith.constant 0 : i32
    %dma_wait3A_785 = arith.constant 0 : i32
    %dma_wait3A_786 = arith.constant 0 : i32
    %dma_wait3A_787 = arith.constant 0 : i32
    %dma_wait3A_788 = tpu.memref_slice %arg6[%dma_wait3A_784, %dma_wait3A_786, %dma_wait3A_787] : memref<8x200x64xf32, #tpu.memory_space<vmem>> -> memref<1x200x64xf32, #tpu.memory_space<vmem>>
    %dma_wait3A_789 = tpu.memref_squeeze %dma_wait3A_788 : memref<1x200x64xf32, #tpu.memory_space<vmem>> -> memref<200x64xf32, #tpu.memory_space<vmem>>
    %dma_wait3A_790 = arith.constant 0 : i32
    %dma_wait3A_791 = arith.constant 0 : i32
    %dma_wait3A_792 = tpu.memref_slice %arg4[%add3A_783, %dma_wait3A_790, %dma_wait3A_791] : memref<16384x200x128xf32, #tpu.memory_space<hbm>> -> memref<1x200x64xf32, #tpu.memory_space<hbm>>
    %dma_wait3A_793 = tpu.memref_squeeze %dma_wait3A_792 : memref<1x200x64xf32, #tpu.memory_space<hbm>> -> memref<200x64xf32, #tpu.memory_space<hbm>>
    %dma_wait3A_794 = tpu.memref_slice %arg9[%dma_wait3A_785] : memref<8x!tpu.dma_semaphore, #tpu.memory_space<semaphore_mem>> -> memref<1x!tpu.dma_semaphore, #tpu.memory_space<semaphore_mem>>
    %dma_wait3A_795 = tpu.memref_squeeze %dma_wait3A_794 : memref<1x!tpu.dma_semaphore, #tpu.memory_space<semaphore_mem>> -> memref<!tpu.dma_semaphore, #tpu.memory_space<semaphore_mem>>
    %dma_wait3A_796 = arith.constant 0 : i32
    %dma_wait3A_797 = arith.constant 0 : i32
    %dma_wait3A_798 = tpu.memref_slice %arg4[%add3A_783, %dma_wait3A_796, %dma_wait3A_797] : memref<16384x200x128xf32, #tpu.memory_space<hbm>> -> memref<1x200x64xf32, #tpu.memory_space<hbm>>
    %dma_wait3A_799 = tpu.memref_squeeze %dma_wait3A_798 : memref<1x200x64xf32, #tpu.memory_space<hbm>> -> memref<200x64xf32, #tpu.memory_space<hbm>>
    %dma_wait3A_800 = arith.constant 0 : i32
    %dma_wait3A_801 = arith.constant 0 : i32
    %dma_wait3A_802 = tpu.memref_slice %arg6[%dma_wait3A_784, %dma_wait3A_800, %dma_wait3A_801] : memref<8x200x64xf32, #tpu.memory_space<vmem>> -> memref<1x200x64xf32, #tpu.memory_space<vmem>>
    %dma_wait3A_803 = tpu.memref_squeeze %dma_wait3A_802 : memref<1x200x64xf32, #tpu.memory_space<vmem>> -> memref<200x64xf32, #tpu.memory_space<vmem>>
    tpu.wait_dma2 semaphore(%dma_wait3A_795 : memref<!tpu.dma_semaphore, #tpu.memory_space<semaphore_mem>>) src(%dma_wait3A_803 : memref<200x64xf32, #tpu.memory_space<vmem>>) dst(%dma_wait3A_799 : memref<200x64xf32, #tpu.memory_space<hbm>>)
    %add3A_804 = arith.constant 505 : i32
    %add3A_805 = arith.addi %mul3A_2, %add3A_804 : i32
    %dma_wait3A_806 = arith.constant 1 : i32
    %dma_wait3A_807 = arith.constant 1 : i32
    %dma_wait3A_808 = arith.constant 0 : i32
    %dma_wait3A_809 = arith.constant 0 : i32
    %dma_wait3A_810 = tpu.memref_slice %arg6[%dma_wait3A_806, %dma_wait3A_808, %dma_wait3A_809] : memref<8x200x64xf32, #tpu.memory_space<vmem>> -> memref<1x200x64xf32, #tpu.memory_space<vmem>>
    %dma_wait3A_811 = tpu.memref_squeeze %dma_wait3A_810 : memref<1x200x64xf32, #tpu.memory_space<vmem>> -> memref<200x64xf32, #tpu.memory_space<vmem>>
    %dma_wait3A_812 = arith.constant 0 : i32
    %dma_wait3A_813 = arith.constant 0 : i32
    %dma_wait3A_814 = tpu.memref_slice %arg4[%add3A_805, %dma_wait3A_812, %dma_wait3A_813] : memref<16384x200x128xf32, #tpu.memory_space<hbm>> -> memref<1x200x64xf32, #tpu.memory_space<hbm>>
    %dma_wait3A_815 = tpu.memref_squeeze %dma_wait3A_814 : memref<1x200x64xf32, #tpu.memory_space<hbm>> -> memref<200x64xf32, #tpu.memory_space<hbm>>
    %dma_wait3A_816 = tpu.memref_slice %arg9[%dma_wait3A_807] : memref<8x!tpu.dma_semaphore, #tpu.memory_space<semaphore_mem>> -> memref<1x!tpu.dma_semaphore, #tpu.memory_space<semaphore_mem>>
    %dma_wait3A_817 = tpu.memref_squeeze %dma_wait3A_816 : memref<1x!tpu.dma_semaphore, #tpu.memory_space<semaphore_mem>> -> memref<!tpu.dma_semaphore, #tpu.memory_space<semaphore_mem>>
    %dma_wait3A_818 = arith.constant 0 : i32
    %dma_wait3A_819 = arith.constant 0 : i32
    %dma_wait3A_820 = tpu.memref_slice %arg4[%add3A_805, %dma_wait3A_818, %dma_wait3A_819] : memref<16384x200x128xf32, #tpu.memory_space<hbm>> -> memref<1x200x64xf32, #tpu.memory_space<hbm>>
    %dma_wait3A_821 = tpu.memref_squeeze %dma_wait3A_820 : memref<1x200x64xf32, #tpu.memory_space<hbm>> -> memref<200x64xf32, #tpu.memory_space<hbm>>
    %dma_wait3A_822 = arith.constant 0 : i32
    %dma_wait3A_823 = arith.constant 0 : i32
    %dma_wait3A_824 = tpu.memref_slice %arg6[%dma_wait3A_806, %dma_wait3A_822, %dma_wait3A_823] : memref<8x200x64xf32, #tpu.memory_space<vmem>> -> memref<1x200x64xf32, #tpu.memory_space<vmem>>
    %dma_wait3A_825 = tpu.memref_squeeze %dma_wait3A_824 : memref<1x200x64xf32, #tpu.memory_space<vmem>> -> memref<200x64xf32, #tpu.memory_space<vmem>>
    tpu.wait_dma2 semaphore(%dma_wait3A_817 : memref<!tpu.dma_semaphore, #tpu.memory_space<semaphore_mem>>) src(%dma_wait3A_825 : memref<200x64xf32, #tpu.memory_space<vmem>>) dst(%dma_wait3A_821 : memref<200x64xf32, #tpu.memory_space<hbm>>)
    %add3A_826 = arith.constant 506 : i32
    %add3A_827 = arith.addi %mul3A_2, %add3A_826 : i32
    %dma_wait3A_828 = arith.constant 2 : i32
    %dma_wait3A_829 = arith.constant 2 : i32
    %dma_wait3A_830 = arith.constant 0 : i32
    %dma_wait3A_831 = arith.constant 0 : i32
    %dma_wait3A_832 = tpu.memref_slice %arg6[%dma_wait3A_828, %dma_wait3A_830, %dma_wait3A_831] : memref<8x200x64xf32, #tpu.memory_space<vmem>> -> memref<1x200x64xf32, #tpu.memory_space<vmem>>
    %dma_wait3A_833 = tpu.memref_squeeze %dma_wait3A_832 : memref<1x200x64xf32, #tpu.memory_space<vmem>> -> memref<200x64xf32, #tpu.memory_space<vmem>>
    %dma_wait3A_834 = arith.constant 0 : i32
    %dma_wait3A_835 = arith.constant 0 : i32
    %dma_wait3A_836 = tpu.memref_slice %arg4[%add3A_827, %dma_wait3A_834, %dma_wait3A_835] : memref<16384x200x128xf32, #tpu.memory_space<hbm>> -> memref<1x200x64xf32, #tpu.memory_space<hbm>>
    %dma_wait3A_837 = tpu.memref_squeeze %dma_wait3A_836 : memref<1x200x64xf32, #tpu.memory_space<hbm>> -> memref<200x64xf32, #tpu.memory_space<hbm>>
    %dma_wait3A_838 = tpu.memref_slice %arg9[%dma_wait3A_829] : memref<8x!tpu.dma_semaphore, #tpu.memory_space<semaphore_mem>> -> memref<1x!tpu.dma_semaphore, #tpu.memory_space<semaphore_mem>>
    %dma_wait3A_839 = tpu.memref_squeeze %dma_wait3A_838 : memref<1x!tpu.dma_semaphore, #tpu.memory_space<semaphore_mem>> -> memref<!tpu.dma_semaphore, #tpu.memory_space<semaphore_mem>>
    %dma_wait3A_840 = arith.constant 0 : i32
    %dma_wait3A_841 = arith.constant 0 : i32
    %dma_wait3A_842 = tpu.memref_slice %arg4[%add3A_827, %dma_wait3A_840, %dma_wait3A_841] : memref<16384x200x128xf32, #tpu.memory_space<hbm>> -> memref<1x200x64xf32, #tpu.memory_space<hbm>>
    %dma_wait3A_843 = tpu.memref_squeeze %dma_wait3A_842 : memref<1x200x64xf32, #tpu.memory_space<hbm>> -> memref<200x64xf32, #tpu.memory_space<hbm>>
    %dma_wait3A_844 = arith.constant 0 : i32
    %dma_wait3A_845 = arith.constant 0 : i32
    %dma_wait3A_846 = tpu.memref_slice %arg6[%dma_wait3A_828, %dma_wait3A_844, %dma_wait3A_845] : memref<8x200x64xf32, #tpu.memory_space<vmem>> -> memref<1x200x64xf32, #tpu.memory_space<vmem>>
    %dma_wait3A_847 = tpu.memref_squeeze %dma_wait3A_846 : memref<1x200x64xf32, #tpu.memory_space<vmem>> -> memref<200x64xf32, #tpu.memory_space<vmem>>
    tpu.wait_dma2 semaphore(%dma_wait3A_839 : memref<!tpu.dma_semaphore, #tpu.memory_space<semaphore_mem>>) src(%dma_wait3A_847 : memref<200x64xf32, #tpu.memory_space<vmem>>) dst(%dma_wait3A_843 : memref<200x64xf32, #tpu.memory_space<hbm>>)
    %add3A_848 = arith.constant 507 : i32
    %add3A_849 = arith.addi %mul3A_2, %add3A_848 : i32
    %dma_wait3A_850 = arith.constant 3 : i32
    %dma_wait3A_851 = arith.constant 3 : i32
    %dma_wait3A_852 = arith.constant 0 : i32
    %dma_wait3A_853 = arith.constant 0 : i32
    %dma_wait3A_854 = tpu.memref_slice %arg6[%dma_wait3A_850, %dma_wait3A_852, %dma_wait3A_853] : memref<8x200x64xf32, #tpu.memory_space<vmem>> -> memref<1x200x64xf32, #tpu.memory_space<vmem>>
    %dma_wait3A_855 = tpu.memref_squeeze %dma_wait3A_854 : memref<1x200x64xf32, #tpu.memory_space<vmem>> -> memref<200x64xf32, #tpu.memory_space<vmem>>
    %dma_wait3A_856 = arith.constant 0 : i32
    %dma_wait3A_857 = arith.constant 0 : i32
    %dma_wait3A_858 = tpu.memref_slice %arg4[%add3A_849, %dma_wait3A_856, %dma_wait3A_857] : memref<16384x200x128xf32, #tpu.memory_space<hbm>> -> memref<1x200x64xf32, #tpu.memory_space<hbm>>
    %dma_wait3A_859 = tpu.memref_squeeze %dma_wait3A_858 : memref<1x200x64xf32, #tpu.memory_space<hbm>> -> memref<200x64xf32, #tpu.memory_space<hbm>>
    %dma_wait3A_860 = tpu.memref_slice %arg9[%dma_wait3A_851] : memref<8x!tpu.dma_semaphore, #tpu.memory_space<semaphore_mem>> -> memref<1x!tpu.dma_semaphore, #tpu.memory_space<semaphore_mem>>
    %dma_wait3A_861 = tpu.memref_squeeze %dma_wait3A_860 : memref<1x!tpu.dma_semaphore, #tpu.memory_space<semaphore_mem>> -> memref<!tpu.dma_semaphore, #tpu.memory_space<semaphore_mem>>
    %dma_wait3A_862 = arith.constant 0 : i32
    %dma_wait3A_863 = arith.constant 0 : i32
    %dma_wait3A_864 = tpu.memref_slice %arg4[%add3A_849, %dma_wait3A_862, %dma_wait3A_863] : memref<16384x200x128xf32, #tpu.memory_space<hbm>> -> memref<1x200x64xf32, #tpu.memory_space<hbm>>
    %dma_wait3A_865 = tpu.memref_squeeze %dma_wait3A_864 : memref<1x200x64xf32, #tpu.memory_space<hbm>> -> memref<200x64xf32, #tpu.memory_space<hbm>>
    %dma_wait3A_866 = arith.constant 0 : i32
    %dma_wait3A_867 = arith.constant 0 : i32
    %dma_wait3A_868 = tpu.memref_slice %arg6[%dma_wait3A_850, %dma_wait3A_866, %dma_wait3A_867] : memref<8x200x64xf32, #tpu.memory_space<vmem>> -> memref<1x200x64xf32, #tpu.memory_space<vmem>>
    %dma_wait3A_869 = tpu.memref_squeeze %dma_wait3A_868 : memref<1x200x64xf32, #tpu.memory_space<vmem>> -> memref<200x64xf32, #tpu.memory_space<vmem>>
    tpu.wait_dma2 semaphore(%dma_wait3A_861 : memref<!tpu.dma_semaphore, #tpu.memory_space<semaphore_mem>>) src(%dma_wait3A_869 : memref<200x64xf32, #tpu.memory_space<vmem>>) dst(%dma_wait3A_865 : memref<200x64xf32, #tpu.memory_space<hbm>>)
    %add3A_870 = arith.constant 508 : i32
    %add3A_871 = arith.addi %mul3A_2, %add3A_870 : i32
    %dma_wait3A_872 = arith.constant 4 : i32
    %dma_wait3A_873 = arith.constant 4 : i32
    %dma_wait3A_874 = arith.constant 0 : i32
    %dma_wait3A_875 = arith.constant 0 : i32
    %dma_wait3A_876 = tpu.memref_slice %arg6[%dma_wait3A_872, %dma_wait3A_874, %dma_wait3A_875] : memref<8x200x64xf32, #tpu.memory_space<vmem>> -> memref<1x200x64xf32, #tpu.memory_space<vmem>>
    %dma_wait3A_877 = tpu.memref_squeeze %dma_wait3A_876 : memref<1x200x64xf32, #tpu.memory_space<vmem>> -> memref<200x64xf32, #tpu.memory_space<vmem>>
    %dma_wait3A_878 = arith.constant 0 : i32
    %dma_wait3A_879 = arith.constant 0 : i32
    %dma_wait3A_880 = tpu.memref_slice %arg4[%add3A_871, %dma_wait3A_878, %dma_wait3A_879] : memref<16384x200x128xf32, #tpu.memory_space<hbm>> -> memref<1x200x64xf32, #tpu.memory_space<hbm>>
    %dma_wait3A_881 = tpu.memref_squeeze %dma_wait3A_880 : memref<1x200x64xf32, #tpu.memory_space<hbm>> -> memref<200x64xf32, #tpu.memory_space<hbm>>
    %dma_wait3A_882 = tpu.memref_slice %arg9[%dma_wait3A_873] : memref<8x!tpu.dma_semaphore, #tpu.memory_space<semaphore_mem>> -> memref<1x!tpu.dma_semaphore, #tpu.memory_space<semaphore_mem>>
    %dma_wait3A_883 = tpu.memref_squeeze %dma_wait3A_882 : memref<1x!tpu.dma_semaphore, #tpu.memory_space<semaphore_mem>> -> memref<!tpu.dma_semaphore, #tpu.memory_space<semaphore_mem>>
    %dma_wait3A_884 = arith.constant 0 : i32
    %dma_wait3A_885 = arith.constant 0 : i32
    %dma_wait3A_886 = tpu.memref_slice %arg4[%add3A_871, %dma_wait3A_884, %dma_wait3A_885] : memref<16384x200x128xf32, #tpu.memory_space<hbm>> -> memref<1x200x64xf32, #tpu.memory_space<hbm>>
    %dma_wait3A_887 = tpu.memref_squeeze %dma_wait3A_886 : memref<1x200x64xf32, #tpu.memory_space<hbm>> -> memref<200x64xf32, #tpu.memory_space<hbm>>
    %dma_wait3A_888 = arith.constant 0 : i32
    %dma_wait3A_889 = arith.constant 0 : i32
    %dma_wait3A_890 = tpu.memref_slice %arg6[%dma_wait3A_872, %dma_wait3A_888, %dma_wait3A_889] : memref<8x200x64xf32, #tpu.memory_space<vmem>> -> memref<1x200x64xf32, #tpu.memory_space<vmem>>
    %dma_wait3A_891 = tpu.memref_squeeze %dma_wait3A_890 : memref<1x200x64xf32, #tpu.memory_space<vmem>> -> memref<200x64xf32, #tpu.memory_space<vmem>>
    tpu.wait_dma2 semaphore(%dma_wait3A_883 : memref<!tpu.dma_semaphore, #tpu.memory_space<semaphore_mem>>) src(%dma_wait3A_891 : memref<200x64xf32, #tpu.memory_space<vmem>>) dst(%dma_wait3A_887 : memref<200x64xf32, #tpu.memory_space<hbm>>)
    %add3A_892 = arith.constant 509 : i32
    %add3A_893 = arith.addi %mul3A_2, %add3A_892 : i32
    %dma_wait3A_894 = arith.constant 5 : i32
    %dma_wait3A_895 = arith.constant 5 : i32
    %dma_wait3A_896 = arith.constant 0 : i32
    %dma_wait3A_897 = arith.constant 0 : i32
    %dma_wait3A_898 = tpu.memref_slice %arg6[%dma_wait3A_894, %dma_wait3A_896, %dma_wait3A_897] : memref<8x200x64xf32, #tpu.memory_space<vmem>> -> memref<1x200x64xf32, #tpu.memory_space<vmem>>
    %dma_wait3A_899 = tpu.memref_squeeze %dma_wait3A_898 : memref<1x200x64xf32, #tpu.memory_space<vmem>> -> memref<200x64xf32, #tpu.memory_space<vmem>>
    %dma_wait3A_900 = arith.constant 0 : i32
    %dma_wait3A_901 = arith.constant 0 : i32
    %dma_wait3A_902 = tpu.memref_slice %arg4[%add3A_893, %dma_wait3A_900, %dma_wait3A_901] : memref<16384x200x128xf32, #tpu.memory_space<hbm>> -> memref<1x200x64xf32, #tpu.memory_space<hbm>>
    %dma_wait3A_903 = tpu.memref_squeeze %dma_wait3A_902 : memref<1x200x64xf32, #tpu.memory_space<hbm>> -> memref<200x64xf32, #tpu.memory_space<hbm>>
    %dma_wait3A_904 = tpu.memref_slice %arg9[%dma_wait3A_895] : memref<8x!tpu.dma_semaphore, #tpu.memory_space<semaphore_mem>> -> memref<1x!tpu.dma_semaphore, #tpu.memory_space<semaphore_mem>>
    %dma_wait3A_905 = tpu.memref_squeeze %dma_wait3A_904 : memref<1x!tpu.dma_semaphore, #tpu.memory_space<semaphore_mem>> -> memref<!tpu.dma_semaphore, #tpu.memory_space<semaphore_mem>>
    %dma_wait3A_906 = arith.constant 0 : i32
    %dma_wait3A_907 = arith.constant 0 : i32
    %dma_wait3A_908 = tpu.memref_slice %arg4[%add3A_893, %dma_wait3A_906, %dma_wait3A_907] : memref<16384x200x128xf32, #tpu.memory_space<hbm>> -> memref<1x200x64xf32, #tpu.memory_space<hbm>>
    %dma_wait3A_909 = tpu.memref_squeeze %dma_wait3A_908 : memref<1x200x64xf32, #tpu.memory_space<hbm>> -> memref<200x64xf32, #tpu.memory_space<hbm>>
    %dma_wait3A_910 = arith.constant 0 : i32
    %dma_wait3A_911 = arith.constant 0 : i32
    %dma_wait3A_912 = tpu.memref_slice %arg6[%dma_wait3A_894, %dma_wait3A_910, %dma_wait3A_911] : memref<8x200x64xf32, #tpu.memory_space<vmem>> -> memref<1x200x64xf32, #tpu.memory_space<vmem>>
    %dma_wait3A_913 = tpu.memref_squeeze %dma_wait3A_912 : memref<1x200x64xf32, #tpu.memory_space<vmem>> -> memref<200x64xf32, #tpu.memory_space<vmem>>
    tpu.wait_dma2 semaphore(%dma_wait3A_905 : memref<!tpu.dma_semaphore, #tpu.memory_space<semaphore_mem>>) src(%dma_wait3A_913 : memref<200x64xf32, #tpu.memory_space<vmem>>) dst(%dma_wait3A_909 : memref<200x64xf32, #tpu.memory_space<hbm>>)
    %add3A_914 = arith.constant 510 : i32
    %add3A_915 = arith.addi %mul3A_2, %add3A_914 : i32
    %dma_wait3A_916 = arith.constant 6 : i32
    %dma_wait3A_917 = arith.constant 6 : i32
    %dma_wait3A_918 = arith.constant 0 : i32
    %dma_wait3A_919 = arith.constant 0 : i32
    %dma_wait3A_920 = tpu.memref_slice %arg6[%dma_wait3A_916, %dma_wait3A_918, %dma_wait3A_919] : memref<8x200x64xf32, #tpu.memory_space<vmem>> -> memref<1x200x64xf32, #tpu.memory_space<vmem>>
    %dma_wait3A_921 = tpu.memref_squeeze %dma_wait3A_920 : memref<1x200x64xf32, #tpu.memory_space<vmem>> -> memref<200x64xf32, #tpu.memory_space<vmem>>
    %dma_wait3A_922 = arith.constant 0 : i32
    %dma_wait3A_923 = arith.constant 0 : i32
    %dma_wait3A_924 = tpu.memref_slice %arg4[%add3A_915, %dma_wait3A_922, %dma_wait3A_923] : memref<16384x200x128xf32, #tpu.memory_space<hbm>> -> memref<1x200x64xf32, #tpu.memory_space<hbm>>
    %dma_wait3A_925 = tpu.memref_squeeze %dma_wait3A_924 : memref<1x200x64xf32, #tpu.memory_space<hbm>> -> memref<200x64xf32, #tpu.memory_space<hbm>>
    %dma_wait3A_926 = tpu.memref_slice %arg9[%dma_wait3A_917] : memref<8x!tpu.dma_semaphore, #tpu.memory_space<semaphore_mem>> -> memref<1x!tpu.dma_semaphore, #tpu.memory_space<semaphore_mem>>
    %dma_wait3A_927 = tpu.memref_squeeze %dma_wait3A_926 : memref<1x!tpu.dma_semaphore, #tpu.memory_space<semaphore_mem>> -> memref<!tpu.dma_semaphore, #tpu.memory_space<semaphore_mem>>
    %dma_wait3A_928 = arith.constant 0 : i32
    %dma_wait3A_929 = arith.constant 0 : i32
    %dma_wait3A_930 = tpu.memref_slice %arg4[%add3A_915, %dma_wait3A_928, %dma_wait3A_929] : memref<16384x200x128xf32, #tpu.memory_space<hbm>> -> memref<1x200x64xf32, #tpu.memory_space<hbm>>
    %dma_wait3A_931 = tpu.memref_squeeze %dma_wait3A_930 : memref<1x200x64xf32, #tpu.memory_space<hbm>> -> memref<200x64xf32, #tpu.memory_space<hbm>>
    %dma_wait3A_932 = arith.constant 0 : i32
    %dma_wait3A_933 = arith.constant 0 : i32
    %dma_wait3A_934 = tpu.memref_slice %arg6[%dma_wait3A_916, %dma_wait3A_932, %dma_wait3A_933] : memref<8x200x64xf32, #tpu.memory_space<vmem>> -> memref<1x200x64xf32, #tpu.memory_space<vmem>>
    %dma_wait3A_935 = tpu.memref_squeeze %dma_wait3A_934 : memref<1x200x64xf32, #tpu.memory_space<vmem>> -> memref<200x64xf32, #tpu.memory_space<vmem>>
    tpu.wait_dma2 semaphore(%dma_wait3A_927 : memref<!tpu.dma_semaphore, #tpu.memory_space<semaphore_mem>>) src(%dma_wait3A_935 : memref<200x64xf32, #tpu.memory_space<vmem>>) dst(%dma_wait3A_931 : memref<200x64xf32, #tpu.memory_space<hbm>>)
    %add3A_936 = arith.constant 511 : i32
    %add3A_937 = arith.addi %mul3A_2, %add3A_936 : i32
    %dma_wait3A_938 = arith.constant 7 : i32
    %dma_wait3A_939 = arith.constant 7 : i32
    %dma_wait3A_940 = arith.constant 0 : i32
    %dma_wait3A_941 = arith.constant 0 : i32
    %dma_wait3A_942 = tpu.memref_slice %arg6[%dma_wait3A_938, %dma_wait3A_940, %dma_wait3A_941] : memref<8x200x64xf32, #tpu.memory_space<vmem>> -> memref<1x200x64xf32, #tpu.memory_space<vmem>>
    %dma_wait3A_943 = tpu.memref_squeeze %dma_wait3A_942 : memref<1x200x64xf32, #tpu.memory_space<vmem>> -> memref<200x64xf32, #tpu.memory_space<vmem>>
    %dma_wait3A_944 = arith.constant 0 : i32
    %dma_wait3A_945 = arith.constant 0 : i32
    %dma_wait3A_946 = tpu.memref_slice %arg4[%add3A_937, %dma_wait3A_944, %dma_wait3A_945] : memref<16384x200x128xf32, #tpu.memory_space<hbm>> -> memref<1x200x64xf32, #tpu.memory_space<hbm>>
    %dma_wait3A_947 = tpu.memref_squeeze %dma_wait3A_946 : memref<1x200x64xf32, #tpu.memory_space<hbm>> -> memref<200x64xf32, #tpu.memory_space<hbm>>
    %dma_wait3A_948 = tpu.memref_slice %arg9[%dma_wait3A_939] : memref<8x!tpu.dma_semaphore, #tpu.memory_space<semaphore_mem>> -> memref<1x!tpu.dma_semaphore, #tpu.memory_space<semaphore_mem>>
    %dma_wait3A_949 = tpu.memref_squeeze %dma_wait3A_948 : memref<1x!tpu.dma_semaphore, #tpu.memory_space<semaphore_mem>> -> memref<!tpu.dma_semaphore, #tpu.memory_space<semaphore_mem>>
    %dma_wait3A_950 = arith.constant 0 : i32
    %dma_wait3A_951 = arith.constant 0 : i32
    %dma_wait3A_952 = tpu.memref_slice %arg4[%add3A_937, %dma_wait3A_950, %dma_wait3A_951] : memref<16384x200x128xf32, #tpu.memory_space<hbm>> -> memref<1x200x64xf32, #tpu.memory_space<hbm>>
    %dma_wait3A_953 = tpu.memref_squeeze %dma_wait3A_952 : memref<1x200x64xf32, #tpu.memory_space<hbm>> -> memref<200x64xf32, #tpu.memory_space<hbm>>
    %dma_wait3A_954 = arith.constant 0 : i32
    %dma_wait3A_955 = arith.constant 0 : i32
    %dma_wait3A_956 = tpu.memref_slice %arg6[%dma_wait3A_938, %dma_wait3A_954, %dma_wait3A_955] : memref<8x200x64xf32, #tpu.memory_space<vmem>> -> memref<1x200x64xf32, #tpu.memory_space<vmem>>
    %dma_wait3A_957 = tpu.memref_squeeze %dma_wait3A_956 : memref<1x200x64xf32, #tpu.memory_space<vmem>> -> memref<200x64xf32, #tpu.memory_space<vmem>>
    tpu.wait_dma2 semaphore(%dma_wait3A_949 : memref<!tpu.dma_semaphore, #tpu.memory_space<semaphore_mem>>) src(%dma_wait3A_957 : memref<200x64xf32, #tpu.memory_space<vmem>>) dst(%dma_wait3A_953 : memref<200x64xf32, #tpu.memory_space<hbm>>)
    return
  }
}

</mosaic_0001>

<sc_bundles>
// kernel: kernel.3.cloned.1.call-start
scs
__scs_entry_jumppad:
0x0: {  	(pc) =	sbr.rel $0x88, $3  }
0x1: {  	(tag) =	ssettag $0x0;
	lr =	simm.s32 $0x1  }
0x2: {  	[smem:$0x3F9F] =	sst lr;
	_ =	strace $0xD0000000  }
0x3: {  	_ = 	snop  }
0x4: {  	_ = 	snop  }
0x5: {  	_ = 	snop  }
0x6: {  	_ = 	snop  }
0x7: {  	_ = 	snop  }
__scs_overlays_trampoline_lowered:
0x8: {  	[smem:$0x3FAE] =	sst s0  }
0x9: {  	[smem:$0x3FAF] =	sst s1  }
0xa: {  	[smem:$0x3FB0] =	sst s2  }
0xb: {  	[smem:$0x3FB1] =	sst s3  }
0xc: {  	[smem:$0x3FB2] =	sst s4  }
0xd: {  	[smem:$0x3FB3] =	sst s5  }
0xe: {  	[smem:$0x3FB4] =	sst s6  }
0xf: {  	[smem:$0x3FB5] =	sst s7  }
0x10: {  	[smem:$0x3FB6] =	sst s8  }
0x11: {  	[smem:$0x3FB7] =	sst s9;
	s0 =	simm.s32 @!p0 $0x0  }
0x12: {  	s1 =	sld [smem:$0x3F9D];
	s0 =	simm.s32 @p0 $0x1  }
0x13: {  	[smem:$0x3FB8] =	sst s0;
	s0 =	simm.s32 @!p1 $0x0  }
0x14: {  	s2 =	sld [smem:$0x3F9C];
	s0 =	simm.s32 @p1 $0x1  }
0x15: {  	[smem:$0x3FB9] =	sst s0;
	s0 =	simm.s32 @!p2 $0x0  }
0x16: {  	s3 =	sld [smem:$0x3FDB];
	s0 =	simm.s32 @p2 $0x1  }
0x17: {  	s4 =	simm.s32 $0x1BF5;
	[smem:$0x3FBB] =	sst s0  }
0x18: {  	s0 =	sld [smem:$0x3F9E];
	_ =	swait.ge [sflag:s4], $0x0  }
0x19: {  	s7 =	sld [smem:$0x3F9F]  }
0x1a: {  	s8 =	sadd.s32 $0xFFFFE003, lr  }
0x1b: {  	s9 =	sadd.s32 $0xFFFFFEF7, lr;
	s5 =	simm.s32 $0xFFFFFFFF;
	p2 =	slt.u32 s8, $0xFFFFF086  }
0x1c: {  	p1 =	slt.u32 s9, $0xF7A;
	s5 =	simm.s32 @!p2 $0x0  }
0x1d: {  	s5 =	simm.s32 @p1 $0x1;
	p0 =	seq.s32 s7, s2  }
0x1e: {  	s7 =	smul.u32 @!p0 $0xF7A, s2;
	p2 =	seq.s32 @!p0 s5, $0x0  }
0x1f: {  	s9 =	smul.u32 $0xF7A, s1;
	s8 =	simm.s32 @!p0 $0x1BF5;
	p2 =	por !p2, p0  }
0x20: {  	[sflag:s8] =	ssyncset.s32 @!p0 $0xFFFFF086;
	s6 =	sadd.s32 @!p0 s3, s7;
	s7 =	simm.s32 @!p0 $0x108  }
0x21: {  	s3 =	sadd.s32 s3, s9;
	s6 =	sadd.s32 @!p0 $0x88, s6;
	s7 =	simm.s32 @p2 $0x1082  }
0x22: {  	[simem:s7], [sflag:s8] =	dma.local @!p0 [hbm:s6], $0xF7A  }
0x23: {  	s9 =	sor.u32 $0xD0000000, s2;
	s6 =	simm.s32 $0x108;
	_ =	swait.ge @!p0 [sflag:s8], $0x0  }
0x24: {  	s3 =	sadd.s32 $0x88, s3;
	s6 =	simm.s32 @!p1 $0x1082;
	[sflag:s4] =	ssyncset.s32 $0xFFFFF086  }
0x25: {  	[simem:s6], [sflag:s4] =	dma.local [hbm:s3], $0xF7A  }
0x26: {  	[smem:$0x3F9F] =	sst s1;
	(tag) =	ssettag s2;
	_ =	strace s9  }
0x27: {  	s1 =	sld [smem:$0x3FAF]  }
0x28: {  	s2 =	sld [smem:$0x3FB0]  }
0x29: {  	s4 =	sld [smem:$0x3FB2]  }
0x2a: {  	p0 =	seq.s32 s5, $0x0;
	s5 =	sld [smem:$0x3FB3]  }
0x2b: {  	s6 =	sld [smem:$0x3FB4]  }
0x2c: {  	s7 =	sld [smem:$0x3FB5]  }
0x2d: {  	s3 =	simm.s32 $0x108;
	s8 =	sld [smem:$0x3FB6]  }
0x2e: {  	s3 =	simm.s32 @!p0 $0x1082;
	s9 =	sld [smem:$0x3FB7]  }
0x2f: {  	lr =	sadd.s32 s0, s3;
	s0 =	sld [smem:$0x3FAE]  }
0x30: {  	s3 =	sld [smem:$0x3FB1]  }
0x31: {  	[smem:$0x3FBA] =	sst s10  }
0x32: {  	s10 =	sld [smem:$0x3FB8];
	_ =	sdelay $0x3  }
0x33: {  	p0 =	seq.s32 s10, $0x1;
	s10 =	sld [smem:$0x3FBA];
	_ =	sdelay $0x3  }
0x34: {  	[smem:$0x3FBA] =	sst s10  }
0x35: {  	s10 =	sld [smem:$0x3FB9];
	_ =	sdelay $0x3  }
0x36: {  	p1 =	seq.s32 s10, $0x1;
	s10 =	sld [smem:$0x3FBA];
	_ =	sdelay $0x3  }
0x37: {  	[smem:$0x3FBA] =	sst s10  }
0x38: {  	s10 =	sld [smem:$0x3FBB]  }
0x39: {  	_ = 	snop;
	(pc) =	sbr.ind lr, $3  }
0x3a: {  	_ = 	snop  }
0x3b: {  	_ = 	snop  }
0x3c: {  	p2 =	seq.s32 s10, $0x1;
	s10 =	sld [smem:$0x3FBA]  }
0x3d: {  	_ =	shalt  }
0x3e: {  	_ =	shalt  }
0x3f: {  	_ =	shalt  }
0x40: {  	_ =	shalt  }
0x41: {  	_ =	shalt  }
0x42: {  	_ =	shalt  }
0x43: {  	_ =	shalt  }
0x44: {  	_ =	shalt  }
0x45: {  	_ =	shalt  }
0x46: {  	_ =	shalt  }
0x47: {  	_ =	shalt  }
0x48: {  	_ =	shalt  }
0x49: {  	_ =	shalt  }
0x4a: {  	_ =	shalt  }
0x4b: {  	_ =	shalt  }
0x4c: {  	_ =	shalt  }
0x4d: {  	_ =	shalt  }
0x4e: {  	_ =	shalt  }
0x4f: {  	_ =	shalt  }
0x50: {  	_ =	shalt  }
0x51: {  	_ =	shalt  }
0x52: {  	_ =	shalt  }
0x53: {  	_ =	shalt  }
0x54: {  	_ =	shalt  }
0x55: {  	_ =	shalt  }
0x56: {  	_ =	shalt  }
0x57: {  	_ =	shalt  }
0x58: {  	_ =	shalt  }
0x59: {  	_ =	shalt  }
0x5a: {  	_ =	shalt  }
0x5b: {  	_ =	shalt  }
0x5c: {  	_ =	shalt  }
0x5d: {  	_ =	shalt  }
0x5e: {  	_ =	shalt  }
0x5f: {  	_ =	shalt  }
0x60: {  	_ =	shalt  }
0x61: {  	_ =	shalt  }
0x62: {  	_ =	shalt  }
0x63: {  	_ =	shalt  }
0x64: {  	_ =	shalt  }
0x65: {  	_ =	shalt  }
0x66: {  	_ =	shalt  }
0x67: {  	_ =	shalt  }
0x68: {  	_ =	shalt  }
0x69: {  	_ =	shalt  }
0x6a: {  	_ =	shalt  }
0x6b: {  	_ =	shalt  }
0x6c: {  	_ =	shalt  }
0x6d: {  	_ =	shalt  }
0x6e: {  	_ =	shalt  }
0x6f: {  	_ =	shalt  }
0x70: {  	_ =	shalt  }
0x71: {  	_ =	shalt  }
0x72: {  	_ =	shalt  }
0x73: {  	_ =	shalt  }
0x74: {  	_ =	shalt  }
0x75: {  	_ =	shalt  }
0x76: {  	_ =	shalt  }
0x77: {  	_ =	shalt  }
0x78: {  	_ =	shalt  }
0x79: {  	_ =	shalt  }
0x7a: {  	_ =	shalt  }
0x7b: {  	_ =	shalt  }
0x7c: {  	_ =	shalt  }
0x7d: {  	_ =	shalt  }
0x7e: {  	_ =	shalt  }
0x7f: {  	_ =	shalt  }
0x80: {  	_ =	shalt  }
0x81: {  	_ =	shalt  }
0x82: {  	_ =	shalt  }
0x83: {  	_ =	shalt  }
0x84: {  	_ =	shalt  }
0x85: {  	_ =	shalt  }
0x86: {  	_ =	shalt  }
0x87: {  	_ =	shalt  }
.Lfunc_end0:
.L_simem_size_0:
called_computation.1_lowered:
.L_overlay_start_0:
0x88: {  	s2 =	sld [smem:$0x3FD9]  }
0x89: {  	s3 =	sld [smem:$0x3FFE];
	_ =	sdelay $0x1  }
0x8a: {  	s1 =	srdreg.scid  }
0x8b: {  	s0 =	sand.u32 $0x1, s1  }
0x8c: {  	s16 =	sshll.u32 s0, $0xA;
	s2 =	sadd.s32 s3, s2  }
0x8d: {  	s2 =	sadd.s32 s2, s16  }
0x8e: {  	[smem:$0x3FC6] =	sst s2  }
0x8f: {  	_ = 	snop  }
0x90: {  	(tm) =	ssettm $0x1  }
0x91: {  	s17 =	sld [smem:$0x3FFB];
	_ =	sdelay $0x3  }
0x92: {  	_ =	strace s17  }
0x93: {  	s2 =	sld [smem:$0x3FFC];
	_ =	sdelay $0x3  }
0x94: {  	_ =	strace s2  }
0x95: {  	s2 =	sld [smem:$0x3FFD];
	_ =	sdelay $0x3  }
0x96: {  	_ =	strace s2  }
0x97: {  	_ =	strace $0x8FFFFFFF  }
0x98: {  	s18 =	sld [smem:$0x3FDB];
	_ =	sdelay $0x1  }
0x99: {  	s19 =	simm.s32 $_scs_section_size  }
0x9a: {  	s4 =	simm.s32 $_size__tile_overlayer_lowered;
	s5 =	simm.s32 $_tile_overlayer_lowered  }
0x9b: {  	s22 =	simm.s32 $0x1BFF;
	s21 =	sshll.u32 s5, $0x1;
	s2 =	sadd.s32 s19, s18  }
0x9c: {  	s6 =	simm.s32 $0x0;
	s20 =	sshll.u32 s4, $0x1;
	s4 =	sadd.s32 s21, s2  }
0x9d: {  	[timem:s6], [sflag:s22] =	dma.local [hbm:s4], s20  }
0x9e: {  	_ =	swait.ge [sflag:s22], s20  }
0x9f: {  	s3 =	ssub.s32 $0x0, s20;
	[sflag:s22] =	ssyncset.done $0x0  }
0xa0: {  	[sflag:s22] =	ssyncadd.s32 s3;
	_ =	sdelay $0x1  }
0xa1: {  	s23 =	simm.s32 $0x1B8B  }
0xa2: {  	_ =	swait.ge [sflag:s23], $0x1  }
0xa3: {  	[sflag:s23] =	ssyncset.done $0x0  }
0xa4: {  	s25 =	simm.s32 $0x1B8E;
	s24 =	sld [smem:$0x3FFE];
	[sflag:s23] =	ssyncadd.s32 $0xFFFFFFFF  }
0xa5: {  	s26 =	simm.s32 $execute0_lowered;
	[smem:$0x3FD2] =	sst s25  }
0xa6: {  	s4 =	sshll.u32 s26, $0x1;
	_ =	strace $0x80000046;
	[dreg:$0x1] =	wrdreg $0xFFFFFFFF  }
0xa7: {  	s28 =	simm.s32 $_size_execute0_lowered;
	s2 =	sadd.s32 s2, s4;
	[dreg:$0x0] =	wrdreg $0x0  }
0xa8: {  	s4 =	sshll.u32 s28, $0x1;
	[dreg:$0x2] =	wrdreg s2  }
0xa9: {  	[dreg:$0x3] =	wrdreg s4  }
0xaa: {  	[dreg:$0x4] =	wrdreg $0xC0  }
0xab: {  	_ =	task [dreg:s6], $0x5FFFF  }
0xac: {  	[dreg:$0x1] =	wrdreg $0xFFFFFFFF  }
0xad: {  	[dreg:$0x0] =	wrdreg $0x60  }
0xae: {  	[dreg:$0x2] =	wrdreg s24  }
0xaf: {  	[dreg:$0x3] =	wrdreg $0x9  }
0xb0: {  	_ =	task.clear_ibuf [dreg:s6], $0x4FFFF;
	_ =	strace $0x90000046  }
0xb1: {  	s29 =	simm.s32 $0x9;
	_ =	strace $0x80000048  }
0xb2: {  	_ =	swait.ge [sflag:s29], $0x1  }
0xb3: {  	[sflag:s29] =	ssyncadd.s32 $0xFFFFFFFF  }
0xb4: {  	_ =	strace $0x90000048  }
0xb5: {  	_ =	sfence  }
0xb6: {  	s30 =	sld [smem:$0x0];
	_ =	sdelay $0x2  }
0xb7: {  	s31 =	sshll.u32 s1, $0xD;
	s1 =	sshrl.u32 s1, $0x2  }
0xb8: {  	s3 =	sand.u32 $0x4000, s31;
	s1 =	sadd.s32 s1, s30  }
0xb9: {  	s0 =	sor.u32 s3, s0;
	s1 =	sshll.u32 s1, $0x11  }
0xba: {  	s0 =	sor.u32 s1, s0  }
0xbb: {  	s0 =	sadd.s32 $0x8F2B, s0  }
0xbc: {  	[sflag:s0] =	ssyncadd.remote.s32 $0x1  }
0xbd: {  	_ =	sfence.sel $0xFFFF  }
0xbe: {  	[dreg:$0x0] =	wrdreg $0xFFFFFFFF;
	(pc) =	sbr.abs _section_cstart, $3  }
0xbf: {  	[dreg:$0x1] =	wrdreg $0xFFFFFFFF  }
0xc0: {  	_ =	task.clear_ibuf [dreg:s6], $0x2FFFF;
	_ =	strace $0x9FFFFFFF  }
0xc1: {  	(tm) =	ssettm $0x7FFFFFFF  }
tec
execute0_lowered:
.L_overlay_start_1:
0x0: {  	(tag) =	ssettag $0x1  }
0x1: {  	s0 =	rddreg [dreg:$0x0];
	s2 =	simm.s32 $0x0  }
0x2: {  	s1 =	srdreg.scid;
	s14 =	stileid.u32;
	s29 =	simm.s32 $0xC8  }
0x3: {  	s30 =	simm.s32 $0x13240;
	[smem:$0x7FF] =	sst s2;
	s1 =	sand.u32 $0x1, s1  }
0x4: {  	s4 =	sshll.u32 s14, $0xA;
	s3 =	sadd.s32 $0x64800, s0;
	s19 =	smul.u32 $0x6400, s14  }
0x5: {  	s6 =	sadd.s32 $0x800, s0;
	s22 =	smul.u32 $0x320000, s14;
	s5 =	sshll.u32 s1, $0x9  }
0x6: {  	s0 =	sadd.s32 $0x805A00, s0;
	s21 =	smul.u32 $0x3200, s1;
	s4 =	sor.u32 s5, s4  }
0x7: {  	s14 =	simm.s32 $0x40;
	s8 =	ssub.s32 $0x2, s1;
	s5 =	smul.u32 $0x19, s4  }
0x8: {  	_ =	strace $0x80000047;
	s11 =	sshrl.u32 s8, $0x1;
	s25 =	smul.u32 $0xC80, s4  }
0x9: {  	s7 =	sor.u32 $0x1, s4;
	s10 =	sor.u32 $0x2, s4;
	s13 =	sor.u32 $0x3, s4  }
0xa: {  	s8 =	ssub.s32 s8, s11;
	s9 =	smul.u32 $0x19, s7;
	s31 =	sadd.s32 s0, s25  }
0xb: {  	s12 =	smul.u32 $0x19, s10;
	s11 =	sadd.s32 s6, s5;
	[dreg:$0x7] =	wrdreg s31  }
0xc: {  	s23 =	smul.u32 $0x19, s13;
	s9 =	sadd.s32 s6, s9;
	[dreg:$0x2] =	wrdreg s11  }
0xd: {  	s1 =	smul.u32 $0x190000, s1;
	s24 =	sadd.s32 s6, s12;
	[dreg:$0x3] =	wrdreg s9  }
0xe: {  	s4 =	smul.u32 $0x6400, s4;
	s5 =	sadd.s32 s6, s23;
	[dreg:$0x4] =	wrdreg s24  }
0xf: {  	s28 =	smul.u32 $0xC80, s7;
	s26 =	sadd.s32 $0x64, s11;
	[dreg:$0x5] =	wrdreg s5  }
0x10: {  	s10 =	smul.u32 $0xC80, s10;
	s12 =	sadd.s32 $0x7D, s11;
	[dreg:$0x6] =	wrdreg s26  }
0x11: {  	s15 =	smul.u32 $0xC80, s13;
	s16 =	sadd.s32 $0xE1, s11;
	[dreg:$0x9] =	wrdreg s12  }
0x12: {  	s4 =	sshrl.u32 s4, $0x3;
	s17 =	sadd.s32 $0x96, s11;
	[dreg:$0xb] =	wrdreg s16  }
0x13: {  	s7 =	sadd.s32 s0, s10;
	s18 =	sadd.s32 $0xFA, s11;
	[dreg:$0xc] =	wrdreg s17  }
0x14: {  	s20 =	sadd.s32 $0xAF, s11;
	s6 =	sadd.s32 s19, s6;
	[dreg:$0xd] =	wrdreg s7  }
0x15: {  	s4 =	sadd.s32 s0, s4;
	s31 =	sadd.s32 $0x113, s11;
	[dreg:$0xe] =	wrdreg s18  }
0x16: {  	s10 =	simm.s32 $0xF;
	s9 =	sadd.s32 $0xC8, s11;
	[dreg:$0xf] =	wrdreg s20  }
0x17: {  	s5 =	sadd.s32 s0, s28;
	s19 =	sadd.s32 s21, s6;
	[dreg:$0x17] =	wrdreg s31  }
0x18: {  	s23 =	sadd.s32 $0x18CE00, s4;
	s24 =	sadd.s32 $0x18DA80, s4;
	[dreg:$0x8] =	wrdreg s9  }
0x19: {  	s25 =	sadd.s32 $0x18E700, s4;
	s26 =	sadd.s32 $0x18F380, s4;
	[dreg:$0xa] =	wrdreg s5  }
0x1a: {  	s28 =	smax.u32 s8, $0x1;
	s6 =	simm.s32 $0x16440;
	[dreg:$0x11] =	wrdreg s23  }
0x1b: {  	s12 =	simm.s32 $0x14;
	s16 =	simm.s32 $0x10;
	[dreg:$0x12] =	wrdreg s24  }
0x1c: {  	s18 =	simm.s32 $0x15;
	s21 =	simm.s32 $0x16;
	[dreg:$0x13] =	wrdreg s25  }
0x1d: {  	s7 =	simm.s32 $0x16440;
	s5 =	sadd.s32 s0, s15;
	[dreg:$0x14] =	wrdreg s26  }
.Ltmp0:
0x1e: {  	s0 =	sadd.s32 s22, s0;
	[dreg:$0x15] =	wrdreg s28;
	(pc) =	sbr.rel .LBB2_1-.Ltmp0, $4  }
0x1f: {  	s22 =	simm.s32 $0xCE40;
	s15 =	simm.s32 $0x80;
	s25 =	simm.s32 $0x10040  }
0x20: {  	s9 =	simm.s32 $0x13;
	s23 =	simm.s32 $0x17;
	s0 =	sadd.s32 s1, s0  }
0x21: {  	s26 =	simm.s32 $0x18;
	[dreg:$0x10] =	wrdreg s5;
	s0 =	sadd.s32 $0x4B00, s0  }
0x22: {  	s24 =	simm.s32 $0xCE40;
	[dreg:$0x16] =	wrdreg s0;
	s0 =	simm.s32 $0x0  }
.LBB2_4:
0x23: {  	s0 =	simm.s32 $0xD  }
0x24: {  	_ =	swait.ge [sflag:s0], $0x3200  }
0x25: {  	s22 =	simm.s32 $0xCE40;
	[sflag:s0] =	ssyncset.done $0x0  }
0x26: {  	s5 =	simm.s32 $0xE;
	s4 =	rddreg [dreg:$0x11];
	[sflag:s0] =	ssyncadd.s32 $0xFFFFCE00  }
0x27: {  	[hbm4b:s4+s14] =	stream.strided.scatter [tilespmem:s22], [sflag:$0x15], $0x3200, s15, s14, $0x38;
	[tilespmem:$0x19640] =	vst v63  }
0x28: {  	_ =	swait.ge [sflag:s5], $0x3200  }
0x29: {  	[sflag:s5] =	ssyncset.done $0x0  }
0x2a: {  	s8 =	rddreg [dreg:$0x12];
	[sflag:s5] =	ssyncadd.s32 $0xFFFFCE00  }
0x2b: {  	[hbm4b:s8+s14] =	stream.strided.scatter [tilespmem:s25], [sflag:$0x16], $0x3200, s15, s14, $0x38;
	[tilespmem:$0x19640] =	vst v63  }
0x2c: {  	_ =	swait.ge [sflag:s10], $0x3200  }
0x2d: {  	[sflag:s10] =	ssyncset.done $0x0  }
0x2e: {  	s11 =	rddreg [dreg:$0x13];
	[sflag:s10] =	ssyncadd.s32 $0xFFFFCE00  }
0x2f: {  	[hbm4b:s11+s14] =	stream.strided.scatter [tilespmem:s30], [sflag:$0x17], $0x3200, s15, s14, $0x38;
	[tilespmem:$0x19640] =	vst v63  }
0x30: {  	_ =	swait.ge [sflag:s16], $0x3200  }
0x31: {  	[sflag:s16] =	ssyncset.done $0x0  }
0x32: {  	s17 =	simm.s32 $0x11;
	s13 =	rddreg [dreg:$0x14];
	[sflag:s16] =	ssyncadd.s32 $0xFFFFCE00  }
0x33: {  	[hbm4b:s13+s14] =	stream.strided.scatter [tilespmem:s6], [sflag:$0x18], $0x3200, s15, s14, $0x38;
	[tilespmem:$0x19640] =	vst v63  }
0x34: {  	_ =	swait.ge [sflag:s17], $0x3200  }
0x35: {  	[sflag:s17] =	ssyncset.done $0x0  }
0x36: {  	s20 =	simm.s32 $0x12;
	[sflag:s17] =	ssyncadd.s32 $0xFFFFCE00  }
0x37: {  	_ =	swait.ge [sflag:s20], $0x3200  }
0x38: {  	[sflag:s20] =	ssyncset.done $0x0  }
0x39: {  	[sflag:s20] =	ssyncadd.s32 $0xFFFFCE00  }
0x3a: {  	_ =	swait.ge [sflag:s9], $0x3200  }
0x3b: {  	[sflag:s9] =	ssyncset.done $0x0  }
0x3c: {  	[sflag:s9] =	ssyncadd.s32 $0xFFFFCE00  }
0x3d: {  	_ =	swait.ge [sflag:s12], $0x3200  }
0x3e: {  	[sflag:s12] =	ssyncset.done $0x0  }
0x3f: {  	[sflag:s12] =	ssyncadd.s32 $0xFFFFCE00  }
0x40: {  	_ =	swait.ge [sflag:s18], $0x3200  }
0x41: {  	[sflag:s18] =	ssyncset.done $0x0  }
0x42: {  	[sflag:s18] =	ssyncadd.s32 $0xFFFFCE00  }
0x43: {  	_ =	swait.ge [sflag:s21], $0x3200  }
0x44: {  	[sflag:s21] =	ssyncset.done $0x0  }
0x45: {  	[sflag:s21] =	ssyncadd.s32 $0xFFFFCE00  }
0x46: {  	_ =	swait.ge [sflag:s23], $0x3200  }
0x47: {  	[sflag:s23] =	ssyncset.done $0x0  }
0x48: {  	[sflag:s23] =	ssyncadd.s32 $0xFFFFCE00  }
0x49: {  	_ =	swait.ge [sflag:s26], $0x3200  }
0x4a: {  	s28 =	rddreg [dreg:$0x18]  }
0x4b: {  	s31 =	rddreg [dreg:$0x15];
	s0 =	sadd.s32 $0x1, s28  }
0x4c: {  	p0 =	sne.s32 s0, s31  }
.Ltmp1:
0x4d: {  	_ = 	snop;
	(pc) =	sbr.rel @!p0 .LBB2_5-.Ltmp1, $3  }
0x4e: {  	_ =	sdelay $0x1  }
0x4f: {  	[sflag:s26] =	ssyncset.done $0x0  }
0x50: {  	[sflag:s26] =	ssyncadd.s32 $0xFFFFCE00  }
.LBB2_1:
0x51: {  	[dreg:$0x18] =	wrdreg s0  }
0x52: {  	s4 =	rddreg [dreg:$0x2];
	s5 =	simm.s32 $0x1  }
0x53: {  	[tilespmem:s2], [sflag:$0x1] =	stream.linear.gather [hbm4b:s4+s2], $0xC8, $0x38;
	[tilespmem:$0x19640] =	vst v63  }
0x54: {  	_ =	swait.ge [sflag:s5], $0xC8  }
0x55: {  	[sflag:s5] =	ssyncset.done $0x0  }
0x56: {  	[sflag:s5] =	ssyncadd.s32 $0xFFFFFF38;
	s5 =	simm.s32 $0x640  }
0x57: {  	[tilespmem:s5], [sflag:$0x9] =	stream.indirect.gather [hbm4b:s3+s29], $0x40, s2, s29, $0xb8;
	[tilespmem:$0x19640] =	vst v63  }
0x58: {  	s11 =	simm.s32 $0x2;
	s8 =	rddreg [dreg:$0x3]  }
0x59: {  	[tilespmem:s29], [sflag:$0x2] =	stream.linear.gather [hbm4b:s8+s2], $0xC8, $0x38;
	[tilespmem:$0x19640] =	vst v63  }
0x5a: {  	_ =	swait.ge [sflag:s11], $0xC8  }
0x5b: {  	[sflag:s11] =	ssyncset.done $0x0  }
0x5c: {  	s8 =	simm.s32 $0x3840;
	[sflag:s11] =	ssyncadd.s32 $0xFFFFFF38  }
0x5d: {  	[tilespmem:s8], [sflag:$0xA] =	stream.indirect.gather [hbm4b:s3+s29], $0x40, s29, s29, $0xb8;
	[tilespmem:$0x19640] =	vst v63  }
0x5e: {  	s17 =	simm.s32 $0x3;
	s13 =	rddreg [dreg:$0x4];
	s11 =	simm.s32 $0x190  }
0x5f: {  	[tilespmem:s11], [sflag:$0x3] =	stream.linear.gather [hbm4b:s13+s2], $0xC8, $0x38;
	[tilespmem:$0x19640] =	vst v63  }
0x60: {  	_ =	swait.ge [sflag:s17], $0xC8  }
0x61: {  	[sflag:s17] =	ssyncset.done $0x0  }
0x62: {  	s13 =	simm.s32 $0x6A40;
	[sflag:s17] =	ssyncadd.s32 $0xFFFFFF38  }
0x63: {  	[tilespmem:s13], [sflag:$0xB] =	stream.indirect.gather [hbm4b:s3+s29], $0x40, s11, s29, $0xb8;
	[tilespmem:$0x19640] =	vst v63  }
0x64: {  	s31 =	simm.s32 $0x4;
	s20 =	rddreg [dreg:$0x5];
	s17 =	simm.s32 $0x258  }
0x65: {  	[tilespmem:s17], [sflag:$0x4] =	stream.linear.gather [hbm4b:s20+s2], $0xC8, $0x38;
	[tilespmem:$0x19640] =	vst v63  }
0x66: {  	_ =	swait.ge [sflag:s31], $0xC8  }
0x67: {  	[sflag:s31] =	ssyncset.done $0x0  }
0x68: {  	s20 =	simm.s32 $0x9C40;
	[sflag:s31] =	ssyncadd.s32 $0xFFFFFF38  }
0x69: {  	[tilespmem:s20], [sflag:$0xC] =	stream.indirect.gather [hbm4b:s3+s29], $0x40, s17, s29, $0xb8;
	[tilespmem:$0x19640] =	vst v63  }
0x6a: {  	s1 =	simm.s32 $0x320;
	s0 =	rddreg [dreg:$0x6];
	s31 =	simm.s32 $0x5  }
0x6b: {  	[tilespmem:s1], [sflag:$0x5] =	stream.linear.gather [hbm4b:s0+s2], $0xC8, $0x38;
	[tilespmem:$0x19640] =	vst v63  }
0x6c: {  	_ =	swait.ge [sflag:s31], $0xC8  }
0x6d: {  	[sflag:s31] =	ssyncset.done $0x0  }
0x6e: {  	s0 =	simm.s32 $0x9;
	[sflag:s31] =	ssyncadd.s32 $0xFFFFFF38  }
0x6f: {  	[tilespmem:s22], [sflag:$0xD] =	stream.indirect.gather [hbm4b:s3+s29], $0x40, s1, s29, $0xb8;
	[tilespmem:$0x19640] =	vst v63  }
0x70: {  	_ =	swait.ge [sflag:s0], $0x3200  }
0x71: {  	[sflag:s0] =	ssyncset.done $0x0  }
0x72: {  	s1 =	rddreg [dreg:$0x7];
	[sflag:s0] =	ssyncadd.s32 $0xFFFFCE00  }
0x73: {  	[hbm4b:s1+s14] =	stream.strided.scatter [tilespmem:s5], [sflag:$0x11], $0x3200, s15, s14, $0x38;
	[tilespmem:$0x19640] =	vst v63  }
0x74: {  	s17 =	rddreg [dreg:$0x8]  }
0x75: {  	[tilespmem:s2], [sflag:$0x1] =	stream.linear.gather [hbm4b:s17+s2], $0xC8, $0x38;
	[tilespmem:$0x19640] =	vst v63  }
0x76: {  	s31 =	simm.s32 $0x3E8;
	s22 =	rddreg [dreg:$0x9];
	s0 =	simm.s32 $0x6  }
0x77: {  	[tilespmem:s31], [sflag:$0x6] =	stream.linear.gather [hbm4b:s22+s2], $0xC8, $0x38;
	[tilespmem:$0x19640] =	vst v63  }
0x78: {  	_ =	swait.ge [sflag:s0], $0xC8  }
0x79: {  	[sflag:s0] =	ssyncset.done $0x0  }
0x7a: {  	s1 =	simm.s32 $0xA;
	[sflag:s0] =	ssyncadd.s32 $0xFFFFFF38  }
0x7b: {  	[tilespmem:s25], [sflag:$0xE] =	stream.indirect.gather [hbm4b:s3+s29], $0x40, s31, s29, $0xb8;
	[tilespmem:$0x19640] =	vst v63  }
0x7c: {  	_ =	swait.ge [sflag:s1], $0x3200  }
0x7d: {  	[sflag:s1] =	ssyncset.done $0x0  }
0x7e: {  	[sflag:s1] =	ssyncadd.s32 $0xFFFFCE00;
	s1 =	rddreg [dreg:$0xa]  }
0x7f: {  	[hbm4b:s1+s14] =	stream.strided.scatter [tilespmem:s8], [sflag:$0x12], $0x3200, s15, s14, $0x38;
	[tilespmem:$0x19640] =	vst v63  }
0x80: {  	s5 =	rddreg [dreg:$0xb]  }
0x81: {  	[tilespmem:s29], [sflag:$0x2] =	stream.linear.gather [hbm4b:s5+s2], $0xC8, $0x38;
	[tilespmem:$0x19640] =	vst v63  }
0x82: {  	s17 =	simm.s32 $0x4B0;
	s22 =	simm.s32 $0x7;
	s8 =	rddreg [dreg:$0xc]  }
0x83: {  	[tilespmem:s17], [sflag:$0x7] =	stream.linear.gather [hbm4b:s8+s2], $0xC8, $0x38;
	[tilespmem:$0x19640] =	vst v63  }
0x84: {  	_ =	swait.ge [sflag:s22], $0xC8  }
0x85: {  	[sflag:s22] =	ssyncset.done $0x0  }
0x86: {  	s31 =	simm.s32 $0xB;
	[sflag:s22] =	ssyncadd.s32 $0xFFFFFF38  }
0x87: {  	[tilespmem:s30], [sflag:$0xF] =	stream.indirect.gather [hbm4b:s3+s29], $0x40, s17, s29, $0xb8;
	[tilespmem:$0x19640] =	vst v63  }
0x88: {  	_ =	swait.ge [sflag:s31], $0x3200  }
0x89: {  	[sflag:s31] =	ssyncset.done $0x0  }
0x8a: {  	s0 =	rddreg [dreg:$0xd];
	[sflag:s31] =	ssyncadd.s32 $0xFFFFCE00  }
0x8b: {  	[hbm4b:s0+s14] =	stream.strided.scatter [tilespmem:s13], [sflag:$0x13], $0x3200, s15, s14, $0x38;
	[tilespmem:$0x19640] =	vst v63  }
0x8c: {  	s1 =	rddreg [dreg:$0xe]  }
0x8d: {  	[tilespmem:s11], [sflag:$0x3] =	stream.linear.gather [hbm4b:s1+s2], $0xC8, $0x38;
	[tilespmem:$0x19640] =	vst v63  }
0x8e: {  	s8 =	simm.s32 $0x578;
	s5 =	rddreg [dreg:$0xf];
	s13 =	simm.s32 $0x8  }
0x8f: {  	[tilespmem:s8], [sflag:$0x8] =	stream.linear.gather [hbm4b:s5+s2], $0xC8, $0x38;
	[tilespmem:$0x19640] =	vst v63  }
0x90: {  	_ =	swait.ge [sflag:s13], $0xC8  }
0x91: {  	[sflag:s13] =	ssyncset.done $0x0  }
0x92: {  	s17 =	simm.s32 $0xC;
	[sflag:s13] =	ssyncadd.s32 $0xFFFFFF38  }
0x93: {  	[tilespmem:s6], [sflag:$0x10] =	stream.indirect.gather [hbm4b:s3+s29], $0x40, s8, s29, $0xb8;
	[tilespmem:$0x19640] =	vst v63  }
0x94: {  	_ =	swait.ge [sflag:s17], $0x3200  }
0x95: {  	[sflag:s17] =	ssyncset.done $0x0;
	s22 =	rddreg [dreg:$0x10]  }
0x96: {  	s31 =	rddreg [dreg:$0x17];
	[sflag:s17] =	ssyncadd.s32 $0xFFFFCE00  }
0x97: {  	[hbm4b:s22+s14] =	stream.strided.scatter [tilespmem:s20], [sflag:$0x14], $0x3200, s15, s14, $0x38;
	[tilespmem:$0x19640] =	vst v63  }
0x98: {  	s28 =	simm.s32 $0x0;
	s11 =	simm.s32 $0x258;
	s4 =	rddreg [dreg:$0x16]  }
0x99: {  	[tilespmem:s11], [sflag:$0x4] =	stream.linear.gather [hbm4b:s31+s2], $0xC8, $0x38;
	[tilespmem:$0x19640] =	vst v63  }
.LBB2_2:
0x9a: {  	s0 =	simm.s32 $0x11  }
0x9b: {  	_ =	swait.ge [sflag:s0], $0x3200  }
0x9c: {  	[sflag:s0] =	ssyncset.done $0x0  }
0x9d: {  	s5 =	simm.s32 $0x1;
	[sflag:s0] =	ssyncadd.s32 $0xFFFFCE00  }
0x9e: {  	_ =	swait.ge [sflag:s5], $0xC8  }
0x9f: {  	[sflag:s5] =	ssyncset.done $0x0  }
0xa0: {  	s8 =	simm.s32 $0x640;
	s22 =	simm.s32 $0xD;
	[sflag:s5] =	ssyncadd.s32 $0xFFFFFF38  }
0xa1: {  	[tilespmem:s8], [sflag:$0x9] =	stream.indirect.gather [hbm4b:s3+s29], $0x40, s2, s29, $0xb8;
	[tilespmem:$0x19640] =	vst v63  }
0xa2: {  	_ =	swait.ge [sflag:s22], $0x3200  }
0xa3: {  	[sflag:s22] =	ssyncset.done $0x0  }
0xa4: {  	s31 =	sadd.s32 $0xFFFFE700, s4;
	[sflag:s22] =	ssyncadd.s32 $0xFFFFCE00  }
0xa5: {  	[hbm4b:s31+s14] =	stream.strided.scatter [tilespmem:s24], [sflag:$0x15], $0x3200, s15, s14, $0x38;
	[tilespmem:$0x19640] =	vst v63  }
0xa6: {  	s31 =	sadd.s32 s28, s19  }
0xa7: {  	s20 =	simm.s32 $0x320;
	s13 =	simm.s32 $0x12;
	s1 =	sadd.s32 $0x12C, s31  }
0xa8: {  	[tilespmem:s20], [sflag:$0x5] =	stream.linear.gather [hbm4b:s1+s2], $0xC8, $0x38;
	[tilespmem:$0x19640] =	vst v63  }
0xa9: {  	_ =	swait.ge [sflag:s13], $0x3200  }
0xaa: {  	[sflag:s13] =	ssyncset.done $0x0  }
0xab: {  	s17 =	simm.s32 $0x2;
	[sflag:s13] =	ssyncadd.s32 $0xFFFFCE00  }
0xac: {  	_ =	swait.ge [sflag:s17], $0xC8  }
0xad: {  	[sflag:s17] =	ssyncset.done $0x0  }
0xae: {  	s22 =	simm.s32 $0xE;
	s13 =	simm.s32 $0x3840;
	[sflag:s17] =	ssyncadd.s32 $0xFFFFFF38  }
0xaf: {  	[tilespmem:s13], [sflag:$0xA] =	stream.indirect.gather [hbm4b:s3+s29], $0x40, s29, s29, $0xb8;
	[tilespmem:$0x19640] =	vst v63  }
0xb0: {  	_ =	swait.ge [sflag:s22], $0x3200  }
0xb1: {  	[sflag:s22] =	ssyncset.done $0x0  }
0xb2: {  	s1 =	sadd.s32 $0xFFFFF380, s4;
	[sflag:s22] =	ssyncadd.s32 $0xFFFFCE00  }
0xb3: {  	[hbm4b:s1+s14] =	stream.strided.scatter [tilespmem:s25], [sflag:$0x16], $0x3200, s15, s14, $0x38;
	[tilespmem:$0x19640] =	vst v63  }
0xb4: {  	s17 =	sadd.s32 $0x145, s31;
	s25 =	simm.s32 $0x3E8  }
0xb5: {  	[tilespmem:s25], [sflag:$0x6] =	stream.linear.gather [hbm4b:s17+s2], $0xC8, $0x38;
	[tilespmem:$0x19640] =	vst v63  }
0xb6: {  	_ =	swait.ge [sflag:s9], $0x3200  }
0xb7: {  	[sflag:s9] =	ssyncset.done $0x0  }
0xb8: {  	s22 =	simm.s32 $0x3;
	[sflag:s9] =	ssyncadd.s32 $0xFFFFCE00  }
0xb9: {  	_ =	swait.ge [sflag:s22], $0xC8  }
0xba: {  	[sflag:s22] =	ssyncset.done $0x0  }
0xbb: {  	s0 =	simm.s32 $0x190;
	s17 =	simm.s32 $0x6A40;
	[sflag:s22] =	ssyncadd.s32 $0xFFFFFF38  }
0xbc: {  	[tilespmem:s17], [sflag:$0xB] =	stream.indirect.gather [hbm4b:s3+s29], $0x40, s0, s29, $0xb8;
	[tilespmem:$0x19640] =	vst v63  }
0xbd: {  	_ =	swait.ge [sflag:s10], $0x3200  }
0xbe: {  	[sflag:s10] =	ssyncset.done $0x0  }
0xbf: {  	[sflag:s10] =	ssyncadd.s32 $0xFFFFCE00  }
0xc0: {  	[hbm4b:s4+s14] =	stream.strided.scatter [tilespmem:s30], [sflag:$0x17], $0x3200, s15, s14, $0x38;
	[tilespmem:$0x19640] =	vst v63  }
0xc1: {  	s22 =	sadd.s32 $0x15E, s31;
	s30 =	simm.s32 $0x4B0  }
0xc2: {  	[tilespmem:s30], [sflag:$0x7] =	stream.linear.gather [hbm4b:s22+s2], $0xC8, $0x38;
	[tilespmem:$0x19640] =	vst v63  }
0xc3: {  	_ =	swait.ge [sflag:s12], $0x3200  }
0xc4: {  	[sflag:s12] =	ssyncset.done $0x0  }
0xc5: {  	s22 =	simm.s32 $0x4;
	[sflag:s12] =	ssyncadd.s32 $0xFFFFCE00  }
0xc6: {  	_ =	swait.ge [sflag:s22], $0xC8  }
0xc7: {  	[sflag:s22] =	ssyncset.done $0x0  }
0xc8: {  	[sflag:s22] =	ssyncadd.s32 $0xFFFFFF38;
	s22 =	simm.s32 $0x9C40  }
0xc9: {  	[tilespmem:s22], [sflag:$0xC] =	stream.indirect.gather [hbm4b:s3+s29], $0x40, s11, s29, $0xb8;
	[tilespmem:$0x19640] =	vst v63  }
0xca: {  	_ =	swait.ge [sflag:s16], $0x3200  }
0xcb: {  	[sflag:s16] =	ssyncset.done $0x0  }
0xcc: {  	s11 =	sadd.s32 $0xC80, s4;
	[sflag:s16] =	ssyncadd.s32 $0xFFFFCE00  }
0xcd: {  	[hbm4b:s11+s14] =	stream.strided.scatter [tilespmem:s6], [sflag:$0x18], $0x3200, s15, s14, $0x38;
	[tilespmem:$0x19640] =	vst v63  }
0xce: {  	s11 =	sadd.s32 $0x177, s31;
	s6 =	simm.s32 $0x578  }
0xcf: {  	[tilespmem:s6], [sflag:$0x8] =	stream.linear.gather [hbm4b:s11+s2], $0xC8, $0x38;
	[tilespmem:$0x19640] =	vst v63  }
0xd0: {  	_ =	swait.ge [sflag:s18], $0x3200  }
0xd1: {  	[sflag:s18] =	ssyncset.done $0x0  }
0xd2: {  	s11 =	simm.s32 $0x5;
	[sflag:s18] =	ssyncadd.s32 $0xFFFFCE00  }
0xd3: {  	_ =	swait.ge [sflag:s11], $0xC8  }
0xd4: {  	[sflag:s11] =	ssyncset.done $0x0  }
0xd5: {  	[sflag:s11] =	ssyncadd.s32 $0xFFFFFF38;
	s11 =	simm.s32 $0x9  }
0xd6: {  	[tilespmem:s24], [sflag:$0xD] =	stream.indirect.gather [hbm4b:s3+s29], $0x40, s20, s29, $0xb8;
	[tilespmem:$0x19640] =	vst v63  }
0xd7: {  	_ =	swait.ge [sflag:s11], $0x3200  }
0xd8: {  	p0 =	seq.s32 s28, $0x3070;
	[sflag:s11] =	ssyncset.done $0x0  }
0xd9: {  	s5 =	sadd.s32 @!p0 s28, s19;
	s20 =	sadd.s32 $0x1900, s4;
	[sflag:s11] =	ssyncadd.s32 $0xFFFFCE00  }
0xda: {  	[hbm4b:s20+s14] =	stream.strided.scatter [tilespmem:s8], [sflag:$0x11], $0x3200, s15, s14, $0x38;
	[tilespmem:$0x19640] =	vst v63  }
0xdb: {  	s11 =	simm.s32 @!p0 $0x0;
	s8 =	sadd.s32 @!p0 $0x190, s5  }
0xdc: {  	[tilespmem:s11], [sflag:$0x1] =	stream.linear.gather @!p0 [hbm4b:s8+s11], $0xC8, $0x38;
	[tilespmem:$0x19640] =	vst v63  }
0xdd: {  	_ =	swait.ge [sflag:s21], $0x3200  }
0xde: {  	[sflag:s21] =	ssyncset.done $0x0  }
0xdf: {  	s8 =	simm.s32 $0x6;
	[sflag:s21] =	ssyncadd.s32 $0xFFFFCE00  }
0xe0: {  	_ =	swait.ge [sflag:s8], $0xC8  }
0xe1: {  	[sflag:s8] =	ssyncset.done $0x0  }
0xe2: {  	s1 =	simm.s32 $0x10040;
	[sflag:s8] =	ssyncadd.s32 $0xFFFFFF38;
	s8 =	simm.s32 $0xA  }
0xe3: {  	[tilespmem:s1], [sflag:$0xE] =	stream.indirect.gather [hbm4b:s3+s29], $0x40, s25, s29, $0xb8;
	[tilespmem:$0x19640] =	vst v63  }
0xe4: {  	_ =	swait.ge [sflag:s8], $0x3200  }
0xe5: {  	[sflag:s8] =	ssyncset.done $0x0  }
0xe6: {  	s1 =	sadd.s32 $0x2580, s4;
	[sflag:s8] =	ssyncadd.s32 $0xFFFFCE00  }
0xe7: {  	[hbm4b:s1+s14] =	stream.strided.scatter [tilespmem:s13], [sflag:$0x12], $0x3200, s15, s14, $0x38;
	[tilespmem:$0x19640] =	vst v63  }
0xe8: {  	s8 =	sadd.s32 @!p0 $0x1A9, s5;
	s13 =	simm.s32 @!p0 $0xC8  }
0xe9: {  	[tilespmem:s13], [sflag:$0x2] =	stream.linear.gather @!p0 [hbm4b:s8+s11], $0xC8, $0x38;
	[tilespmem:$0x19640] =	vst v63  }
0xea: {  	_ =	swait.ge [sflag:s23], $0x3200  }
0xeb: {  	[sflag:s23] =	ssyncset.done $0x0  }
0xec: {  	s8 =	simm.s32 $0x7;
	[sflag:s23] =	ssyncadd.s32 $0xFFFFCE00  }
0xed: {  	_ =	swait.ge [sflag:s8], $0xC8  }
0xee: {  	[sflag:s8] =	ssyncset.done $0x0  }
0xef: {  	s0 =	simm.s32 $0x13240;
	s13 =	simm.s32 $0xB;
	[sflag:s8] =	ssyncadd.s32 $0xFFFFFF38  }
0xf0: {  	[tilespmem:s0], [sflag:$0xF] =	stream.indirect.gather [hbm4b:s3+s29], $0x40, s30, s29, $0xb8;
	[tilespmem:$0x19640] =	vst v63  }
0xf1: {  	_ =	swait.ge [sflag:s13], $0x3200  }
0xf2: {  	[sflag:s13] =	ssyncset.done $0x0  }
0xf3: {  	s1 =	sadd.s32 $0x3200, s4;
	[sflag:s13] =	ssyncadd.s32 $0xFFFFCE00  }
0xf4: {  	[hbm4b:s1+s14] =	stream.strided.scatter [tilespmem:s17], [sflag:$0x13], $0x3200, s15, s14, $0x38;
	[tilespmem:$0x19640] =	vst v63  }
0xf5: {  	s5 =	sadd.s32 @!p0 $0x1C2, s5;
	s8 =	simm.s32 @!p0 $0x190  }
0xf6: {  	[tilespmem:s8], [sflag:$0x3] =	stream.linear.gather @!p0 [hbm4b:s5+s11], $0xC8, $0x38;
	[tilespmem:$0x19640] =	vst v63  }
0xf7: {  	_ =	swait.ge [sflag:s26], $0x3200  }
0xf8: {  	[sflag:s26] =	ssyncset.done $0x0  }
0xf9: {  	s11 =	simm.s32 $0x8;
	[sflag:s26] =	ssyncadd.s32 $0xFFFFCE00  }
0xfa: {  	_ =	swait.ge [sflag:s11], $0xC8  }
0xfb: {  	[sflag:s11] =	ssyncset.done $0x0  }
0xfc: {  	[sflag:s11] =	ssyncadd.s32 $0xFFFFFF38  }
0xfd: {  	[tilespmem:s7], [sflag:$0x10] =	stream.indirect.gather [hbm4b:s3+s29], $0x40, s6, s29, $0xb8;
	[tilespmem:$0x19640] =	vst v63  }
.Ltmp2:
0xfe: {  	s13 =	simm.s32 $0xC;
	(pc) =	sbr.rel @p0 .LBB2_4-.Ltmp2, $4  }
0xff: {  	s20 =	simm.s32 $0x258;
	_ =	swait.ge [sflag:s13], $0x3200  }
0x100: {  	s25 =	simm.s32 $0x10040;
	s30 =	simm.s32 $0x13240;
	[sflag:s13] =	ssyncset.done $0x0  }
0x101: {  	s17 =	sadd.s32 $0x3E80, s4;
	s6 =	simm.s32 $0x16440;
	[sflag:s13] =	ssyncadd.s32 $0xFFFFCE00  }
0x102: {  	[hbm4b:s17+s14] =	stream.strided.scatter [tilespmem:s22], [sflag:$0x14], $0x3200, s15, s14, $0x38;
	[tilespmem:$0x19640] =	vst v63  }
.Ltmp3:
0x103: {  	(pc) =	sbr.rel .LBB2_2-.Ltmp3, $4  }
0x104: {  	_ = 	snop  }
0x105: {  	s5 =	sadd.s32 $0x1DB, s31  }
0x106: {  	s28 =	sadd.s32 $0xC8, s28;
	s4 =	sadd.s32 $0x6400, s4;
	s11 =	simm.s32 $0x258  }
0x107: {  	[tilespmem:s20], [sflag:$0x4] =	stream.linear.gather [hbm4b:s5+s2], $0xC8, $0x38;
	[tilespmem:$0x19640] =	vst v63  }
.LBB2_5:
0x108: {  	_ =	sfence.sel $0x180000  }
0x109: {  	[bflag:$0x0] =	sbarrier.arrive $0xFFFF  }
0x10a: {  	_ =	strace $0x90000047  }
0x10b: {  	s0 =	stileid.u32;
	[bflag:$0x2] =	sbarrier.arrive $0xFFFF  }
0x10c: {  	p0 =	sne.s32 s0, $0x0;
	s0 =	rddreg [dreg:$0x1]  }
0x10d: {  	s0 =	sadd.s32 @!p0 $0x100000, s0  }
0x10e: {  	[sflag:s0] =	ssyncadd.tile.s32 @!p0 $0x1;
	_ =	shalt  }
.Lfunc_end2:
_tile_overlayer_lowered:
.L_overlay_start_2:
0x10f: {  	(tag) =	ssettag $0x2  }
0x110: {  	s0 =	rddreg [dreg:$0x0];
	s2 =	stileid.u32  }
0x111: {  	s1 =	rddreg [dreg:$0x1];
	p0 =	sne.s32 s2, $0x0  }
0x112: {  	s3 =	rddreg [dreg:$0x2];
	[bflag:$0x3] =	sbarrier.arrive $0xFFFF;
	s2 =	simm.s32 @!p0 $0x1C19  }
0x113: {  	[timem:s3], [sflag:s2] =	dma.local @!p0 [hbm:s0], s1  }
0x114: {  	s0 =	simm.s32 @!p0 $0x19  }
0x115: {  	_ =	swait.ge @!p0 [sflag:s0], s1  }
0x116: {  	s1 =	ssub.s32 @!p0 $0x0, s1;
	[sflag:s0] =	ssyncset.done @!p0 $0x0  }
0x117: {  	[sflag:s0] =	ssyncadd.s32 @!p0 s1  }
0x118: {  	[bflag:$0x3] =	sbarrier.arrive $0xFFFF  }
0x119: {  	_ =	shalt  }

// kernel: sparse-core-data-format-call.cloned.1.call-start
scs
called_computation_lowered:
.L_overlay_start_0:
0x0: {  	s2 =	sld [smem:$0x3FD9]  }
0x1: {  	s3 =	sld [smem:$0x3FFE];
	_ =	sdelay $0x1  }
0x2: {  	s1 =	srdreg.scid  }
0x3: {  	s0 =	sand.u32 $0x1, s1  }
0x4: {  	s18 =	sshll.u32 s0, $0xA;
	s2 =	sadd.s32 s3, s2  }
0x5: {  	s2 =	sadd.s32 s2, s18  }
0x6: {  	[smem:$0x3FC6] =	sst s2  }
0x7: {  	_ = 	snop  }
0x8: {  	s2 =	sld [smem:$0x3FD0];
	(tm) =	ssettm $0x1  }
0x9: {  	s19 =	sld [smem:$0x3FFB];
	_ =	sdelay $0x3  }
0xa: {  	_ =	strace s19  }
0xb: {  	s3 =	sld [smem:$0x3FFC];
	_ =	sdelay $0x3  }
0xc: {  	_ =	strace s3  }
0xd: {  	s3 =	sld [smem:$0x3FFD];
	_ =	sdelay $0x3  }
0xe: {  	_ =	strace s3  }
0xf: {  	_ =	strace $0x8FFFFFFF  }
0x10: {  	s20 =	sld [smem:$0x3FDB];
	_ =	sdelay $0x1  }
0x11: {  	s4 =	simm.s32 $_scs_section_size  }
0x12: {  	s5 =	simm.s32 $_size__tile_overlayer_lowered;
	s6 =	simm.s32 $_tile_overlayer_lowered  }
0x13: {  	s23 =	simm.s32 $0x1BFF;
	s22 =	sshll.u32 s6, $0x1;
	s3 =	sadd.s32 s4, s20  }
0x14: {  	s7 =	simm.s32 $0x0;
	s21 =	sshll.u32 s5, $0x1;
	s5 =	sadd.s32 s22, s3  }
0x15: {  	[timem:s7], [sflag:s23] =	dma.local [hbm:s5], s21  }
0x16: {  	_ =	swait.ge [sflag:s23], s21  }
0x17: {  	s4 =	ssub.s32 $0x0, s21;
	[sflag:s23] =	ssyncset.done $0x0  }
0x18: {  	[sflag:s23] =	ssyncadd.s32 s4;
	_ =	sdelay $0x1  }
0x19: {  	s24 =	simm.s32 $0x1B8B  }
0x1a: {  	_ =	swait.ge [sflag:s24], $0x1  }
0x1b: {  	[sflag:s24] =	ssyncset.done $0x0  }
0x1c: {  	s26 =	simm.s32 $0x1B8E;
	s25 =	sld [smem:$0x3FFE];
	[sflag:s24] =	ssyncadd.s32 $0xFFFFFFFF  }
0x1d: {  	s27 =	simm.s32 $execute0_lowered;
	[smem:$0x3FD2] =	sst s26  }
0x1e: {  	s5 =	sshll.u32 s27, $0x1;
	_ =	strace $0x80000049;
	[dreg:$0x1] =	wrdreg $0xFFFFFFFF  }
0x1f: {  	s28 =	simm.s32 $_size_execute0_lowered;
	s3 =	sadd.s32 s3, s5;
	[dreg:$0x0] =	wrdreg $0x0  }
0x20: {  	s5 =	sshll.u32 s28, $0x1;
	[dreg:$0x2] =	wrdreg s3  }
0x21: {  	[dreg:$0x3] =	wrdreg s5  }
0x22: {  	[dreg:$0x4] =	wrdreg $0xC0  }
0x23: {  	_ =	task [dreg:s7], $0x5FFFF  }
0x24: {  	[dreg:$0x1] =	wrdreg $0xFFFFFFFF  }
0x25: {  	[dreg:$0x0] =	wrdreg $0x60  }
0x26: {  	[dreg:$0x2] =	wrdreg s25  }
0x27: {  	[dreg:$0x3] =	wrdreg s2  }
0x28: {  	[dreg:$0x4] =	wrdreg $0x9  }
0x29: {  	_ =	task.clear_ibuf [dreg:s7], $0x5FFFF;
	_ =	strace $0x90000049  }
0x2a: {  	s29 =	simm.s32 $0x9;
	_ =	strace $0x8000004B  }
0x2b: {  	_ =	swait.ge [sflag:s29], $0x1  }
0x2c: {  	[sflag:s29] =	ssyncadd.s32 $0xFFFFFFFF  }
0x2d: {  	_ =	strace $0x9000004B  }
0x2e: {  	_ =	sfence  }
0x2f: {  	s30 =	sld [smem:$0x0];
	_ =	sdelay $0x2  }
0x30: {  	s31 =	sshll.u32 s1, $0xD;
	s1 =	sshrl.u32 s1, $0x2  }
0x31: {  	s3 =	sand.u32 $0x4000, s31;
	s1 =	sadd.s32 s1, s30  }
0x32: {  	s0 =	sor.u32 s3, s0;
	s1 =	sshll.u32 s1, $0x11  }
0x33: {  	s0 =	sor.u32 s1, s0  }
0x34: {  	s0 =	sadd.s32 $0x8F2B, s0  }
0x35: {  	[sflag:s0] =	ssyncadd.remote.s32 $0x1  }
0x36: {  	_ =	sfence.sel $0xFFFF  }
0x37: {  	[dreg:$0x0] =	wrdreg $0xFFFFFFFF;
	(pc) =	sbr.abs _section_cstart, $3  }
0x38: {  	[dreg:$0x1] =	wrdreg $0xFFFFFFFF  }
0x39: {  	_ =	task.clear_ibuf [dreg:s7], $0x2FFFF;
	_ =	strace $0x9FFFFFFF  }
0x3a: {  	(tm) =	ssettm $0x7FFFFFFF  }
0x3b: {  	_ =	shalt  }
tec
execute0_lowered:
.L_overlay_start_1:
0x0: {  	(tag) =	ssettag $0x1  }
0x1: {  	s0 =	srdreg.scid  }
0x2: {  	s1 =	sshll.u32 s0, $0x4  }
0x3: {  	s0 =	stileid.u32;
	s1 =	sand.u32 $0x10, s1  }
0x4: {  	s1 =	sor.u32 s0, s1  }
0x5: {  	s6 =	rddreg [dreg:$0x0];
	s4 =	simm.s32 $0x1;
	s2 =	sshll.u32 s1, $0x7  }
0x6: {  	s7 =	simm.s32 $0x2;
	s12 =	simm.s32 $0x0;
	s1 =	ssub.s32 $0x4000, s2  }
0x7: {  	s8 =	simm.s32 $0x20000;
	s13 =	simm.s32 $0x0;
	s3 =	sand.u32 $0xF80, s1  }
0x8: {  	s9 =	simm.s32 $0x0;
	s5 =	sshrl.u32 s1, $0xC;
	p0 =	sne.s32 s3, $0x0  }
.Ltmp0:
0x9: {  	s1 =	rddreg [dreg:$0x2];
	s4 =	simm.s32 @!p0 $0x0;
	(pc) =	sbr.rel .LBB1_1-.Ltmp0, $4  }
0xa: {  	s11 =	simm.s32 $0x0;
	s3 =	rddreg [dreg:$0x1];
	s5 =	sadd.s32 s4, s5  }
0xb: {  	_ =	strace $0x8000004A;
	s4 =	simm.s32 $0x1;
	s5 =	smul.u32 $0xC8, s5  }
0xc: {  	s6 =	sadd.s32 $0x805A00, s6;
	s10 =	smov.u32 s2;
	[sflag:s4] =	ssyncpa.u1 $0x0  }
0xd: {  	p0 =	por $0x0, $0x0;
	[sflag:s7] =	ssyncpa.u1 $0x0;
	s7 =	sor.u32 $0x1, s5  }
.LBB1_4:
0xe: {  	s16 =	sshll.u32 s13, $0x3;
	s17 =	sand.u32 $0x78, s13  }
0xf: {  	s30 =	sand.u32 $0x1F800, s13;
	s12 =	sshll.u32 s12, $0x11;
	s16 =	sand.u32 $0x3C00, s16  }
0x10: {  	[tilespmem:s15+$0x810 ss:$0x81] =	vst.msk $0xffff, v2;
	s31 =	sand.u32 $0x7, s13;
	s16 =	sor.u32 s17, s16;
	s17 =	sadd.s32 s3, s30  }
0x11: {  	[tilespmem:s15+$0x1020 ss:$0x81] =	vst.msk $0xffff, v0;
	s13 =	sshll.u32 s31, $0x12;
	s12 =	sadd.s32 s12, s17;
	s16 =	sshrl.u32 s16, $0x3  }
0x12: {  	[tilespmem:s15+$0x0 ss:$0x81] =	vst.msk $0xffff, v1;
	s13 =	sor.u32 $0x400, s13;
	s12 =	sadd.s32 s16, s12  }
0x13: {  	[hbm4b:s12+s13] =	stream.strided.scatter [tilespmem:s14], [sflag:$0x2], $0x2000, s8, s13, $0x20;
	[tilespmem:$0x8080] =	vst v63  }
.LBB1_5:
0x14: {  	s14 =	sadd.s32 $0x1, s9  }
0x15: {  	s12 =	sadd.s32 $0x1000, s10;
	s16 =	smov.u32 s10;
	p2 =	sgt.s32 s14, $0xC7  }
0x16: {  	s16 =	smov.u32 @p2 s12  }
0x17: {  	s14 =	simm.s32 @p2 $0x0;
	p2 =	sgt.s32 s16, $0x3FFF  }
0x18: {  	s16 =	smov.u32 @p2 s2;
	p2 =	sne.s32 s11, s7  }
.Ltmp1:
0x19: {  	p1 =	slt.u32 s11, $0x2;
	(pc) =	sbr.rel @!p2 .LBB1_6-.Ltmp1, $4  }
0x1a: {  	s15 =	simm.s32 @!p1 $0x2  }
0x1b: {  	s13 =	smov.u32 s10;
	p0 =	por !p0, !p0;
	_ =	swait.ge @!p1 [sflag:s15], $0x2000  }
0x1c: {  	s12 =	smov.u32 s9;
	[sflag:s15] =	ssyncset.done @!p1 $0x0;
	s9 =	smov.u32 s14  }
0x1d: {  	s11 =	sadd.s32 $0x1, s11;
	[sflag:s15] =	ssyncadd.s32 @!p1 $0xFFFFE000;
	s10 =	smov.u32 s16  }
.LBB1_1:
0x1e: {  	p1 =	sge.u32 s11, s5  }
0x1f: {  	s14 =	sand.u32 @!p1 $0x1FFFFFF, s9  }
0x20: {  	s15 =	smulhi.u32 @!p1 $0x147AE15, s14;
	_ =	sdelay $0x1  }
0x21: {  	s15 =	smul.u32 @!p1 $0xC8, s15  }
0x22: {  	s16 =	sxor.u32 @!p1 $0xFFFFFFFF, s11;
	s17 =	smul.u32 @!p1 $0xC80, s10  }
0x23: {  	s31 =	sadd.s32 $0xFFFFFFFF, s11;
	s16 =	sshll.u32 @!p1 s16, $0xD;
	s14 =	ssub.s32 @!p1 s14, s15  }
0x24: {  	s15 =	sand.u32 @!p1 $0x2000, s16;
	s16 =	sadd.s32 @!p1 s6, s17;
	s14 =	sshll.u32 @!p1 s14, $0x4  }
0x25: {  	s17 =	simm.s32 @!p1 $0x6400;
	s14 =	sadd.s32 @!p1 s14, s16;
	s16 =	simm.s32 @!p1 $0x40  }
0x26: {  	[tilespmem:s15], [sflag:$0x1] =	stream.strided.gather @!p1 [hbm4b:s14+s16], $0x2000, s17, s16, $0x38;
	[tilespmem:$0x8080] =	vst v63  }
0x27: {  	p1 =	sge.u32 s31, s5  }
.Ltmp2:
0x28: {  	_ = 	snop;
	(pc) =	sbr.rel @p1 .LBB1_5-.Ltmp2, $1  }
0x29: {  	_ =	sdelay $0x3  }
0x2a: {  	s14 =	simm.s32 $0x1  }
0x2b: {  	_ =	swait.ge [sflag:s4], $0x2000;
	s14 =	simm.s32 @!p0 $0x0  }
0x2c: {  	[sflag:s4] =	ssyncset.done $0x0;
	s15 =	sshll.u32 s14, $0xD  }
0x2d: {  	[sflag:s4] =	ssyncadd.s32 $0xFFFFE000;
	s18 =	sor.u32 $0x20, s15  }
0x2e: {  	s14 =	smul.u32 $0x8100, s14;
	v3 =	vld [tilespmem:s18+$0x10]  }
0x2f: {  	s30 =	sand.u32 $0x1, s11;
	v2 =	vld [tilespmem:s18+$0xFFFFFFF0]  }
0x30: {  	s15 =	smul.u32 $0x8100, s30;
	s14 =	sshrl.u32 s14, $0x2;
	v0 =	vld [tilespmem:s18+$0x0]  }
0x31: {  	v1 =	vld [tilespmem:s18+$0xFFFFFFE0];
	s16 =	sor.u32 $0x4000, s14  }
0x32: {  	s31 =	sshrl.u32 s15, $0x2;
	s15 =	sadd.s32 $0x0, s16  }
0x33: {  	s17 =	simm.s32 $0x4;
	s18 =	sadd.s32 $0x40, s18;
	s14 =	sor.u32 $0x4000, s31;
	[tilespmem:s15+$0x1830 ss:$0x81] =	vst.msk $0xffff, v3  }
.LBB1_3:
0x34: {  	v3 =	vld [tilespmem:s18+$0x10];
	p1 =	sne.s32 s17, $0x1FC;
	[tilespmem:s15+$0x810 ss:$0x81] =	vst.msk $0xffff, v2;
	s19 =	smov.u32 s17;
	s17 =	sadd.s32 $0x4, s17  }
.Ltmp3:
0x35: {  	v2 =	vld [tilespmem:s18+$0xFFFFFFF0];
	[tilespmem:s15+$0x1020 ss:$0x81] =	vst.msk $0xffff, v0;
	(pc) =	sbr.rel @p1 .LBB1_3-.Ltmp3, $4  }
0x36: {  	v0 =	vld [tilespmem:s18+$0x0];
	[tilespmem:s15+$0x0 ss:$0x81] =	vst.msk $0xffff, v1  }
0x37: {  	s15 =	sshra.s32 s19, $0x2;
	v1 =	vld [tilespmem:s18+$0xFFFFFFE0]  }
0x38: {  	s15 =	sadd.s32 s15, s16  }
0x39: {  	s18 =	sadd.s32 $0x40, s18;
	[tilespmem:s15+$0x1830 ss:$0x81] =	vst.msk $0xffff, v3  }
.Ltmp4:
0x3a: {  	_ = 	snop;
	(pc) =	sbr.rel .LBB1_4-.Ltmp4, $1  }
0x3b: {  	_ =	sdelay $0x3  }
.LBB1_6:
0x3c: {  	_ =	sfence.sel $0x180000  }
0x3d: {  	s2 =	simm.s32 $0x1;
	[bflag:$0x0] =	sbarrier.arrive $0xFFFF  }
0x3e: {  	s31 =	simm.s32 $0x2;
	[sflag:s2] =	ssyncpa.u1 $0x1  }
0x3f: {  	[sflag:s31] =	ssyncpa.u1 $0x1  }
0x40: {  	p0 =	sne.s32 s0, $0x0;
	_ =	strace $0x9000004A  }
0x41: {  	s0 =	sadd.s32 @!p0 $0x100000, s1;
	[bflag:$0x2] =	sbarrier.arrive $0xFFFF  }
0x42: {  	[sflag:s0] =	ssyncadd.tile.s32 @!p0 $0x1;
	_ =	shalt  }
.Lfunc_end1:
_tile_overlayer_lowered:
.L_overlay_start_2:
0x43: {  	(tag) =	ssettag $0x2  }
0x44: {  	s0 =	rddreg [dreg:$0x0];
	s2 =	stileid.u32  }
0x45: {  	s1 =	rddreg [dreg:$0x1];
	p0 =	sne.s32 s2, $0x0  }
0x46: {  	s3 =	rddreg [dreg:$0x2];
	[bflag:$0x3] =	sbarrier.arrive $0xFFFF;
	s2 =	simm.s32 @!p0 $0x1C01  }
0x47: {  	[timem:s3], [sflag:s2] =	dma.local @!p0 [hbm:s0], s1  }
0x48: {  	s0 =	simm.s32 @!p0 $0x1  }
0x49: {  	_ =	swait.ge @!p0 [sflag:s0], s1  }
0x4a: {  	s1 =	ssub.s32 @!p0 $0x0, s1;
	[sflag:s0] =	ssyncset.done @!p0 $0x0  }
0x4b: {  	[sflag:s0] =	ssyncadd.s32 @!p0 s1  }
0x4c: {  	[bflag:$0x3] =	sbarrier.arrive $0xFFFF  }
0x4d: {  	_ =	shalt  }

</sc_bundles>
